<compile_context>
chip_gen: v7x
topology: tpu7x:2x2x1
jax: 0.10.2.dev20260603
libtpu: 0.0.44.dev20260713+nightly
codegen_flags: <defaults>
</compile_context>

<pallas_src>
import functools

import jax
import jax.numpy as jnp
from jax import lax
from jax.experimental import pallas as pl
from jax.experimental.pallas import tpu as pltpu
from jax.experimental.pallas import tpu_sc as plsc

N = 10000
E = 320000
G = 64
F_IN = 128
H = 32
N_MICRO = 30

NC = 2
NS = 16
NW = NC * NS
CH = 128
EQ = E // CH
NCHF = EQ // NW
NREM = EQ - NCHF * NW
NCH = NCHF + 1
NBUF = 4
NP = 10112
RPT = NP // NS
NPP = NP // 4
RPP = RPT // 4
NQ = N // 4

_mesh = plsc.VectorSubcoreMesh(
    core_axis_name="c", subcore_axis_name="s", num_cores=NC, num_subcores=NS)
_sc_params = pltpu.CompilerParams(use_tc_tiling_on_sc=False)



@functools.partial(
    pl.kernel,
    out_type=jax.ShapeDtypeStruct((NC, NPP, 128), jnp.float32),
    mesh=_mesh,
    scratch_types=[
        pltpu.VMEM((NCH, CH), jnp.int32),
        pltpu.VMEM((CH, 16), jnp.float32),
        pltpu.VMEM((RPT, 16), jnp.float32),
        pltpu.VMEM((RPP, 128), jnp.float32),
        pltpu.VMEM_SHARED((NP, 16), jnp.float32),
    ],
    compiler_params=_sc_params,
)
def _sc_degree(dst_hbm, ones_hbm, z16_hbm, out_hbm, dst_v, ones_v, cnt_v,
               pk_v, acc_sh):
    c = lax.axis_index("c")
    s = lax.axis_index("s")
    wid = c * NS + s
    row0 = NCHF * wid + jnp.maximum(0, wid - (NW - NREM))
    nch = jnp.where(wid >= NW - NREM, NCHF + 1, NCHF)
    pltpu.sync_copy(z16_hbm.at[pl.ds(s * RPT, RPT)], acc_sh.at[pl.ds(s * RPT, RPT)])
    pltpu.sync_copy(dst_hbm.at[pl.ds(row0, NCH)], dst_v)
    pltpu.sync_copy(ones_hbm, ones_v)
    plsc.subcore_barrier()

    def body(j, carry):
        pltpu.sync_copy(ones_v, acc_sh.at[dst_v.at[j]], add=True)
        return carry

    lax.fori_loop(0, nch, body, 0)
    plsc.subcore_barrier()
    pltpu.sync_copy(acc_sh.at[pl.ds(s * RPT, RPT)], cnt_v)

    def repack(i, carry):
        for a in range(4):
            v = cnt_v[4 * i + a]
            pk_v[i, pl.ds(32 * a, 16)] = v
            pk_v[i, pl.ds(32 * a + 16, 16)] = v
        return carry

    lax.fori_loop(0, RPP, repack, 0)
    pltpu.sync_copy(pk_v, out_hbm.at[c, pl.ds(s * RPP, RPP)])


@functools.partial(
    pl.kernel,
    out_type=jax.ShapeDtypeStruct((NC, NP, H), jnp.float32),
    mesh=_mesh,
    scratch_types=[
        pltpu.VMEM((NCH, CH), jnp.int32),
        pltpu.VMEM((NCH, CH), jnp.int32),
        pltpu.VMEM((CH, H), jnp.float32),
        pltpu.VMEM_SHARED((NP, H), jnp.float32),
        pltpu.VMEM_SHARED((NP, H), jnp.float32),
    ],
    compiler_params=_sc_params,
)
def _sc_agg(hp_hbm, src_hbm, dst_hbm, z_hbm, out_hbm, src_v, dst_v, rows,
            acc_sh, hp_sh):
    c = lax.axis_index("c")
    s = lax.axis_index("s")
    wid = c * NS + s
    row0 = NCHF * wid + jnp.maximum(0, wid - (NW - NREM))
    nch = jnp.where(wid >= NW - NREM, NCHF + 1, NCHF)
    pltpu.sync_copy(z_hbm.at[pl.ds(s * RPT, RPT)], acc_sh.at[pl.ds(s * RPT, RPT)])
    pltpu.sync_copy(hp_hbm.at[pl.ds(s * RPT, RPT)], hp_sh.at[pl.ds(s * RPT, RPT)])
    pltpu.sync_copy(src_hbm.at[pl.ds(row0, NCH)], src_v)
    pltpu.sync_copy(dst_hbm.at[pl.ds(row0, NCH)], dst_v)
    plsc.subcore_barrier()

    def body(j, carry):
        pltpu.sync_copy(hp_sh.at[src_v.at[j]], rows)
        pltpu.sync_copy(rows, acc_sh.at[dst_v.at[j]], add=True)
        return carry

    lax.fori_loop(0, nch, body, 0)
    plsc.subcore_barrier()
    pltpu.sync_copy(acc_sh.at[pl.ds(s * RPT, RPT)],
                    out_hbm.at[c, pl.ds(s * RPT, RPT)])



def _tc_mm_body(x_ref, w1_ref, h_ref):
    h = jnp.dot(x_ref[...], w1_ref[...], preferred_element_type=jnp.float32)
    h_ref[...] = jnp.concatenate(
        [h, jnp.zeros((NPP - NQ, 128), jnp.float32)], axis=0)


def _tc_scale_body(h_ref, degp_ref, hp_ref, dinv_ref):
    dinv = lax.rsqrt(degp_ref[0] + degp_ref[1] + 1.0)
    hp_ref[...] = dinv * h_ref[...]
    dinv_ref[...] = dinv


def _tc_mid_body(aggp_ref, hp_ref, dinv_ref, b_ref, w_ref, out_ref):
    dinv = dinv_ref[...]
    pre = dinv * (aggp_ref[0] + aggp_ref[1] + hp_ref[...]) + b_ref[...]
    a = jnp.maximum(pre, 0.0)
    out_ref[...] = dinv * jnp.dot(a, w_ref[...], preferred_element_type=jnp.float32)


def _tc_head_body(aggp_ref, hp_ref, dinv_ref, b_ref, bt_ref,
                  fw1_ref, fb1_ref, fw2_ref, fb2_ref, out_ref):
    dinv = dinv_ref[...]
    pre = dinv * (aggp_ref[0] + aggp_ref[1] + hp_ref[...]) + b_ref[...]
    a = jnp.maximum(pre, 0.0)[:NQ, :]
    gid = lax.broadcasted_iota(jnp.int32, (G, NQ), 0)
    pooled = jnp.zeros((G, H), jnp.float32)
    cnt = jnp.zeros((G, 1), jnp.float32)
    for ai in range(4):
        oh = (gid == bt_ref[ai:ai + 1, :]).astype(jnp.float32)
        res = jnp.dot(oh, a, preferred_element_type=jnp.float32)
        pooled = pooled + res[:, 32 * ai:32 * ai + 32]
        cnt = cnt + jnp.sum(oh, axis=1, keepdims=True)
    pooled = pooled / jnp.maximum(cnt, 1.0)
    z = jnp.maximum(
        jnp.dot(pooled, fw1_ref[...], preferred_element_type=jnp.float32)
        + fb1_ref[...], 0.0)
    z2 = jnp.dot(z, fw2_ref[...], preferred_element_type=jnp.float32) + fb2_ref[...]
    m = jnp.max(z2, axis=1, keepdims=True)
    e = jnp.exp(z2 - m)
    out_ref[...] = e / jnp.sum(e, axis=1, keepdims=True)


_tc_mm = pl.pallas_call(
    _tc_mm_body,
    out_shape=jax.ShapeDtypeStruct((NPP, 128), jnp.float32),
)

_tc_scale = pl.pallas_call(
    _tc_scale_body,
    out_shape=(jax.ShapeDtypeStruct((NPP, 128), jnp.float32),
               jax.ShapeDtypeStruct((NPP, 128), jnp.float32)),
)

_tc_mid = pl.pallas_call(
    _tc_mid_body,
    out_shape=jax.ShapeDtypeStruct((NPP, 128), jnp.float32),
)

_tc_head = pl.pallas_call(
    _tc_head_body,
    out_shape=jax.ShapeDtypeStruct((G, N_MICRO), jnp.float32),
)



def kernel(x, edge_index, batch, W1, b1, W2, b2, W3, b3, W4, b4,
           fW1, fb1, fW2, fb2):
    src2 = edge_index[0].reshape(EQ, CH)
    dst2 = edge_index[1].reshape(EQ, CH)

    ones16 = jnp.ones((CH, 16), jnp.float32)
    z16 = jnp.zeros((NP, 16), jnp.float32)
    zH = jnp.zeros((NP, H), jnp.float32)
    xp = x.reshape(NQ, 512)
    eye4 = jnp.eye(4, dtype=jnp.float32)
    wb1 = jnp.kron(eye4, W1)
    wb2 = jnp.kron(eye4, W2)
    wb3 = jnp.kron(eye4, W3)
    wb4 = jnp.kron(eye4, W4)
    bt1 = jnp.tile(b1, 4).reshape(1, 128)
    bt2 = jnp.tile(b2, 4).reshape(1, 128)
    bt3 = jnp.tile(b3, 4).reshape(1, 128)
    bt4 = jnp.tile(b4, 4).reshape(1, 128)
    batch_t = batch.reshape(NQ, 4).T

    h1 = _tc_mm(xp, wb1)
    degp = _sc_degree(dst2, ones16, z16)
    hp, dinv = _tc_scale(h1, degp)

    aggp = _sc_agg(hp.reshape(NP, H), src2, dst2, zH)
    hp = _tc_mid(aggp.reshape(NC, NPP, 128), hp, dinv, bt1, wb2)

    aggp = _sc_agg(hp.reshape(NP, H), src2, dst2, zH)
    hp = _tc_mid(aggp.reshape(NC, NPP, 128), hp, dinv, bt2, wb3)

    aggp = _sc_agg(hp.reshape(NP, H), src2, dst2, zH)
    hp = _tc_mid(aggp.reshape(NC, NPP, 128), hp, dinv, bt3, wb4)

    aggp = _sc_agg(hp.reshape(NP, H), src2, dst2, zH)
    return _tc_head(aggp.reshape(NC, NPP, 128), hp, dinv, bt4, batch_t,
                    fW1, fb1.reshape(1, 64), fW2, fb2.reshape(1, N_MICRO))

# --- scband reference (transcript-rebuilt; emitter-appended) ---
"""Pipeline reference for scband-gcnnet-42228118454534 (READ-ONLY COPY).

The authoritative reference and input builder live on the scoring server;
editing this copy changes nothing except your own understanding.
"""

import jax, jax.numpy as jnp
import numpy as np

N = 10000
E = 320000
G = 64
F_IN = 128
H = 32
N_MICRO = 30


def setup_inputs(seed: int = 0) -> dict:
    key = jax.random.key(seed)
    ks = jax.random.split(key, 20)
    x = jax.random.normal(ks[0], (N, F_IN), dtype=jnp.float32)
    edge_index = jax.random.randint(ks[1], (2, E), 0, N, dtype=jnp.int32)
    batch = jnp.sort(jax.random.randint(ks[2], (N,), 0, G, dtype=jnp.int32))
    def glorot(k, fan_in, fan_out):
        s = (2.0 / (fan_in + fan_out)) ** 0.5
        return jax.random.normal(k, (fan_in, fan_out), dtype=jnp.float32) * s
    return {
        'x': x,
        'edge_index': edge_index,
        'batch': batch,
        'W1': glorot(ks[3], F_IN, H), 'b1': jnp.zeros((H,), jnp.float32),
        'W2': glorot(ks[4], H, H), 'b2': jnp.zeros((H,), jnp.float32),
        'W3': glorot(ks[5], H, H), 'b3': jnp.zeros((H,), jnp.float32),
        'W4': glorot(ks[6], H, H), 'b4': jnp.zeros((H,), jnp.float32),
        'fW1': glorot(ks[7], H, 64), 'fb1': jnp.zeros((64,), jnp.float32),
        'fW2': glorot(ks[8], 64, N_MICRO), 'fb2': jnp.zeros((N_MICRO,), jnp.float32),
    }


def _gcn_layer(x, src, dst, W, b):
    # GCNConv with added self-loops and symmetric normalization:
    # out = D^{-1/2} (A + I) D^{-1/2} X W + b
    n = x.shape[0]
    loop = jnp.arange(n, dtype=src.dtype)
    s = jnp.concatenate([src, loop])
    d = jnp.concatenate([dst, loop])
    deg = jnp.zeros((n,), x.dtype).at[d].add(1.0)
    dinv = jax.lax.rsqrt(jnp.maximum(deg, 1.0))
    norm = dinv[s] * dinv[d]
    h = x @ W
    out = jnp.zeros((n, W.shape[1]), x.dtype).at[d].add(norm[:, None] * h[s])
    return out + b


def reference(x, edge_index, batch, W1, b1, W2, b2, W3, b3, W4, b4, fW1, fb1, fW2, fb2):
    src, dst = edge_index[0], edge_index[1]
    h = jax.nn.relu(_gcn_layer(x, src, dst, W1, b1))
    h = jax.nn.relu(_gcn_layer(h, src, dst, W2, b2))
    h = jax.nn.relu(_gcn_layer(h, src, dst, W3, b3))
    h = jax.nn.relu(_gcn_layer(h, src, dst, W4, b4))
    # global mean pool over graphs
    sums = jax.ops.segment_sum(h, batch, num_segments=G)
    cnt = jax.ops.segment_sum(jnp.ones((h.shape[0], 1), h.dtype), batch, num_segments=G)
    pooled = sums / jnp.maximum(cnt, 1.0)
    z = jax.nn.relu(pooled @ fW1 + fb1)
    # dropout is identity in eval mode
    z = z @ fW2 + fb2
    return jax.nn.softmax(z, axis=1)

if __name__ == "__main__":
    import jax
    _d = setup_inputs()
    print(jax.jit(kernel)(*tuple(_d.values())))

</pallas_src>

<mosaic_0001>
#map = affine_map<(d0, d1) -> (0, 0)>
#map1 = affine_map<(d0, d1) -> (0, 0, 0)>
module attributes {stable_mosaic.version = 14 : i64} {
  func.func @_sc_degree(%arg0: i32, %arg1: i32, %arg2: memref<2500x128xi32, #tpu.memory_space<hbm>>, %arg3: memref<128x16xf32, #tpu.memory_space<hbm>>, %arg4: memref<10112x16xf32, #tpu.memory_space<hbm>>, %arg5: memref<2x2528x128xf32, #tpu.memory_space<hbm>>, %arg6: memref<79x128xi32, #tpu.memory_space<vmem>>, %arg7: memref<128x16xf32, #tpu.memory_space<vmem>>, %arg8: memref<632x16xf32, #tpu.memory_space<vmem>>, %arg9: memref<158x128xf32, #tpu.memory_space<vmem>>, %arg10: memref<10112x16xf32, #tpu.memory_space<vmem_shared>>) attributes {dimension_semantics = [#tpu.dimension_semantics<core_parallel>, #tpu.dimension_semantics<subcore_parallel>], iteration_bounds = array<i64: 2, 16>, scalar_prefetch = 0 : i64, scratch_operands = 5 : i64, tpu.core_type = #tpu.core_type<sc_vector_subcore>, window_params = [{transform_indices = #map}, {transform_indices = #map}, {transform_indices = #map}, {transform_indices = #map1}]} {
    %mul3A = arith.constant 16 : i32
    %mul3A_0 = arith.muli %arg0, %mul3A : i32
    %add3A = arith.addi %mul3A_0, %arg1 : i32
    %mul3A_1 = arith.constant 78 : i32
    %mul3A_2 = arith.muli %mul3A_1, %add3A : i32
    %sub3A = arith.constant 28 : i32
    %sub3A_3 = arith.subi %add3A, %sub3A : i32
    %max3A = arith.constant 0 : i32
    %max3A_4 = arith.maxsi %max3A, %sub3A_3 : i32
    %add3A_5 = arith.addi %mul3A_2, %max3A_4 : i32
    %ge3A = arith.constant 28 : i32
    %ge3A_6 = arith.cmpi sge, %add3A, %ge3A : i32
    %jit3A = arith.constant 79 : i32
    %jit3A_7 = arith.constant 78 : i32
    %select_n3A = arith.select %ge3A_6, %jit3A, %jit3A_7 : i32
    %mul3A_8 = arith.constant 632 : i32
    %mul3A_9 = arith.muli %arg1, %mul3A_8 : i32
    %mul3A_10 = arith.constant 632 : i32
    %mul3A_11 = arith.muli %arg1, %mul3A_10 : i32
    "tpu.region"() ({
      %run_scoped3A = tpu.sem_alloc : memref<!tpu.dma_semaphore, #tpu.memory_space<semaphore_mem>>
      %dma_start3A = arith.constant 0 : i32
      %dma_start3A_31 = tpu.memref_slice %arg10[%mul3A_11, %dma_start3A] : memref<10112x16xf32, #tpu.memory_space<vmem_shared>> -> memref<632x16xf32, #tpu.memory_space<vmem_shared>>
      %dma_start3A_32 = arith.constant 0 : i32
      %dma_start3A_33 = tpu.memref_slice %arg4[%mul3A_9, %dma_start3A_32] : memref<10112x16xf32, #tpu.memory_space<hbm>> -> memref<632x16xf32, #tpu.memory_space<hbm>>
      tpu.enqueue_dma source(%dma_start3A_33 : memref<632x16xf32, #tpu.memory_space<hbm>>) target(%dma_start3A_31 : memref<632x16xf32, #tpu.memory_space<vmem_shared>>) target_semaphore(%run_scoped3A : memref<!tpu.dma_semaphore, #tpu.memory_space<semaphore_mem>>)
      %dma_wait3A = arith.constant 0 : i32
      %dma_wait3A_34 = tpu.memref_slice %arg10[%mul3A_11, %dma_wait3A] : memref<10112x16xf32, #tpu.memory_space<vmem_shared>> -> memref<632x16xf32, #tpu.memory_space<vmem_shared>>
      %dma_wait3A_35 = arith.constant 0 : i32
      %dma_wait3A_36 = tpu.memref_slice %arg4[%mul3A_9, %dma_wait3A_35] : memref<10112x16xf32, #tpu.memory_space<hbm>> -> memref<632x16xf32, #tpu.memory_space<hbm>>
      tpu.wait_dma2 semaphore(%run_scoped3A : memref<!tpu.dma_semaphore, #tpu.memory_space<semaphore_mem>>) src(%dma_wait3A_36 : memref<632x16xf32, #tpu.memory_space<hbm>>) dst(%dma_wait3A_34 : memref<632x16xf32, #tpu.memory_space<vmem_shared>>)
      tpu.yield
    }) : () -> ()
    "tpu.region"() ({
      %run_scoped3A = tpu.sem_alloc : memref<!tpu.dma_semaphore, #tpu.memory_space<semaphore_mem>>
      %dma_start3A = arith.constant 0 : i32
      %dma_start3A_31 = tpu.memref_slice %arg2[%add3A_5, %dma_start3A] : memref<2500x128xi32, #tpu.memory_space<hbm>> -> memref<79x128xi32, #tpu.memory_space<hbm>>
      %dma_start3A_32 = arith.constant 0 : i32
      %dma_start3A_33 = tpu.memref_slice %arg2[%add3A_5, %dma_start3A_32] : memref<2500x128xi32, #tpu.memory_space<hbm>> -> memref<79x128xi32, #tpu.memory_space<hbm>>
      tpu.enqueue_dma source(%dma_start3A_33 : memref<79x128xi32, #tpu.memory_space<hbm>>) target(%arg6 : memref<79x128xi32, #tpu.memory_space<vmem>>) target_semaphore(%run_scoped3A : memref<!tpu.dma_semaphore, #tpu.memory_space<semaphore_mem>>)
      %dma_wait3A = arith.constant 0 : i32
      %dma_wait3A_34 = tpu.memref_slice %arg2[%add3A_5, %dma_wait3A] : memref<2500x128xi32, #tpu.memory_space<hbm>> -> memref<79x128xi32, #tpu.memory_space<hbm>>
      %dma_wait3A_35 = arith.constant 0 : i32
      %dma_wait3A_36 = tpu.memref_slice %arg2[%add3A_5, %dma_wait3A_35] : memref<2500x128xi32, #tpu.memory_space<hbm>> -> memref<79x128xi32, #tpu.memory_space<hbm>>
      tpu.wait_dma2 semaphore(%run_scoped3A : memref<!tpu.dma_semaphore, #tpu.memory_space<semaphore_mem>>) src(%dma_wait3A_36 : memref<79x128xi32, #tpu.memory_space<hbm>>) dst(%arg6 : memref<79x128xi32, #tpu.memory_space<vmem>>)
      tpu.yield
    }) : () -> ()
    "tpu.region"() ({
      %run_scoped3A = tpu.sem_alloc : memref<!tpu.dma_semaphore, #tpu.memory_space<semaphore_mem>>
      tpu.enqueue_dma source(%arg3 : memref<128x16xf32, #tpu.memory_space<hbm>>) target(%arg7 : memref<128x16xf32, #tpu.memory_space<vmem>>) target_semaphore(%run_scoped3A : memref<!tpu.dma_semaphore, #tpu.memory_space<semaphore_mem>>)
      tpu.wait_dma2 semaphore(%run_scoped3A : memref<!tpu.dma_semaphore, #tpu.memory_space<semaphore_mem>>) src(%arg3 : memref<128x16xf32, #tpu.memory_space<hbm>>) dst(%arg7 : memref<128x16xf32, #tpu.memory_space<vmem>>)
      tpu.yield
    }) : () -> ()
    %barrier3A = arith.constant 0 : index
    tpu.barrier barrier_id(%barrier3A)
    %while3A = arith.constant 0 : i32
    %while3A_12 = arith.constant 0 : i32
    %while3A_13 = arith.subi %select_n3A, %while3A_12 : i32
    %while3A_14 = arith.addi %while3A_12, %while3A_13 : i32
    %while3A_15 = arith.constant 1 : i32
    %while3A_16 = arith.divsi %while3A_13, %while3A_15 : i32
    %while3A_17 = arith.muli %while3A_16, %while3A_15 : i32
    %while3A_18 = arith.addi %while3A_12, %while3A_17 : i32
    %while3A_19 = arith.constant 1 : i32
    scf.for %while3A_31 = %while3A_12 to %while3A_18 step %while3A_19  : i32 {
      "tpu.region"() ({
        %run_scoped3A = tpu.sem_alloc : memref<!tpu.dma_semaphore, #tpu.memory_space<semaphore_mem>>
        %dma_start3A = arith.constant 0 : i32
        %dma_start3A_32 = tpu.memref_slice %arg6[%while3A_31, %dma_start3A] : memref<79x128xi32, #tpu.memory_space<vmem>> -> memref<1x128xi32, #tpu.memory_space<vmem>>
        %dma_start3A_33 = tpu.memref_squeeze %dma_start3A_32 : memref<1x128xi32, #tpu.memory_space<vmem>> -> memref<128xi32, #tpu.memory_space<vmem>>
        %dma_start3A_34 = arith.constant 0 : i32
        %dma_start3A_35 = arith.constant 0 : i32
        %dma_start3A_36 = tpu.memref_slice %arg10[%dma_start3A_34, %dma_start3A_35] : memref<10112x16xf32, #tpu.memory_space<vmem_shared>> -> memref<10112x16xf32, #tpu.memory_space<vmem_shared>>
        tpu.enqueue_indirect_dma source(%arg7 : memref<128x16xf32, #tpu.memory_space<vmem>>) target(%dma_start3A_36 : memref<10112x16xf32, #tpu.memory_space<vmem_shared>>) offsets(%dma_start3A_33 : memref<128xi32, #tpu.memory_space<vmem>>) semaphore(%run_scoped3A : memref<!tpu.dma_semaphore, #tpu.memory_space<semaphore_mem>>) {add = true}
        %dma_wait3A = arith.constant 0 : i32
        %dma_wait3A_37 = tpu.memref_slice %arg6[%while3A_31, %dma_wait3A] : memref<79x128xi32, #tpu.memory_space<vmem>> -> memref<1x128xi32, #tpu.memory_space<vmem>>
        %dma_wait3A_38 = tpu.memref_squeeze %dma_wait3A_37 : memref<1x128xi32, #tpu.memory_space<vmem>> -> memref<128xi32, #tpu.memory_space<vmem>>
        %dma_wait3A_39 = arith.constant 0 : i32
        %dma_wait3A_40 = arith.constant 0 : i32
        %dma_wait3A_41 = tpu.memref_slice %arg10[%dma_wait3A_39, %dma_wait3A_40] : memref<10112x16xf32, #tpu.memory_space<vmem_shared>> -> memref<10112x16xf32, #tpu.memory_space<vmem_shared>>
        tpu.wait_indirect_dma semaphore(%run_scoped3A : memref<!tpu.dma_semaphore, #tpu.memory_space<semaphore_mem>>) src(%arg7 : memref<128x16xf32, #tpu.memory_space<vmem>>) dst(%dma_wait3A_41 : memref<10112x16xf32, #tpu.memory_space<vmem_shared>>)
        tpu.yield
      }) : () -> ()
    }
    %while3A_20 = arith.constant 1 : i32
    scf.for %while3A_31 = %while3A_18 to %while3A_14 step %while3A_20  : i32 {
      "tpu.region"() ({
        %run_scoped3A = tpu.sem_alloc : memref<!tpu.dma_semaphore, #tpu.memory_space<semaphore_mem>>
        %dma_start3A = arith.constant 0 : i32
        %dma_start3A_32 = tpu.memref_slice %arg6[%while3A_31, %dma_start3A] : memref<79x128xi32, #tpu.memory_space<vmem>> -> memref<1x128xi32, #tpu.memory_space<vmem>>
        %dma_start3A_33 = tpu.memref_squeeze %dma_start3A_32 : memref<1x128xi32, #tpu.memory_space<vmem>> -> memref<128xi32, #tpu.memory_space<vmem>>
        %dma_start3A_34 = arith.constant 0 : i32
        %dma_start3A_35 = arith.constant 0 : i32
        %dma_start3A_36 = tpu.memref_slice %arg10[%dma_start3A_34, %dma_start3A_35] : memref<10112x16xf32, #tpu.memory_space<vmem_shared>> -> memref<10112x16xf32, #tpu.memory_space<vmem_shared>>
        tpu.enqueue_indirect_dma source(%arg7 : memref<128x16xf32, #tpu.memory_space<vmem>>) target(%dma_start3A_36 : memref<10112x16xf32, #tpu.memory_space<vmem_shared>>) offsets(%dma_start3A_33 : memref<128xi32, #tpu.memory_space<vmem>>) semaphore(%run_scoped3A : memref<!tpu.dma_semaphore, #tpu.memory_space<semaphore_mem>>) {add = true}
        %dma_wait3A = arith.constant 0 : i32
        %dma_wait3A_37 = tpu.memref_slice %arg6[%while3A_31, %dma_wait3A] : memref<79x128xi32, #tpu.memory_space<vmem>> -> memref<1x128xi32, #tpu.memory_space<vmem>>
        %dma_wait3A_38 = tpu.memref_squeeze %dma_wait3A_37 : memref<1x128xi32, #tpu.memory_space<vmem>> -> memref<128xi32, #tpu.memory_space<vmem>>
        %dma_wait3A_39 = arith.constant 0 : i32
        %dma_wait3A_40 = arith.constant 0 : i32
        %dma_wait3A_41 = tpu.memref_slice %arg10[%dma_wait3A_39, %dma_wait3A_40] : memref<10112x16xf32, #tpu.memory_space<vmem_shared>> -> memref<10112x16xf32, #tpu.memory_space<vmem_shared>>
        tpu.wait_indirect_dma semaphore(%run_scoped3A : memref<!tpu.dma_semaphore, #tpu.memory_space<semaphore_mem>>) src(%arg7 : memref<128x16xf32, #tpu.memory_space<vmem>>) dst(%dma_wait3A_41 : memref<10112x16xf32, #tpu.memory_space<vmem_shared>>)
        tpu.yield
      }) : () -> ()
    }
    %barrier3A_21 = arith.constant 0 : index
    tpu.barrier barrier_id(%barrier3A_21)
    %mul3A_22 = arith.constant 632 : i32
    %mul3A_23 = arith.muli %arg1, %mul3A_22 : i32
    "tpu.region"() ({
      %run_scoped3A = tpu.sem_alloc : memref<!tpu.dma_semaphore, #tpu.memory_space<semaphore_mem>>
      %dma_start3A = arith.constant 0 : i32
      %dma_start3A_31 = tpu.memref_slice %arg10[%mul3A_23, %dma_start3A] : memref<10112x16xf32, #tpu.memory_space<vmem_shared>> -> memref<632x16xf32, #tpu.memory_space<vmem_shared>>
      %dma_start3A_32 = arith.constant 0 : i32
      %dma_start3A_33 = tpu.memref_slice %arg10[%mul3A_23, %dma_start3A_32] : memref<10112x16xf32, #tpu.memory_space<vmem_shared>> -> memref<632x16xf32, #tpu.memory_space<vmem_shared>>
      tpu.enqueue_dma source(%dma_start3A_33 : memref<632x16xf32, #tpu.memory_space<vmem_shared>>) target(%arg8 : memref<632x16xf32, #tpu.memory_space<vmem>>) target_semaphore(%run_scoped3A : memref<!tpu.dma_semaphore, #tpu.memory_space<semaphore_mem>>)
      %dma_wait3A = arith.constant 0 : i32
      %dma_wait3A_34 = tpu.memref_slice %arg10[%mul3A_23, %dma_wait3A] : memref<10112x16xf32, #tpu.memory_space<vmem_shared>> -> memref<632x16xf32, #tpu.memory_space<vmem_shared>>
      %dma_wait3A_35 = arith.constant 0 : i32
      %dma_wait3A_36 = tpu.memref_slice %arg10[%mul3A_23, %dma_wait3A_35] : memref<10112x16xf32, #tpu.memory_space<vmem_shared>> -> memref<632x16xf32, #tpu.memory_space<vmem_shared>>
      tpu.wait_dma2 semaphore(%run_scoped3A : memref<!tpu.dma_semaphore, #tpu.memory_space<semaphore_mem>>) src(%dma_wait3A_36 : memref<632x16xf32, #tpu.memory_space<vmem_shared>>) dst(%arg8 : memref<632x16xf32, #tpu.memory_space<vmem>>)
      tpu.yield
    }) : () -> ()
    %scan3A = arith.constant 0 : i32
    %scan3A_24 = arith.constant 0 : i32
    %scan3A_25 = arith.constant 158 : i32
    %scan3A_26 = arith.addi %scan3A_24, %scan3A_25 : i32
    %scan3A_27 = arith.constant 1 : i32
    scf.for %scan3A_31 = %scan3A_24 to %scan3A_26 step %scan3A_27  : i32 {
      %mul3A_32 = arith.constant 4 : i32
      %mul3A_33 = arith.muli %mul3A_32, %scan3A_31 : i32
      %add3A_34 = arith.constant 0 : i32
      %add3A_35 = arith.addi %mul3A_33, %add3A_34 : i32
      %get3A = arith.index_cast %add3A_35 : i32 to index
      %get3A_36 = arith.constant 0 : index
      %get3A_37 = tpu.vector_load %arg8[%get3A, %get3A_36] {strides = array<i32>} : memref<632x16xf32, #tpu.memory_space<vmem>>, vector<1x16xf32>,
      %get3A_38 = vector.shape_cast %get3A_37 : vector<1x16xf32> to vector<16xf32>
      %swap3A = arith.index_cast %scan3A_31 : i32 to index
      %swap3A_39 = arith.constant 0 : index
      %swap3A_40 = tpu.vector_load %arg9[%swap3A, %swap3A_39] {strides = array<i32>} : memref<158x128xf32, #tpu.memory_space<vmem>>, vector<1x16xf32>,
      %swap3A_41 = vector.shape_cast %swap3A_40 : vector<1x16xf32> to vector<16xf32>
      %swap3A_42 = vector.shape_cast %get3A_38 : vector<16xf32> to vector<1x16xf32>
      tpu.vector_store %arg9[%swap3A, %swap3A_39], %swap3A_42 {strides = array<i32>} : memref<158x128xf32, #tpu.memory_space<vmem>>, vector<1x16xf32>,
      %swap3A_43 = arith.index_cast %scan3A_31 : i32 to index
      %swap3A_44 = arith.constant 16 : index
      %swap3A_45 = tpu.vector_load %arg9[%swap3A_43, %swap3A_44] {strides = array<i32>} : memref<158x128xf32, #tpu.memory_space<vmem>>, vector<1x16xf32>,
      %swap3A_46 = vector.shape_cast %swap3A_45 : vector<1x16xf32> to vector<16xf32>
      %swap3A_47 = vector.shape_cast %get3A_38 : vector<16xf32> to vector<1x16xf32>
      tpu.vector_store %arg9[%swap3A_43, %swap3A_44], %swap3A_47 {strides = array<i32>} : memref<158x128xf32, #tpu.memory_space<vmem>>, vector<1x16xf32>,
      %mul3A_48 = arith.constant 4 : i32
      %mul3A_49 = arith.muli %mul3A_48, %scan3A_31 : i32
      %add3A_50 = arith.constant 1 : i32
      %add3A_51 = arith.addi %mul3A_49, %add3A_50 : i32
      %get3A_52 = arith.index_cast %add3A_51 : i32 to index
      %get3A_53 = arith.constant 0 : index
      %get3A_54 = tpu.vector_load %arg8[%get3A_52, %get3A_53] {strides = array<i32>} : memref<632x16xf32, #tpu.memory_space<vmem>>, vector<1x16xf32>,
      %get3A_55 = vector.shape_cast %get3A_54 : vector<1x16xf32> to vector<16xf32>
      %swap3A_56 = arith.index_cast %scan3A_31 : i32 to index
      %swap3A_57 = arith.constant 32 : index
      %swap3A_58 = tpu.vector_load %arg9[%swap3A_56, %swap3A_57] {strides = array<i32>} : memref<158x128xf32, #tpu.memory_space<vmem>>, vector<1x16xf32>,
      %swap3A_59 = vector.shape_cast %swap3A_58 : vector<1x16xf32> to vector<16xf32>
      %swap3A_60 = vector.shape_cast %get3A_55 : vector<16xf32> to vector<1x16xf32>
      tpu.vector_store %arg9[%swap3A_56, %swap3A_57], %swap3A_60 {strides = array<i32>} : memref<158x128xf32, #tpu.memory_space<vmem>>, vector<1x16xf32>,
      %swap3A_61 = arith.index_cast %scan3A_31 : i32 to index
      %swap3A_62 = arith.constant 48 : index
      %swap3A_63 = tpu.vector_load %arg9[%swap3A_61, %swap3A_62] {strides = array<i32>} : memref<158x128xf32, #tpu.memory_space<vmem>>, vector<1x16xf32>,
      %swap3A_64 = vector.shape_cast %swap3A_63 : vector<1x16xf32> to vector<16xf32>
      %swap3A_65 = vector.shape_cast %get3A_55 : vector<16xf32> to vector<1x16xf32>
      tpu.vector_store %arg9[%swap3A_61, %swap3A_62], %swap3A_65 {strides = array<i32>} : memref<158x128xf32, #tpu.memory_space<vmem>>, vector<1x16xf32>,
      %mul3A_66 = arith.constant 4 : i32
      %mul3A_67 = arith.muli %mul3A_66, %scan3A_31 : i32
      %add3A_68 = arith.constant 2 : i32
      %add3A_69 = arith.addi %mul3A_67, %add3A_68 : i32
      %get3A_70 = arith.index_cast %add3A_69 : i32 to index
      %get3A_71 = arith.constant 0 : index
      %get3A_72 = tpu.vector_load %arg8[%get3A_70, %get3A_71] {strides = array<i32>} : memref<632x16xf32, #tpu.memory_space<vmem>>, vector<1x16xf32>,
      %get3A_73 = vector.shape_cast %get3A_72 : vector<1x16xf32> to vector<16xf32>
      %swap3A_74 = arith.index_cast %scan3A_31 : i32 to index
      %swap3A_75 = arith.constant 64 : index
      %swap3A_76 = tpu.vector_load %arg9[%swap3A_74, %swap3A_75] {strides = array<i32>} : memref<158x128xf32, #tpu.memory_space<vmem>>, vector<1x16xf32>,
      %swap3A_77 = vector.shape_cast %swap3A_76 : vector<1x16xf32> to vector<16xf32>
      %swap3A_78 = vector.shape_cast %get3A_73 : vector<16xf32> to vector<1x16xf32>
      tpu.vector_store %arg9[%swap3A_74, %swap3A_75], %swap3A_78 {strides = array<i32>} : memref<158x128xf32, #tpu.memory_space<vmem>>, vector<1x16xf32>,
      %swap3A_79 = arith.index_cast %scan3A_31 : i32 to index
      %swap3A_80 = arith.constant 80 : index
      %swap3A_81 = tpu.vector_load %arg9[%swap3A_79, %swap3A_80] {strides = array<i32>} : memref<158x128xf32, #tpu.memory_space<vmem>>, vector<1x16xf32>,
      %swap3A_82 = vector.shape_cast %swap3A_81 : vector<1x16xf32> to vector<16xf32>
      %swap3A_83 = vector.shape_cast %get3A_73 : vector<16xf32> to vector<1x16xf32>
      tpu.vector_store %arg9[%swap3A_79, %swap3A_80], %swap3A_83 {strides = array<i32>} : memref<158x128xf32, #tpu.memory_space<vmem>>, vector<1x16xf32>,
      %mul3A_84 = arith.constant 4 : i32
      %mul3A_85 = arith.muli %mul3A_84, %scan3A_31 : i32
      %add3A_86 = arith.constant 3 : i32
      %add3A_87 = arith.addi %mul3A_85, %add3A_86 : i32
      %get3A_88 = arith.index_cast %add3A_87 : i32 to index
      %get3A_89 = arith.constant 0 : index
      %get3A_90 = tpu.vector_load %arg8[%get3A_88, %get3A_89] {strides = array<i32>} : memref<632x16xf32, #tpu.memory_space<vmem>>, vector<1x16xf32>,
      %get3A_91 = vector.shape_cast %get3A_90 : vector<1x16xf32> to vector<16xf32>
      %swap3A_92 = arith.index_cast %scan3A_31 : i32 to index
      %swap3A_93 = arith.constant 96 : index
      %swap3A_94 = tpu.vector_load %arg9[%swap3A_92, %swap3A_93] {strides = array<i32>} : memref<158x128xf32, #tpu.memory_space<vmem>>, vector<1x16xf32>,
      %swap3A_95 = vector.shape_cast %swap3A_94 : vector<1x16xf32> to vector<16xf32>
      %swap3A_96 = vector.shape_cast %get3A_91 : vector<16xf32> to vector<1x16xf32>
      tpu.vector_store %arg9[%swap3A_92, %swap3A_93], %swap3A_96 {strides = array<i32>} : memref<158x128xf32, #tpu.memory_space<vmem>>, vector<1x16xf32>,
      %swap3A_97 = arith.index_cast %scan3A_31 : i32 to index
      %swap3A_98 = arith.constant 112 : index
      %swap3A_99 = tpu.vector_load %arg9[%swap3A_97, %swap3A_98] {strides = array<i32>} : memref<158x128xf32, #tpu.memory_space<vmem>>, vector<1x16xf32>,
      %swap3A_100 = vector.shape_cast %swap3A_99 : vector<1x16xf32> to vector<16xf32>
      %swap3A_101 = vector.shape_cast %get3A_91 : vector<16xf32> to vector<1x16xf32>
      tpu.vector_store %arg9[%swap3A_97, %swap3A_98], %swap3A_101 {strides = array<i32>} : memref<158x128xf32, #tpu.memory_space<vmem>>, vector<1x16xf32>,
    }
    %scan3A_28 = arith.constant 158 : i32
    %mul3A_29 = arith.constant 158 : i32
    %mul3A_30 = arith.muli %arg1, %mul3A_29 : i32
    "tpu.region"() ({
      %run_scoped3A = tpu.sem_alloc : memref<!tpu.dma_semaphore, #tpu.memory_space<semaphore_mem>>
      %dma_start3A = arith.constant 0 : i32
      %dma_start3A_31 = tpu.memref_slice %arg5[%arg0, %mul3A_30, %dma_start3A] : memref<2x2528x128xf32, #tpu.memory_space<hbm>> -> memref<1x158x128xf32, #tpu.memory_space<hbm>>
      %dma_start3A_32 = tpu.memref_squeeze %dma_start3A_31 : memref<1x158x128xf32, #tpu.memory_space<hbm>> -> memref<158x128xf32, #tpu.memory_space<hbm>>
      %dma_start3A_33 = arith.constant 0 : i32
      %dma_start3A_34 = tpu.memref_slice %arg5[%arg0, %mul3A_30, %dma_start3A_33] : memref<2x2528x128xf32, #tpu.memory_space<hbm>> -> memref<1x158x128xf32, #tpu.memory_space<hbm>>
      %dma_start3A_35 = tpu.memref_squeeze %dma_start3A_34 : memref<1x158x128xf32, #tpu.memory_space<hbm>> -> memref<158x128xf32, #tpu.memory_space<hbm>>
      tpu.enqueue_dma source(%arg9 : memref<158x128xf32, #tpu.memory_space<vmem>>) target(%dma_start3A_35 : memref<158x128xf32, #tpu.memory_space<hbm>>) target_semaphore(%run_scoped3A : memref<!tpu.dma_semaphore, #tpu.memory_space<semaphore_mem>>)
      %dma_wait3A = arith.constant 0 : i32
      %dma_wait3A_36 = tpu.memref_slice %arg5[%arg0, %mul3A_30, %dma_wait3A] : memref<2x2528x128xf32, #tpu.memory_space<hbm>> -> memref<1x158x128xf32, #tpu.memory_space<hbm>>
      %dma_wait3A_37 = tpu.memref_squeeze %dma_wait3A_36 : memref<1x158x128xf32, #tpu.memory_space<hbm>> -> memref<158x128xf32, #tpu.memory_space<hbm>>
      %dma_wait3A_38 = arith.constant 0 : i32
      %dma_wait3A_39 = tpu.memref_slice %arg5[%arg0, %mul3A_30, %dma_wait3A_38] : memref<2x2528x128xf32, #tpu.memory_space<hbm>> -> memref<1x158x128xf32, #tpu.memory_space<hbm>>
      %dma_wait3A_40 = tpu.memref_squeeze %dma_wait3A_39 : memref<1x158x128xf32, #tpu.memory_space<hbm>> -> memref<158x128xf32, #tpu.memory_space<hbm>>
      tpu.wait_dma2 semaphore(%run_scoped3A : memref<!tpu.dma_semaphore, #tpu.memory_space<semaphore_mem>>) src(%arg9 : memref<158x128xf32, #tpu.memory_space<vmem>>) dst(%dma_wait3A_40 : memref<158x128xf32, #tpu.memory_space<hbm>>)
      tpu.yield
    }) : () -> ()
    return
  }
}

#map = affine_map<(d0, d1) -> (0, 0)>
#map1 = affine_map<(d0, d1) -> (0, 0, 0)>
module attributes {stable_mosaic.version = 14 : i64} {
  func.func @_sc_agg(%arg0: i32, %arg1: i32, %arg2: memref<10112x32xf32, #tpu.memory_space<hbm>>, %arg3: memref<2500x128xi32, #tpu.memory_space<hbm>>, %arg4: memref<2500x128xi32, #tpu.memory_space<hbm>>, %arg5: memref<10112x32xf32, #tpu.memory_space<hbm>>, %arg6: memref<2x10112x32xf32, #tpu.memory_space<hbm>>, %arg7: memref<79x128xi32, #tpu.memory_space<vmem>>, %arg8: memref<79x128xi32, #tpu.memory_space<vmem>>, %arg9: memref<128x32xf32, #tpu.memory_space<vmem>>, %arg10: memref<10112x32xf32, #tpu.memory_space<vmem_shared>>, %arg11: memref<10112x32xf32, #tpu.memory_space<vmem_shared>>) attributes {dimension_semantics = [#tpu.dimension_semantics<core_parallel>, #tpu.dimension_semantics<subcore_parallel>], iteration_bounds = array<i64: 2, 16>, scalar_prefetch = 0 : i64, scratch_operands = 5 : i64, tpu.core_type = #tpu.core_type<sc_vector_subcore>, window_params = [{transform_indices = #map}, {transform_indices = #map}, {transform_indices = #map}, {transform_indices = #map}, {transform_indices = #map1}]} {
    %mul3A = arith.constant 16 : i32
    %mul3A_0 = arith.muli %arg0, %mul3A : i32
    %add3A = arith.addi %mul3A_0, %arg1 : i32
    %mul3A_1 = arith.constant 78 : i32
    %mul3A_2 = arith.muli %mul3A_1, %add3A : i32
    %sub3A = arith.constant 28 : i32
    %sub3A_3 = arith.subi %add3A, %sub3A : i32
    %max3A = arith.constant 0 : i32
    %max3A_4 = arith.maxsi %max3A, %sub3A_3 : i32
    %add3A_5 = arith.addi %mul3A_2, %max3A_4 : i32
    %ge3A = arith.constant 28 : i32
    %ge3A_6 = arith.cmpi sge, %add3A, %ge3A : i32
    %jit3A = arith.constant 79 : i32
    %jit3A_7 = arith.constant 78 : i32
    %select_n3A = arith.select %ge3A_6, %jit3A, %jit3A_7 : i32
    %mul3A_8 = arith.constant 632 : i32
    %mul3A_9 = arith.muli %arg1, %mul3A_8 : i32
    %mul3A_10 = arith.constant 632 : i32
    %mul3A_11 = arith.muli %arg1, %mul3A_10 : i32
    "tpu.region"() ({
      %run_scoped3A = tpu.sem_alloc : memref<!tpu.dma_semaphore, #tpu.memory_space<semaphore_mem>>
      %dma_start3A = arith.constant 0 : i32
      %dma_start3A_30 = tpu.memref_slice %arg10[%mul3A_11, %dma_start3A] : memref<10112x32xf32, #tpu.memory_space<vmem_shared>> -> memref<632x32xf32, #tpu.memory_space<vmem_shared>>
      %dma_start3A_31 = arith.constant 0 : i32
      %dma_start3A_32 = tpu.memref_slice %arg5[%mul3A_9, %dma_start3A_31] : memref<10112x32xf32, #tpu.memory_space<hbm>> -> memref<632x32xf32, #tpu.memory_space<hbm>>
      tpu.enqueue_dma source(%dma_start3A_32 : memref<632x32xf32, #tpu.memory_space<hbm>>) target(%dma_start3A_30 : memref<632x32xf32, #tpu.memory_space<vmem_shared>>) target_semaphore(%run_scoped3A : memref<!tpu.dma_semaphore, #tpu.memory_space<semaphore_mem>>)
      %dma_wait3A = arith.constant 0 : i32
      %dma_wait3A_33 = tpu.memref_slice %arg10[%mul3A_11, %dma_wait3A] : memref<10112x32xf32, #tpu.memory_space<vmem_shared>> -> memref<632x32xf32, #tpu.memory_space<vmem_shared>>
      %dma_wait3A_34 = arith.constant 0 : i32
      %dma_wait3A_35 = tpu.memref_slice %arg5[%mul3A_9, %dma_wait3A_34] : memref<10112x32xf32, #tpu.memory_space<hbm>> -> memref<632x32xf32, #tpu.memory_space<hbm>>
      tpu.wait_dma2 semaphore(%run_scoped3A : memref<!tpu.dma_semaphore, #tpu.memory_space<semaphore_mem>>) src(%dma_wait3A_35 : memref<632x32xf32, #tpu.memory_space<hbm>>) dst(%dma_wait3A_33 : memref<632x32xf32, #tpu.memory_space<vmem_shared>>)
      tpu.yield
    }) : () -> ()
    %mul3A_12 = arith.constant 632 : i32
    %mul3A_13 = arith.muli %arg1, %mul3A_12 : i32
    %mul3A_14 = arith.constant 632 : i32
    %mul3A_15 = arith.muli %arg1, %mul3A_14 : i32
    "tpu.region"() ({
      %run_scoped3A = tpu.sem_alloc : memref<!tpu.dma_semaphore, #tpu.memory_space<semaphore_mem>>
      %dma_start3A = arith.constant 0 : i32
      %dma_start3A_30 = tpu.memref_slice %arg11[%mul3A_15, %dma_start3A] : memref<10112x32xf32, #tpu.memory_space<vmem_shared>> -> memref<632x32xf32, #tpu.memory_space<vmem_shared>>
      %dma_start3A_31 = arith.constant 0 : i32
      %dma_start3A_32 = tpu.memref_slice %arg2[%mul3A_13, %dma_start3A_31] : memref<10112x32xf32, #tpu.memory_space<hbm>> -> memref<632x32xf32, #tpu.memory_space<hbm>>
      tpu.enqueue_dma source(%dma_start3A_32 : memref<632x32xf32, #tpu.memory_space<hbm>>) target(%dma_start3A_30 : memref<632x32xf32, #tpu.memory_space<vmem_shared>>) target_semaphore(%run_scoped3A : memref<!tpu.dma_semaphore, #tpu.memory_space<semaphore_mem>>)
      %dma_wait3A = arith.constant 0 : i32
      %dma_wait3A_33 = tpu.memref_slice %arg11[%mul3A_15, %dma_wait3A] : memref<10112x32xf32, #tpu.memory_space<vmem_shared>> -> memref<632x32xf32, #tpu.memory_space<vmem_shared>>
      %dma_wait3A_34 = arith.constant 0 : i32
      %dma_wait3A_35 = tpu.memref_slice %arg2[%mul3A_13, %dma_wait3A_34] : memref<10112x32xf32, #tpu.memory_space<hbm>> -> memref<632x32xf32, #tpu.memory_space<hbm>>
      tpu.wait_dma2 semaphore(%run_scoped3A : memref<!tpu.dma_semaphore, #tpu.memory_space<semaphore_mem>>) src(%dma_wait3A_35 : memref<632x32xf32, #tpu.memory_space<hbm>>) dst(%dma_wait3A_33 : memref<632x32xf32, #tpu.memory_space<vmem_shared>>)
      tpu.yield
    }) : () -> ()
    "tpu.region"() ({
      %run_scoped3A = tpu.sem_alloc : memref<!tpu.dma_semaphore, #tpu.memory_space<semaphore_mem>>
      %dma_start3A = arith.constant 0 : i32
      %dma_start3A_30 = tpu.memref_slice %arg3[%add3A_5, %dma_start3A] : memref<2500x128xi32, #tpu.memory_space<hbm>> -> memref<79x128xi32, #tpu.memory_space<hbm>>
      %dma_start3A_31 = arith.constant 0 : i32
      %dma_start3A_32 = tpu.memref_slice %arg3[%add3A_5, %dma_start3A_31] : memref<2500x128xi32, #tpu.memory_space<hbm>> -> memref<79x128xi32, #tpu.memory_space<hbm>>
      tpu.enqueue_dma source(%dma_start3A_32 : memref<79x128xi32, #tpu.memory_space<hbm>>) target(%arg7 : memref<79x128xi32, #tpu.memory_space<vmem>>) target_semaphore(%run_scoped3A : memref<!tpu.dma_semaphore, #tpu.memory_space<semaphore_mem>>)
      %dma_wait3A = arith.constant 0 : i32
      %dma_wait3A_33 = tpu.memref_slice %arg3[%add3A_5, %dma_wait3A] : memref<2500x128xi32, #tpu.memory_space<hbm>> -> memref<79x128xi32, #tpu.memory_space<hbm>>
      %dma_wait3A_34 = arith.constant 0 : i32
      %dma_wait3A_35 = tpu.memref_slice %arg3[%add3A_5, %dma_wait3A_34] : memref<2500x128xi32, #tpu.memory_space<hbm>> -> memref<79x128xi32, #tpu.memory_space<hbm>>
      tpu.wait_dma2 semaphore(%run_scoped3A : memref<!tpu.dma_semaphore, #tpu.memory_space<semaphore_mem>>) src(%dma_wait3A_35 : memref<79x128xi32, #tpu.memory_space<hbm>>) dst(%arg7 : memref<79x128xi32, #tpu.memory_space<vmem>>)
      tpu.yield
    }) : () -> ()
    "tpu.region"() ({
      %run_scoped3A = tpu.sem_alloc : memref<!tpu.dma_semaphore, #tpu.memory_space<semaphore_mem>>
      %dma_start3A = arith.constant 0 : i32
      %dma_start3A_30 = tpu.memref_slice %arg4[%add3A_5, %dma_start3A] : memref<2500x128xi32, #tpu.memory_space<hbm>> -> memref<79x128xi32, #tpu.memory_space<hbm>>
      %dma_start3A_31 = arith.constant 0 : i32
      %dma_start3A_32 = tpu.memref_slice %arg4[%add3A_5, %dma_start3A_31] : memref<2500x128xi32, #tpu.memory_space<hbm>> -> memref<79x128xi32, #tpu.memory_space<hbm>>
      tpu.enqueue_dma source(%dma_start3A_32 : memref<79x128xi32, #tpu.memory_space<hbm>>) target(%arg8 : memref<79x128xi32, #tpu.memory_space<vmem>>) target_semaphore(%run_scoped3A : memref<!tpu.dma_semaphore, #tpu.memory_space<semaphore_mem>>)
      %dma_wait3A = arith.constant 0 : i32
      %dma_wait3A_33 = tpu.memref_slice %arg4[%add3A_5, %dma_wait3A] : memref<2500x128xi32, #tpu.memory_space<hbm>> -> memref<79x128xi32, #tpu.memory_space<hbm>>
      %dma_wait3A_34 = arith.constant 0 : i32
      %dma_wait3A_35 = tpu.memref_slice %arg4[%add3A_5, %dma_wait3A_34] : memref<2500x128xi32, #tpu.memory_space<hbm>> -> memref<79x128xi32, #tpu.memory_space<hbm>>
      tpu.wait_dma2 semaphore(%run_scoped3A : memref<!tpu.dma_semaphore, #tpu.memory_space<semaphore_mem>>) src(%dma_wait3A_35 : memref<79x128xi32, #tpu.memory_space<hbm>>) dst(%arg8 : memref<79x128xi32, #tpu.memory_space<vmem>>)
      tpu.yield
    }) : () -> ()
    %barrier3A = arith.constant 0 : index
    tpu.barrier barrier_id(%barrier3A)
    %while3A = arith.constant 0 : i32
    %while3A_16 = arith.constant 0 : i32
    %while3A_17 = arith.subi %select_n3A, %while3A_16 : i32
    %while3A_18 = arith.addi %while3A_16, %while3A_17 : i32
    %while3A_19 = arith.constant 1 : i32
    %while3A_20 = arith.divsi %while3A_17, %while3A_19 : i32
    %while3A_21 = arith.muli %while3A_20, %while3A_19 : i32
    %while3A_22 = arith.addi %while3A_16, %while3A_21 : i32
    %while3A_23 = arith.constant 1 : i32
    scf.for %while3A_30 = %while3A_16 to %while3A_22 step %while3A_23  : i32 {
      "tpu.region"() ({
        %run_scoped3A = tpu.sem_alloc : memref<!tpu.dma_semaphore, #tpu.memory_space<semaphore_mem>>
        %dma_start3A = arith.constant 0 : i32
        %dma_start3A_31 = tpu.memref_slice %arg7[%while3A_30, %dma_start3A] : memref<79x128xi32, #tpu.memory_space<vmem>> -> memref<1x128xi32, #tpu.memory_space<vmem>>
        %dma_start3A_32 = tpu.memref_squeeze %dma_start3A_31 : memref<1x128xi32, #tpu.memory_space<vmem>> -> memref<128xi32, #tpu.memory_space<vmem>>
        %dma_start3A_33 = arith.constant 0 : i32
        %dma_start3A_34 = arith.constant 0 : i32
        %dma_start3A_35 = tpu.memref_slice %arg11[%dma_start3A_33, %dma_start3A_34] : memref<10112x32xf32, #tpu.memory_space<vmem_shared>> -> memref<10112x32xf32, #tpu.memory_space<vmem_shared>>
        tpu.enqueue_indirect_dma source(%dma_start3A_35 : memref<10112x32xf32, #tpu.memory_space<vmem_shared>>) target(%arg9 : memref<128x32xf32, #tpu.memory_space<vmem>>) offsets(%dma_start3A_32 : memref<128xi32, #tpu.memory_space<vmem>>) semaphore(%run_scoped3A : memref<!tpu.dma_semaphore, #tpu.memory_space<semaphore_mem>>)
        %dma_wait3A = arith.constant 0 : i32
        %dma_wait3A_36 = tpu.memref_slice %arg7[%while3A_30, %dma_wait3A] : memref<79x128xi32, #tpu.memory_space<vmem>> -> memref<1x128xi32, #tpu.memory_space<vmem>>
        %dma_wait3A_37 = tpu.memref_squeeze %dma_wait3A_36 : memref<1x128xi32, #tpu.memory_space<vmem>> -> memref<128xi32, #tpu.memory_space<vmem>>
        %dma_wait3A_38 = arith.constant 0 : i32
        %dma_wait3A_39 = arith.constant 0 : i32
        %dma_wait3A_40 = tpu.memref_slice %arg11[%dma_wait3A_38, %dma_wait3A_39] : memref<10112x32xf32, #tpu.memory_space<vmem_shared>> -> memref<10112x32xf32, #tpu.memory_space<vmem_shared>>
        tpu.wait_indirect_dma semaphore(%run_scoped3A : memref<!tpu.dma_semaphore, #tpu.memory_space<semaphore_mem>>) src(%dma_wait3A_40 : memref<10112x32xf32, #tpu.memory_space<vmem_shared>>) dst(%arg9 : memref<128x32xf32, #tpu.memory_space<vmem>>)
        tpu.yield
      }) : () -> ()
      "tpu.region"() ({
        %run_scoped3A = tpu.sem_alloc : memref<!tpu.dma_semaphore, #tpu.memory_space<semaphore_mem>>
        %dma_start3A = arith.constant 0 : i32
        %dma_start3A_31 = tpu.memref_slice %arg8[%while3A_30, %dma_start3A] : memref<79x128xi32, #tpu.memory_space<vmem>> -> memref<1x128xi32, #tpu.memory_space<vmem>>
        %dma_start3A_32 = tpu.memref_squeeze %dma_start3A_31 : memref<1x128xi32, #tpu.memory_space<vmem>> -> memref<128xi32, #tpu.memory_space<vmem>>
        %dma_start3A_33 = arith.constant 0 : i32
        %dma_start3A_34 = arith.constant 0 : i32
        %dma_start3A_35 = tpu.memref_slice %arg10[%dma_start3A_33, %dma_start3A_34] : memref<10112x32xf32, #tpu.memory_space<vmem_shared>> -> memref<10112x32xf32, #tpu.memory_space<vmem_shared>>
        tpu.enqueue_indirect_dma source(%arg9 : memref<128x32xf32, #tpu.memory_space<vmem>>) target(%dma_start3A_35 : memref<10112x32xf32, #tpu.memory_space<vmem_shared>>) offsets(%dma_start3A_32 : memref<128xi32, #tpu.memory_space<vmem>>) semaphore(%run_scoped3A : memref<!tpu.dma_semaphore, #tpu.memory_space<semaphore_mem>>) {add = true}
        %dma_wait3A = arith.constant 0 : i32
        %dma_wait3A_36 = tpu.memref_slice %arg8[%while3A_30, %dma_wait3A] : memref<79x128xi32, #tpu.memory_space<vmem>> -> memref<1x128xi32, #tpu.memory_space<vmem>>
        %dma_wait3A_37 = tpu.memref_squeeze %dma_wait3A_36 : memref<1x128xi32, #tpu.memory_space<vmem>> -> memref<128xi32, #tpu.memory_space<vmem>>
        %dma_wait3A_38 = arith.constant 0 : i32
        %dma_wait3A_39 = arith.constant 0 : i32
        %dma_wait3A_40 = tpu.memref_slice %arg10[%dma_wait3A_38, %dma_wait3A_39] : memref<10112x32xf32, #tpu.memory_space<vmem_shared>> -> memref<10112x32xf32, #tpu.memory_space<vmem_shared>>
        tpu.wait_indirect_dma semaphore(%run_scoped3A : memref<!tpu.dma_semaphore, #tpu.memory_space<semaphore_mem>>) src(%arg9 : memref<128x32xf32, #tpu.memory_space<vmem>>) dst(%dma_wait3A_40 : memref<10112x32xf32, #tpu.memory_space<vmem_shared>>)
        tpu.yield
      }) : () -> ()
    }
    %while3A_24 = arith.constant 1 : i32
    scf.for %while3A_30 = %while3A_22 to %while3A_18 step %while3A_24  : i32 {
      "tpu.region"() ({
        %run_scoped3A = tpu.sem_alloc : memref<!tpu.dma_semaphore, #tpu.memory_space<semaphore_mem>>
        %dma_start3A = arith.constant 0 : i32
        %dma_start3A_31 = tpu.memref_slice %arg7[%while3A_30, %dma_start3A] : memref<79x128xi32, #tpu.memory_space<vmem>> -> memref<1x128xi32, #tpu.memory_space<vmem>>
        %dma_start3A_32 = tpu.memref_squeeze %dma_start3A_31 : memref<1x128xi32, #tpu.memory_space<vmem>> -> memref<128xi32, #tpu.memory_space<vmem>>
        %dma_start3A_33 = arith.constant 0 : i32
        %dma_start3A_34 = arith.constant 0 : i32
        %dma_start3A_35 = tpu.memref_slice %arg11[%dma_start3A_33, %dma_start3A_34] : memref<10112x32xf32, #tpu.memory_space<vmem_shared>> -> memref<10112x32xf32, #tpu.memory_space<vmem_shared>>
        tpu.enqueue_indirect_dma source(%dma_start3A_35 : memref<10112x32xf32, #tpu.memory_space<vmem_shared>>) target(%arg9 : memref<128x32xf32, #tpu.memory_space<vmem>>) offsets(%dma_start3A_32 : memref<128xi32, #tpu.memory_space<vmem>>) semaphore(%run_scoped3A : memref<!tpu.dma_semaphore, #tpu.memory_space<semaphore_mem>>)
        %dma_wait3A = arith.constant 0 : i32
        %dma_wait3A_36 = tpu.memref_slice %arg7[%while3A_30, %dma_wait3A] : memref<79x128xi32, #tpu.memory_space<vmem>> -> memref<1x128xi32, #tpu.memory_space<vmem>>
        %dma_wait3A_37 = tpu.memref_squeeze %dma_wait3A_36 : memref<1x128xi32, #tpu.memory_space<vmem>> -> memref<128xi32, #tpu.memory_space<vmem>>
        %dma_wait3A_38 = arith.constant 0 : i32
        %dma_wait3A_39 = arith.constant 0 : i32
        %dma_wait3A_40 = tpu.memref_slice %arg11[%dma_wait3A_38, %dma_wait3A_39] : memref<10112x32xf32, #tpu.memory_space<vmem_shared>> -> memref<10112x32xf32, #tpu.memory_space<vmem_shared>>
        tpu.wait_indirect_dma semaphore(%run_scoped3A : memref<!tpu.dma_semaphore, #tpu.memory_space<semaphore_mem>>) src(%dma_wait3A_40 : memref<10112x32xf32, #tpu.memory_space<vmem_shared>>) dst(%arg9 : memref<128x32xf32, #tpu.memory_space<vmem>>)
        tpu.yield
      }) : () -> ()
      "tpu.region"() ({
        %run_scoped3A = tpu.sem_alloc : memref<!tpu.dma_semaphore, #tpu.memory_space<semaphore_mem>>
        %dma_start3A = arith.constant 0 : i32
        %dma_start3A_31 = tpu.memref_slice %arg8[%while3A_30, %dma_start3A] : memref<79x128xi32, #tpu.memory_space<vmem>> -> memref<1x128xi32, #tpu.memory_space<vmem>>
        %dma_start3A_32 = tpu.memref_squeeze %dma_start3A_31 : memref<1x128xi32, #tpu.memory_space<vmem>> -> memref<128xi32, #tpu.memory_space<vmem>>
        %dma_start3A_33 = arith.constant 0 : i32
        %dma_start3A_34 = arith.constant 0 : i32
        %dma_start3A_35 = tpu.memref_slice %arg10[%dma_start3A_33, %dma_start3A_34] : memref<10112x32xf32, #tpu.memory_space<vmem_shared>> -> memref<10112x32xf32, #tpu.memory_space<vmem_shared>>
        tpu.enqueue_indirect_dma source(%arg9 : memref<128x32xf32, #tpu.memory_space<vmem>>) target(%dma_start3A_35 : memref<10112x32xf32, #tpu.memory_space<vmem_shared>>) offsets(%dma_start3A_32 : memref<128xi32, #tpu.memory_space<vmem>>) semaphore(%run_scoped3A : memref<!tpu.dma_semaphore, #tpu.memory_space<semaphore_mem>>) {add = true}
        %dma_wait3A = arith.constant 0 : i32
        %dma_wait3A_36 = tpu.memref_slice %arg8[%while3A_30, %dma_wait3A] : memref<79x128xi32, #tpu.memory_space<vmem>> -> memref<1x128xi32, #tpu.memory_space<vmem>>
        %dma_wait3A_37 = tpu.memref_squeeze %dma_wait3A_36 : memref<1x128xi32, #tpu.memory_space<vmem>> -> memref<128xi32, #tpu.memory_space<vmem>>
        %dma_wait3A_38 = arith.constant 0 : i32
        %dma_wait3A_39 = arith.constant 0 : i32
        %dma_wait3A_40 = tpu.memref_slice %arg10[%dma_wait3A_38, %dma_wait3A_39] : memref<10112x32xf32, #tpu.memory_space<vmem_shared>> -> memref<10112x32xf32, #tpu.memory_space<vmem_shared>>
        tpu.wait_indirect_dma semaphore(%run_scoped3A : memref<!tpu.dma_semaphore, #tpu.memory_space<semaphore_mem>>) src(%arg9 : memref<128x32xf32, #tpu.memory_space<vmem>>) dst(%dma_wait3A_40 : memref<10112x32xf32, #tpu.memory_space<vmem_shared>>)
        tpu.yield
      }) : () -> ()
    }
    %barrier3A_25 = arith.constant 0 : index
    tpu.barrier barrier_id(%barrier3A_25)
    %mul3A_26 = arith.constant 632 : i32
    %mul3A_27 = arith.muli %arg1, %mul3A_26 : i32
    %mul3A_28 = arith.constant 632 : i32
    %mul3A_29 = arith.muli %arg1, %mul3A_28 : i32
    "tpu.region"() ({
      %run_scoped3A = tpu.sem_alloc : memref<!tpu.dma_semaphore, #tpu.memory_space<semaphore_mem>>
      %dma_start3A = arith.constant 0 : i32
      %dma_start3A_30 = tpu.memref_slice %arg6[%arg0, %mul3A_29, %dma_start3A] : memref<2x10112x32xf32, #tpu.memory_space<hbm>> -> memref<1x632x32xf32, #tpu.memory_space<hbm>>
      %dma_start3A_31 = tpu.memref_squeeze %dma_start3A_30 : memref<1x632x32xf32, #tpu.memory_space<hbm>> -> memref<632x32xf32, #tpu.memory_space<hbm>>
      %dma_start3A_32 = arith.constant 0 : i32
      %dma_start3A_33 = tpu.memref_slice %arg10[%mul3A_27, %dma_start3A_32] : memref<10112x32xf32, #tpu.memory_space<vmem_shared>> -> memref<632x32xf32, #tpu.memory_space<vmem_shared>>
      tpu.enqueue_dma source(%dma_start3A_33 : memref<632x32xf32, #tpu.memory_space<vmem_shared>>) target(%dma_start3A_31 : memref<632x32xf32, #tpu.memory_space<hbm>>) target_semaphore(%run_scoped3A : memref<!tpu.dma_semaphore, #tpu.memory_space<semaphore_mem>>)
      %dma_wait3A = arith.constant 0 : i32
      %dma_wait3A_34 = tpu.memref_slice %arg6[%arg0, %mul3A_29, %dma_wait3A] : memref<2x10112x32xf32, #tpu.memory_space<hbm>> -> memref<1x632x32xf32, #tpu.memory_space<hbm>>
      %dma_wait3A_35 = tpu.memref_squeeze %dma_wait3A_34 : memref<1x632x32xf32, #tpu.memory_space<hbm>> -> memref<632x32xf32, #tpu.memory_space<hbm>>
      %dma_wait3A_36 = arith.constant 0 : i32
      %dma_wait3A_37 = tpu.memref_slice %arg10[%mul3A_27, %dma_wait3A_36] : memref<10112x32xf32, #tpu.memory_space<vmem_shared>> -> memref<632x32xf32, #tpu.memory_space<vmem_shared>>
      tpu.wait_dma2 semaphore(%run_scoped3A : memref<!tpu.dma_semaphore, #tpu.memory_space<semaphore_mem>>) src(%dma_wait3A_37 : memref<632x32xf32, #tpu.memory_space<vmem_shared>>) dst(%dma_wait3A_35 : memref<632x32xf32, #tpu.memory_space<hbm>>)
      tpu.yield
    }) : () -> ()
    return
  }
}

#map = affine_map<(d0, d1) -> (0, 0)>
#map1 = affine_map<(d0, d1) -> (0, 0, 0)>
module attributes {stable_mosaic.version = 14 : i64} {
  func.func @_sc_agg(%arg0: i32, %arg1: i32, %arg2: memref<10112x32xf32, #tpu.memory_space<hbm>>, %arg3: memref<2500x128xi32, #tpu.memory_space<hbm>>, %arg4: memref<2500x128xi32, #tpu.memory_space<hbm>>, %arg5: memref<10112x32xf32, #tpu.memory_space<hbm>>, %arg6: memref<2x10112x32xf32, #tpu.memory_space<hbm>>, %arg7: memref<79x128xi32, #tpu.memory_space<vmem>>, %arg8: memref<79x128xi32, #tpu.memory_space<vmem>>, %arg9: memref<128x32xf32, #tpu.memory_space<vmem>>, %arg10: memref<10112x32xf32, #tpu.memory_space<vmem_shared>>, %arg11: memref<10112x32xf32, #tpu.memory_space<vmem_shared>>) attributes {dimension_semantics = [#tpu.dimension_semantics<core_parallel>, #tpu.dimension_semantics<subcore_parallel>], iteration_bounds = array<i64: 2, 16>, scalar_prefetch = 0 : i64, scratch_operands = 5 : i64, tpu.core_type = #tpu.core_type<sc_vector_subcore>, window_params = [{transform_indices = #map}, {transform_indices = #map}, {transform_indices = #map}, {transform_indices = #map}, {transform_indices = #map1}]} {
    %mul3A = arith.constant 16 : i32
    %mul3A_0 = arith.muli %arg0, %mul3A : i32
    %add3A = arith.addi %mul3A_0, %arg1 : i32
    %mul3A_1 = arith.constant 78 : i32
    %mul3A_2 = arith.muli %mul3A_1, %add3A : i32
    %sub3A = arith.constant 28 : i32
    %sub3A_3 = arith.subi %add3A, %sub3A : i32
    %max3A = arith.constant 0 : i32
    %max3A_4 = arith.maxsi %max3A, %sub3A_3 : i32
    %add3A_5 = arith.addi %mul3A_2, %max3A_4 : i32
    %ge3A = arith.constant 28 : i32
    %ge3A_6 = arith.cmpi sge, %add3A, %ge3A : i32
    %jit3A = arith.constant 79 : i32
    %jit3A_7 = arith.constant 78 : i32
    %select_n3A = arith.select %ge3A_6, %jit3A, %jit3A_7 : i32
    %mul3A_8 = arith.constant 632 : i32
    %mul3A_9 = arith.muli %arg1, %mul3A_8 : i32
    %mul3A_10 = arith.constant 632 : i32
    %mul3A_11 = arith.muli %arg1, %mul3A_10 : i32
    "tpu.region"() ({
      %run_scoped3A = tpu.sem_alloc : memref<!tpu.dma_semaphore, #tpu.memory_space<semaphore_mem>>
      %dma_start3A = arith.constant 0 : i32
      %dma_start3A_30 = tpu.memref_slice %arg10[%mul3A_11, %dma_start3A] : memref<10112x32xf32, #tpu.memory_space<vmem_shared>> -> memref<632x32xf32, #tpu.memory_space<vmem_shared>>
      %dma_start3A_31 = arith.constant 0 : i32
      %dma_start3A_32 = tpu.memref_slice %arg5[%mul3A_9, %dma_start3A_31] : memref<10112x32xf32, #tpu.memory_space<hbm>> -> memref<632x32xf32, #tpu.memory_space<hbm>>
      tpu.enqueue_dma source(%dma_start3A_32 : memref<632x32xf32, #tpu.memory_space<hbm>>) target(%dma_start3A_30 : memref<632x32xf32, #tpu.memory_space<vmem_shared>>) target_semaphore(%run_scoped3A : memref<!tpu.dma_semaphore, #tpu.memory_space<semaphore_mem>>)
      %dma_wait3A = arith.constant 0 : i32
      %dma_wait3A_33 = tpu.memref_slice %arg10[%mul3A_11, %dma_wait3A] : memref<10112x32xf32, #tpu.memory_space<vmem_shared>> -> memref<632x32xf32, #tpu.memory_space<vmem_shared>>
      %dma_wait3A_34 = arith.constant 0 : i32
      %dma_wait3A_35 = tpu.memref_slice %arg5[%mul3A_9, %dma_wait3A_34] : memref<10112x32xf32, #tpu.memory_space<hbm>> -> memref<632x32xf32, #tpu.memory_space<hbm>>
      tpu.wait_dma2 semaphore(%run_scoped3A : memref<!tpu.dma_semaphore, #tpu.memory_space<semaphore_mem>>) src(%dma_wait3A_35 : memref<632x32xf32, #tpu.memory_space<hbm>>) dst(%dma_wait3A_33 : memref<632x32xf32, #tpu.memory_space<vmem_shared>>)
      tpu.yield
    }) : () -> ()
    %mul3A_12 = arith.constant 632 : i32
    %mul3A_13 = arith.muli %arg1, %mul3A_12 : i32
    %mul3A_14 = arith.constant 632 : i32
    %mul3A_15 = arith.muli %arg1, %mul3A_14 : i32
    "tpu.region"() ({
      %run_scoped3A = tpu.sem_alloc : memref<!tpu.dma_semaphore, #tpu.memory_space<semaphore_mem>>
      %dma_start3A = arith.constant 0 : i32
      %dma_start3A_30 = tpu.memref_slice %arg11[%mul3A_15, %dma_start3A] : memref<10112x32xf32, #tpu.memory_space<vmem_shared>> -> memref<632x32xf32, #tpu.memory_space<vmem_shared>>
      %dma_start3A_31 = arith.constant 0 : i32
      %dma_start3A_32 = tpu.memref_slice %arg2[%mul3A_13, %dma_start3A_31] : memref<10112x32xf32, #tpu.memory_space<hbm>> -> memref<632x32xf32, #tpu.memory_space<hbm>>
      tpu.enqueue_dma source(%dma_start3A_32 : memref<632x32xf32, #tpu.memory_space<hbm>>) target(%dma_start3A_30 : memref<632x32xf32, #tpu.memory_space<vmem_shared>>) target_semaphore(%run_scoped3A : memref<!tpu.dma_semaphore, #tpu.memory_space<semaphore_mem>>)
      %dma_wait3A = arith.constant 0 : i32
      %dma_wait3A_33 = tpu.memref_slice %arg11[%mul3A_15, %dma_wait3A] : memref<10112x32xf32, #tpu.memory_space<vmem_shared>> -> memref<632x32xf32, #tpu.memory_space<vmem_shared>>
      %dma_wait3A_34 = arith.constant 0 : i32
      %dma_wait3A_35 = tpu.memref_slice %arg2[%mul3A_13, %dma_wait3A_34] : memref<10112x32xf32, #tpu.memory_space<hbm>> -> memref<632x32xf32, #tpu.memory_space<hbm>>
      tpu.wait_dma2 semaphore(%run_scoped3A : memref<!tpu.dma_semaphore, #tpu.memory_space<semaphore_mem>>) src(%dma_wait3A_35 : memref<632x32xf32, #tpu.memory_space<hbm>>) dst(%dma_wait3A_33 : memref<632x32xf32, #tpu.memory_space<vmem_shared>>)
      tpu.yield
    }) : () -> ()
    "tpu.region"() ({
      %run_scoped3A = tpu.sem_alloc : memref<!tpu.dma_semaphore, #tpu.memory_space<semaphore_mem>>
      %dma_start3A = arith.constant 0 : i32
      %dma_start3A_30 = tpu.memref_slice %arg3[%add3A_5, %dma_start3A] : memref<2500x128xi32, #tpu.memory_space<hbm>> -> memref<79x128xi32, #tpu.memory_space<hbm>>
      %dma_start3A_31 = arith.constant 0 : i32
      %dma_start3A_32 = tpu.memref_slice %arg3[%add3A_5, %dma_start3A_31] : memref<2500x128xi32, #tpu.memory_space<hbm>> -> memref<79x128xi32, #tpu.memory_space<hbm>>
      tpu.enqueue_dma source(%dma_start3A_32 : memref<79x128xi32, #tpu.memory_space<hbm>>) target(%arg7 : memref<79x128xi32, #tpu.memory_space<vmem>>) target_semaphore(%run_scoped3A : memref<!tpu.dma_semaphore, #tpu.memory_space<semaphore_mem>>)
      %dma_wait3A = arith.constant 0 : i32
      %dma_wait3A_33 = tpu.memref_slice %arg3[%add3A_5, %dma_wait3A] : memref<2500x128xi32, #tpu.memory_space<hbm>> -> memref<79x128xi32, #tpu.memory_space<hbm>>
      %dma_wait3A_34 = arith.constant 0 : i32
      %dma_wait3A_35 = tpu.memref_slice %arg3[%add3A_5, %dma_wait3A_34] : memref<2500x128xi32, #tpu.memory_space<hbm>> -> memref<79x128xi32, #tpu.memory_space<hbm>>
      tpu.wait_dma2 semaphore(%run_scoped3A : memref<!tpu.dma_semaphore, #tpu.memory_space<semaphore_mem>>) src(%dma_wait3A_35 : memref<79x128xi32, #tpu.memory_space<hbm>>) dst(%arg7 : memref<79x128xi32, #tpu.memory_space<vmem>>)
      tpu.yield
    }) : () -> ()
    "tpu.region"() ({
      %run_scoped3A = tpu.sem_alloc : memref<!tpu.dma_semaphore, #tpu.memory_space<semaphore_mem>>
      %dma_start3A = arith.constant 0 : i32
      %dma_start3A_30 = tpu.memref_slice %arg4[%add3A_5, %dma_start3A] : memref<2500x128xi32, #tpu.memory_space<hbm>> -> memref<79x128xi32, #tpu.memory_space<hbm>>
      %dma_start3A_31 = arith.constant 0 : i32
      %dma_start3A_32 = tpu.memref_slice %arg4[%add3A_5, %dma_start3A_31] : memref<2500x128xi32, #tpu.memory_space<hbm>> -> memref<79x128xi32, #tpu.memory_space<hbm>>
      tpu.enqueue_dma source(%dma_start3A_32 : memref<79x128xi32, #tpu.memory_space<hbm>>) target(%arg8 : memref<79x128xi32, #tpu.memory_space<vmem>>) target_semaphore(%run_scoped3A : memref<!tpu.dma_semaphore, #tpu.memory_space<semaphore_mem>>)
      %dma_wait3A = arith.constant 0 : i32
      %dma_wait3A_33 = tpu.memref_slice %arg4[%add3A_5, %dma_wait3A] : memref<2500x128xi32, #tpu.memory_space<hbm>> -> memref<79x128xi32, #tpu.memory_space<hbm>>
      %dma_wait3A_34 = arith.constant 0 : i32
      %dma_wait3A_35 = tpu.memref_slice %arg4[%add3A_5, %dma_wait3A_34] : memref<2500x128xi32, #tpu.memory_space<hbm>> -> memref<79x128xi32, #tpu.memory_space<hbm>>
      tpu.wait_dma2 semaphore(%run_scoped3A : memref<!tpu.dma_semaphore, #tpu.memory_space<semaphore_mem>>) src(%dma_wait3A_35 : memref<79x128xi32, #tpu.memory_space<hbm>>) dst(%arg8 : memref<79x128xi32, #tpu.memory_space<vmem>>)
      tpu.yield
    }) : () -> ()
    %barrier3A = arith.constant 0 : index
    tpu.barrier barrier_id(%barrier3A)
    %while3A = arith.constant 0 : i32
    %while3A_16 = arith.constant 0 : i32
    %while3A_17 = arith.subi %select_n3A, %while3A_16 : i32
    %while3A_18 = arith.addi %while3A_16, %while3A_17 : i32
    %while3A_19 = arith.constant 1 : i32
    %while3A_20 = arith.divsi %while3A_17, %while3A_19 : i32
    %while3A_21 = arith.muli %while3A_20, %while3A_19 : i32
    %while3A_22 = arith.addi %while3A_16, %while3A_21 : i32
    %while3A_23 = arith.constant 1 : i32
    scf.for %while3A_30 = %while3A_16 to %while3A_22 step %while3A_23  : i32 {
      "tpu.region"() ({
        %run_scoped3A = tpu.sem_alloc : memref<!tpu.dma_semaphore, #tpu.memory_space<semaphore_mem>>
        %dma_start3A = arith.constant 0 : i32
        %dma_start3A_31 = tpu.memref_slice %arg7[%while3A_30, %dma_start3A] : memref<79x128xi32, #tpu.memory_space<vmem>> -> memref<1x128xi32, #tpu.memory_space<vmem>>
        %dma_start3A_32 = tpu.memref_squeeze %dma_start3A_31 : memref<1x128xi32, #tpu.memory_space<vmem>> -> memref<128xi32, #tpu.memory_space<vmem>>
        %dma_start3A_33 = arith.constant 0 : i32
        %dma_start3A_34 = arith.constant 0 : i32
        %dma_start3A_35 = tpu.memref_slice %arg11[%dma_start3A_33, %dma_start3A_34] : memref<10112x32xf32, #tpu.memory_space<vmem_shared>> -> memref<10112x32xf32, #tpu.memory_space<vmem_shared>>
        tpu.enqueue_indirect_dma source(%dma_start3A_35 : memref<10112x32xf32, #tpu.memory_space<vmem_shared>>) target(%arg9 : memref<128x32xf32, #tpu.memory_space<vmem>>) offsets(%dma_start3A_32 : memref<128xi32, #tpu.memory_space<vmem>>) semaphore(%run_scoped3A : memref<!tpu.dma_semaphore, #tpu.memory_space<semaphore_mem>>)
        %dma_wait3A = arith.constant 0 : i32
        %dma_wait3A_36 = tpu.memref_slice %arg7[%while3A_30, %dma_wait3A] : memref<79x128xi32, #tpu.memory_space<vmem>> -> memref<1x128xi32, #tpu.memory_space<vmem>>
        %dma_wait3A_37 = tpu.memref_squeeze %dma_wait3A_36 : memref<1x128xi32, #tpu.memory_space<vmem>> -> memref<128xi32, #tpu.memory_space<vmem>>
        %dma_wait3A_38 = arith.constant 0 : i32
        %dma_wait3A_39 = arith.constant 0 : i32
        %dma_wait3A_40 = tpu.memref_slice %arg11[%dma_wait3A_38, %dma_wait3A_39] : memref<10112x32xf32, #tpu.memory_space<vmem_shared>> -> memref<10112x32xf32, #tpu.memory_space<vmem_shared>>
        tpu.wait_indirect_dma semaphore(%run_scoped3A : memref<!tpu.dma_semaphore, #tpu.memory_space<semaphore_mem>>) src(%dma_wait3A_40 : memref<10112x32xf32, #tpu.memory_space<vmem_shared>>) dst(%arg9 : memref<128x32xf32, #tpu.memory_space<vmem>>)
        tpu.yield
      }) : () -> ()
      "tpu.region"() ({
        %run_scoped3A = tpu.sem_alloc : memref<!tpu.dma_semaphore, #tpu.memory_space<semaphore_mem>>
        %dma_start3A = arith.constant 0 : i32
        %dma_start3A_31 = tpu.memref_slice %arg8[%while3A_30, %dma_start3A] : memref<79x128xi32, #tpu.memory_space<vmem>> -> memref<1x128xi32, #tpu.memory_space<vmem>>
        %dma_start3A_32 = tpu.memref_squeeze %dma_start3A_31 : memref<1x128xi32, #tpu.memory_space<vmem>> -> memref<128xi32, #tpu.memory_space<vmem>>
        %dma_start3A_33 = arith.constant 0 : i32
        %dma_start3A_34 = arith.constant 0 : i32
        %dma_start3A_35 = tpu.memref_slice %arg10[%dma_start3A_33, %dma_start3A_34] : memref<10112x32xf32, #tpu.memory_space<vmem_shared>> -> memref<10112x32xf32, #tpu.memory_space<vmem_shared>>
        tpu.enqueue_indirect_dma source(%arg9 : memref<128x32xf32, #tpu.memory_space<vmem>>) target(%dma_start3A_35 : memref<10112x32xf32, #tpu.memory_space<vmem_shared>>) offsets(%dma_start3A_32 : memref<128xi32, #tpu.memory_space<vmem>>) semaphore(%run_scoped3A : memref<!tpu.dma_semaphore, #tpu.memory_space<semaphore_mem>>) {add = true}
        %dma_wait3A = arith.constant 0 : i32
        %dma_wait3A_36 = tpu.memref_slice %arg8[%while3A_30, %dma_wait3A] : memref<79x128xi32, #tpu.memory_space<vmem>> -> memref<1x128xi32, #tpu.memory_space<vmem>>
        %dma_wait3A_37 = tpu.memref_squeeze %dma_wait3A_36 : memref<1x128xi32, #tpu.memory_space<vmem>> -> memref<128xi32, #tpu.memory_space<vmem>>
        %dma_wait3A_38 = arith.constant 0 : i32
        %dma_wait3A_39 = arith.constant 0 : i32
        %dma_wait3A_40 = tpu.memref_slice %arg10[%dma_wait3A_38, %dma_wait3A_39] : memref<10112x32xf32, #tpu.memory_space<vmem_shared>> -> memref<10112x32xf32, #tpu.memory_space<vmem_shared>>
        tpu.wait_indirect_dma semaphore(%run_scoped3A : memref<!tpu.dma_semaphore, #tpu.memory_space<semaphore_mem>>) src(%arg9 : memref<128x32xf32, #tpu.memory_space<vmem>>) dst(%dma_wait3A_40 : memref<10112x32xf32, #tpu.memory_space<vmem_shared>>)
        tpu.yield
      }) : () -> ()
    }
    %while3A_24 = arith.constant 1 : i32
    scf.for %while3A_30 = %while3A_22 to %while3A_18 step %while3A_24  : i32 {
      "tpu.region"() ({
        %run_scoped3A = tpu.sem_alloc : memref<!tpu.dma_semaphore, #tpu.memory_space<semaphore_mem>>
        %dma_start3A = arith.constant 0 : i32
        %dma_start3A_31 = tpu.memref_slice %arg7[%while3A_30, %dma_start3A] : memref<79x128xi32, #tpu.memory_space<vmem>> -> memref<1x128xi32, #tpu.memory_space<vmem>>
        %dma_start3A_32 = tpu.memref_squeeze %dma_start3A_31 : memref<1x128xi32, #tpu.memory_space<vmem>> -> memref<128xi32, #tpu.memory_space<vmem>>
        %dma_start3A_33 = arith.constant 0 : i32
        %dma_start3A_34 = arith.constant 0 : i32
        %dma_start3A_35 = tpu.memref_slice %arg11[%dma_start3A_33, %dma_start3A_34] : memref<10112x32xf32, #tpu.memory_space<vmem_shared>> -> memref<10112x32xf32, #tpu.memory_space<vmem_shared>>
        tpu.enqueue_indirect_dma source(%dma_start3A_35 : memref<10112x32xf32, #tpu.memory_space<vmem_shared>>) target(%arg9 : memref<128x32xf32, #tpu.memory_space<vmem>>) offsets(%dma_start3A_32 : memref<128xi32, #tpu.memory_space<vmem>>) semaphore(%run_scoped3A : memref<!tpu.dma_semaphore, #tpu.memory_space<semaphore_mem>>)
        %dma_wait3A = arith.constant 0 : i32
        %dma_wait3A_36 = tpu.memref_slice %arg7[%while3A_30, %dma_wait3A] : memref<79x128xi32, #tpu.memory_space<vmem>> -> memref<1x128xi32, #tpu.memory_space<vmem>>
        %dma_wait3A_37 = tpu.memref_squeeze %dma_wait3A_36 : memref<1x128xi32, #tpu.memory_space<vmem>> -> memref<128xi32, #tpu.memory_space<vmem>>
        %dma_wait3A_38 = arith.constant 0 : i32
        %dma_wait3A_39 = arith.constant 0 : i32
        %dma_wait3A_40 = tpu.memref_slice %arg11[%dma_wait3A_38, %dma_wait3A_39] : memref<10112x32xf32, #tpu.memory_space<vmem_shared>> -> memref<10112x32xf32, #tpu.memory_space<vmem_shared>>
        tpu.wait_indirect_dma semaphore(%run_scoped3A : memref<!tpu.dma_semaphore, #tpu.memory_space<semaphore_mem>>) src(%dma_wait3A_40 : memref<10112x32xf32, #tpu.memory_space<vmem_shared>>) dst(%arg9 : memref<128x32xf32, #tpu.memory_space<vmem>>)
        tpu.yield
      }) : () -> ()
      "tpu.region"() ({
        %run_scoped3A = tpu.sem_alloc : memref<!tpu.dma_semaphore, #tpu.memory_space<semaphore_mem>>
        %dma_start3A = arith.constant 0 : i32
        %dma_start3A_31 = tpu.memref_slice %arg8[%while3A_30, %dma_start3A] : memref<79x128xi32, #tpu.memory_space<vmem>> -> memref<1x128xi32, #tpu.memory_space<vmem>>
        %dma_start3A_32 = tpu.memref_squeeze %dma_start3A_31 : memref<1x128xi32, #tpu.memory_space<vmem>> -> memref<128xi32, #tpu.memory_space<vmem>>
        %dma_start3A_33 = arith.constant 0 : i32
        %dma_start3A_34 = arith.constant 0 : i32
        %dma_start3A_35 = tpu.memref_slice %arg10[%dma_start3A_33, %dma_start3A_34] : memref<10112x32xf32, #tpu.memory_space<vmem_shared>> -> memref<10112x32xf32, #tpu.memory_space<vmem_shared>>
        tpu.enqueue_indirect_dma source(%arg9 : memref<128x32xf32, #tpu.memory_space<vmem>>) target(%dma_start3A_35 : memref<10112x32xf32, #tpu.memory_space<vmem_shared>>) offsets(%dma_start3A_32 : memref<128xi32, #tpu.memory_space<vmem>>) semaphore(%run_scoped3A : memref<!tpu.dma_semaphore, #tpu.memory_space<semaphore_mem>>) {add = true}
        %dma_wait3A = arith.constant 0 : i32
        %dma_wait3A_36 = tpu.memref_slice %arg8[%while3A_30, %dma_wait3A] : memref<79x128xi32, #tpu.memory_space<vmem>> -> memref<1x128xi32, #tpu.memory_space<vmem>>
        %dma_wait3A_37 = tpu.memref_squeeze %dma_wait3A_36 : memref<1x128xi32, #tpu.memory_space<vmem>> -> memref<128xi32, #tpu.memory_space<vmem>>
        %dma_wait3A_38 = arith.constant 0 : i32
        %dma_wait3A_39 = arith.constant 0 : i32
        %dma_wait3A_40 = tpu.memref_slice %arg10[%dma_wait3A_38, %dma_wait3A_39] : memref<10112x32xf32, #tpu.memory_space<vmem_shared>> -> memref<10112x32xf32, #tpu.memory_space<vmem_shared>>
        tpu.wait_indirect_dma semaphore(%run_scoped3A : memref<!tpu.dma_semaphore, #tpu.memory_space<semaphore_mem>>) src(%arg9 : memref<128x32xf32, #tpu.memory_space<vmem>>) dst(%dma_wait3A_40 : memref<10112x32xf32, #tpu.memory_space<vmem_shared>>)
        tpu.yield
      }) : () -> ()
    }
    %barrier3A_25 = arith.constant 0 : index
    tpu.barrier barrier_id(%barrier3A_25)
    %mul3A_26 = arith.constant 632 : i32
    %mul3A_27 = arith.muli %arg1, %mul3A_26 : i32
    %mul3A_28 = arith.constant 632 : i32
    %mul3A_29 = arith.muli %arg1, %mul3A_28 : i32
    "tpu.region"() ({
      %run_scoped3A = tpu.sem_alloc : memref<!tpu.dma_semaphore, #tpu.memory_space<semaphore_mem>>
      %dma_start3A = arith.constant 0 : i32
      %dma_start3A_30 = tpu.memref_slice %arg6[%arg0, %mul3A_29, %dma_start3A] : memref<2x10112x32xf32, #tpu.memory_space<hbm>> -> memref<1x632x32xf32, #tpu.memory_space<hbm>>
      %dma_start3A_31 = tpu.memref_squeeze %dma_start3A_30 : memref<1x632x32xf32, #tpu.memory_space<hbm>> -> memref<632x32xf32, #tpu.memory_space<hbm>>
      %dma_start3A_32 = arith.constant 0 : i32
      %dma_start3A_33 = tpu.memref_slice %arg10[%mul3A_27, %dma_start3A_32] : memref<10112x32xf32, #tpu.memory_space<vmem_shared>> -> memref<632x32xf32, #tpu.memory_space<vmem_shared>>
      tpu.enqueue_dma source(%dma_start3A_33 : memref<632x32xf32, #tpu.memory_space<vmem_shared>>) target(%dma_start3A_31 : memref<632x32xf32, #tpu.memory_space<hbm>>) target_semaphore(%run_scoped3A : memref<!tpu.dma_semaphore, #tpu.memory_space<semaphore_mem>>)
      %dma_wait3A = arith.constant 0 : i32
      %dma_wait3A_34 = tpu.memref_slice %arg6[%arg0, %mul3A_29, %dma_wait3A] : memref<2x10112x32xf32, #tpu.memory_space<hbm>> -> memref<1x632x32xf32, #tpu.memory_space<hbm>>
      %dma_wait3A_35 = tpu.memref_squeeze %dma_wait3A_34 : memref<1x632x32xf32, #tpu.memory_space<hbm>> -> memref<632x32xf32, #tpu.memory_space<hbm>>
      %dma_wait3A_36 = arith.constant 0 : i32
      %dma_wait3A_37 = tpu.memref_slice %arg10[%mul3A_27, %dma_wait3A_36] : memref<10112x32xf32, #tpu.memory_space<vmem_shared>> -> memref<632x32xf32, #tpu.memory_space<vmem_shared>>
      tpu.wait_dma2 semaphore(%run_scoped3A : memref<!tpu.dma_semaphore, #tpu.memory_space<semaphore_mem>>) src(%dma_wait3A_37 : memref<632x32xf32, #tpu.memory_space<vmem_shared>>) dst(%dma_wait3A_35 : memref<632x32xf32, #tpu.memory_space<hbm>>)
      tpu.yield
    }) : () -> ()
    return
  }
}

#map = affine_map<(d0, d1) -> (0, 0)>
#map1 = affine_map<(d0, d1) -> (0, 0, 0)>
module attributes {stable_mosaic.version = 14 : i64} {
  func.func @_sc_agg(%arg0: i32, %arg1: i32, %arg2: memref<10112x32xf32, #tpu.memory_space<hbm>>, %arg3: memref<2500x128xi32, #tpu.memory_space<hbm>>, %arg4: memref<2500x128xi32, #tpu.memory_space<hbm>>, %arg5: memref<10112x32xf32, #tpu.memory_space<hbm>>, %arg6: memref<2x10112x32xf32, #tpu.memory_space<hbm>>, %arg7: memref<79x128xi32, #tpu.memory_space<vmem>>, %arg8: memref<79x128xi32, #tpu.memory_space<vmem>>, %arg9: memref<128x32xf32, #tpu.memory_space<vmem>>, %arg10: memref<10112x32xf32, #tpu.memory_space<vmem_shared>>, %arg11: memref<10112x32xf32, #tpu.memory_space<vmem_shared>>) attributes {dimension_semantics = [#tpu.dimension_semantics<core_parallel>, #tpu.dimension_semantics<subcore_parallel>], iteration_bounds = array<i64: 2, 16>, scalar_prefetch = 0 : i64, scratch_operands = 5 : i64, tpu.core_type = #tpu.core_type<sc_vector_subcore>, window_params = [{transform_indices = #map}, {transform_indices = #map}, {transform_indices = #map}, {transform_indices = #map}, {transform_indices = #map1}]} {
    %mul3A = arith.constant 16 : i32
    %mul3A_0 = arith.muli %arg0, %mul3A : i32
    %add3A = arith.addi %mul3A_0, %arg1 : i32
    %mul3A_1 = arith.constant 78 : i32
    %mul3A_2 = arith.muli %mul3A_1, %add3A : i32
    %sub3A = arith.constant 28 : i32
    %sub3A_3 = arith.subi %add3A, %sub3A : i32
    %max3A = arith.constant 0 : i32
    %max3A_4 = arith.maxsi %max3A, %sub3A_3 : i32
    %add3A_5 = arith.addi %mul3A_2, %max3A_4 : i32
    %ge3A = arith.constant 28 : i32
    %ge3A_6 = arith.cmpi sge, %add3A, %ge3A : i32
    %jit3A = arith.constant 79 : i32
    %jit3A_7 = arith.constant 78 : i32
    %select_n3A = arith.select %ge3A_6, %jit3A, %jit3A_7 : i32
    %mul3A_8 = arith.constant 632 : i32
    %mul3A_9 = arith.muli %arg1, %mul3A_8 : i32
    %mul3A_10 = arith.constant 632 : i32
    %mul3A_11 = arith.muli %arg1, %mul3A_10 : i32
    "tpu.region"() ({
      %run_scoped3A = tpu.sem_alloc : memref<!tpu.dma_semaphore, #tpu.memory_space<semaphore_mem>>
      %dma_start3A = arith.constant 0 : i32
      %dma_start3A_30 = tpu.memref_slice %arg10[%mul3A_11, %dma_start3A] : memref<10112x32xf32, #tpu.memory_space<vmem_shared>> -> memref<632x32xf32, #tpu.memory_space<vmem_shared>>
      %dma_start3A_31 = arith.constant 0 : i32
      %dma_start3A_32 = tpu.memref_slice %arg5[%mul3A_9, %dma_start3A_31] : memref<10112x32xf32, #tpu.memory_space<hbm>> -> memref<632x32xf32, #tpu.memory_space<hbm>>
      tpu.enqueue_dma source(%dma_start3A_32 : memref<632x32xf32, #tpu.memory_space<hbm>>) target(%dma_start3A_30 : memref<632x32xf32, #tpu.memory_space<vmem_shared>>) target_semaphore(%run_scoped3A : memref<!tpu.dma_semaphore, #tpu.memory_space<semaphore_mem>>)
      %dma_wait3A = arith.constant 0 : i32
      %dma_wait3A_33 = tpu.memref_slice %arg10[%mul3A_11, %dma_wait3A] : memref<10112x32xf32, #tpu.memory_space<vmem_shared>> -> memref<632x32xf32, #tpu.memory_space<vmem_shared>>
      %dma_wait3A_34 = arith.constant 0 : i32
      %dma_wait3A_35 = tpu.memref_slice %arg5[%mul3A_9, %dma_wait3A_34] : memref<10112x32xf32, #tpu.memory_space<hbm>> -> memref<632x32xf32, #tpu.memory_space<hbm>>
      tpu.wait_dma2 semaphore(%run_scoped3A : memref<!tpu.dma_semaphore, #tpu.memory_space<semaphore_mem>>) src(%dma_wait3A_35 : memref<632x32xf32, #tpu.memory_space<hbm>>) dst(%dma_wait3A_33 : memref<632x32xf32, #tpu.memory_space<vmem_shared>>)
      tpu.yield
    }) : () -> ()
    %mul3A_12 = arith.constant 632 : i32
    %mul3A_13 = arith.muli %arg1, %mul3A_12 : i32
    %mul3A_14 = arith.constant 632 : i32
    %mul3A_15 = arith.muli %arg1, %mul3A_14 : i32
    "tpu.region"() ({
      %run_scoped3A = tpu.sem_alloc : memref<!tpu.dma_semaphore, #tpu.memory_space<semaphore_mem>>
      %dma_start3A = arith.constant 0 : i32
      %dma_start3A_30 = tpu.memref_slice %arg11[%mul3A_15, %dma_start3A] : memref<10112x32xf32, #tpu.memory_space<vmem_shared>> -> memref<632x32xf32, #tpu.memory_space<vmem_shared>>
      %dma_start3A_31 = arith.constant 0 : i32
      %dma_start3A_32 = tpu.memref_slice %arg2[%mul3A_13, %dma_start3A_31] : memref<10112x32xf32, #tpu.memory_space<hbm>> -> memref<632x32xf32, #tpu.memory_space<hbm>>
      tpu.enqueue_dma source(%dma_start3A_32 : memref<632x32xf32, #tpu.memory_space<hbm>>) target(%dma_start3A_30 : memref<632x32xf32, #tpu.memory_space<vmem_shared>>) target_semaphore(%run_scoped3A : memref<!tpu.dma_semaphore, #tpu.memory_space<semaphore_mem>>)
      %dma_wait3A = arith.constant 0 : i32
      %dma_wait3A_33 = tpu.memref_slice %arg11[%mul3A_15, %dma_wait3A] : memref<10112x32xf32, #tpu.memory_space<vmem_shared>> -> memref<632x32xf32, #tpu.memory_space<vmem_shared>>
      %dma_wait3A_34 = arith.constant 0 : i32
      %dma_wait3A_35 = tpu.memref_slice %arg2[%mul3A_13, %dma_wait3A_34] : memref<10112x32xf32, #tpu.memory_space<hbm>> -> memref<632x32xf32, #tpu.memory_space<hbm>>
      tpu.wait_dma2 semaphore(%run_scoped3A : memref<!tpu.dma_semaphore, #tpu.memory_space<semaphore_mem>>) src(%dma_wait3A_35 : memref<632x32xf32, #tpu.memory_space<hbm>>) dst(%dma_wait3A_33 : memref<632x32xf32, #tpu.memory_space<vmem_shared>>)
      tpu.yield
    }) : () -> ()
    "tpu.region"() ({
      %run_scoped3A = tpu.sem_alloc : memref<!tpu.dma_semaphore, #tpu.memory_space<semaphore_mem>>
      %dma_start3A = arith.constant 0 : i32
      %dma_start3A_30 = tpu.memref_slice %arg3[%add3A_5, %dma_start3A] : memref<2500x128xi32, #tpu.memory_space<hbm>> -> memref<79x128xi32, #tpu.memory_space<hbm>>
      %dma_start3A_31 = arith.constant 0 : i32
      %dma_start3A_32 = tpu.memref_slice %arg3[%add3A_5, %dma_start3A_31] : memref<2500x128xi32, #tpu.memory_space<hbm>> -> memref<79x128xi32, #tpu.memory_space<hbm>>
      tpu.enqueue_dma source(%dma_start3A_32 : memref<79x128xi32, #tpu.memory_space<hbm>>) target(%arg7 : memref<79x128xi32, #tpu.memory_space<vmem>>) target_semaphore(%run_scoped3A : memref<!tpu.dma_semaphore, #tpu.memory_space<semaphore_mem>>)
      %dma_wait3A = arith.constant 0 : i32
      %dma_wait3A_33 = tpu.memref_slice %arg3[%add3A_5, %dma_wait3A] : memref<2500x128xi32, #tpu.memory_space<hbm>> -> memref<79x128xi32, #tpu.memory_space<hbm>>
      %dma_wait3A_34 = arith.constant 0 : i32
      %dma_wait3A_35 = tpu.memref_slice %arg3[%add3A_5, %dma_wait3A_34] : memref<2500x128xi32, #tpu.memory_space<hbm>> -> memref<79x128xi32, #tpu.memory_space<hbm>>
      tpu.wait_dma2 semaphore(%run_scoped3A : memref<!tpu.dma_semaphore, #tpu.memory_space<semaphore_mem>>) src(%dma_wait3A_35 : memref<79x128xi32, #tpu.memory_space<hbm>>) dst(%arg7 : memref<79x128xi32, #tpu.memory_space<vmem>>)
      tpu.yield
    }) : () -> ()
    "tpu.region"() ({
      %run_scoped3A = tpu.sem_alloc : memref<!tpu.dma_semaphore, #tpu.memory_space<semaphore_mem>>
      %dma_start3A = arith.constant 0 : i32
      %dma_start3A_30 = tpu.memref_slice %arg4[%add3A_5, %dma_start3A] : memref<2500x128xi32, #tpu.memory_space<hbm>> -> memref<79x128xi32, #tpu.memory_space<hbm>>
      %dma_start3A_31 = arith.constant 0 : i32
      %dma_start3A_32 = tpu.memref_slice %arg4[%add3A_5, %dma_start3A_31] : memref<2500x128xi32, #tpu.memory_space<hbm>> -> memref<79x128xi32, #tpu.memory_space<hbm>>
      tpu.enqueue_dma source(%dma_start3A_32 : memref<79x128xi32, #tpu.memory_space<hbm>>) target(%arg8 : memref<79x128xi32, #tpu.memory_space<vmem>>) target_semaphore(%run_scoped3A : memref<!tpu.dma_semaphore, #tpu.memory_space<semaphore_mem>>)
      %dma_wait3A = arith.constant 0 : i32
      %dma_wait3A_33 = tpu.memref_slice %arg4[%add3A_5, %dma_wait3A] : memref<2500x128xi32, #tpu.memory_space<hbm>> -> memref<79x128xi32, #tpu.memory_space<hbm>>
      %dma_wait3A_34 = arith.constant 0 : i32
      %dma_wait3A_35 = tpu.memref_slice %arg4[%add3A_5, %dma_wait3A_34] : memref<2500x128xi32, #tpu.memory_space<hbm>> -> memref<79x128xi32, #tpu.memory_space<hbm>>
      tpu.wait_dma2 semaphore(%run_scoped3A : memref<!tpu.dma_semaphore, #tpu.memory_space<semaphore_mem>>) src(%dma_wait3A_35 : memref<79x128xi32, #tpu.memory_space<hbm>>) dst(%arg8 : memref<79x128xi32, #tpu.memory_space<vmem>>)
      tpu.yield
    }) : () -> ()
    %barrier3A = arith.constant 0 : index
    tpu.barrier barrier_id(%barrier3A)
    %while3A = arith.constant 0 : i32
    %while3A_16 = arith.constant 0 : i32
    %while3A_17 = arith.subi %select_n3A, %while3A_16 : i32
    %while3A_18 = arith.addi %while3A_16, %while3A_17 : i32
    %while3A_19 = arith.constant 1 : i32
    %while3A_20 = arith.divsi %while3A_17, %while3A_19 : i32
    %while3A_21 = arith.muli %while3A_20, %while3A_19 : i32
    %while3A_22 = arith.addi %while3A_16, %while3A_21 : i32
    %while3A_23 = arith.constant 1 : i32
    scf.for %while3A_30 = %while3A_16 to %while3A_22 step %while3A_23  : i32 {
      "tpu.region"() ({
        %run_scoped3A = tpu.sem_alloc : memref<!tpu.dma_semaphore, #tpu.memory_space<semaphore_mem>>
        %dma_start3A = arith.constant 0 : i32
        %dma_start3A_31 = tpu.memref_slice %arg7[%while3A_30, %dma_start3A] : memref<79x128xi32, #tpu.memory_space<vmem>> -> memref<1x128xi32, #tpu.memory_space<vmem>>
        %dma_start3A_32 = tpu.memref_squeeze %dma_start3A_31 : memref<1x128xi32, #tpu.memory_space<vmem>> -> memref<128xi32, #tpu.memory_space<vmem>>
        %dma_start3A_33 = arith.constant 0 : i32
        %dma_start3A_34 = arith.constant 0 : i32
        %dma_start3A_35 = tpu.memref_slice %arg11[%dma_start3A_33, %dma_start3A_34] : memref<10112x32xf32, #tpu.memory_space<vmem_shared>> -> memref<10112x32xf32, #tpu.memory_space<vmem_shared>>
        tpu.enqueue_indirect_dma source(%dma_start3A_35 : memref<10112x32xf32, #tpu.memory_space<vmem_shared>>) target(%arg9 : memref<128x32xf32, #tpu.memory_space<vmem>>) offsets(%dma_start3A_32 : memref<128xi32, #tpu.memory_space<vmem>>) semaphore(%run_scoped3A : memref<!tpu.dma_semaphore, #tpu.memory_space<semaphore_mem>>)
        %dma_wait3A = arith.constant 0 : i32
        %dma_wait3A_36 = tpu.memref_slice %arg7[%while3A_30, %dma_wait3A] : memref<79x128xi32, #tpu.memory_space<vmem>> -> memref<1x128xi32, #tpu.memory_space<vmem>>
        %dma_wait3A_37 = tpu.memref_squeeze %dma_wait3A_36 : memref<1x128xi32, #tpu.memory_space<vmem>> -> memref<128xi32, #tpu.memory_space<vmem>>
        %dma_wait3A_38 = arith.constant 0 : i32
        %dma_wait3A_39 = arith.constant 0 : i32
        %dma_wait3A_40 = tpu.memref_slice %arg11[%dma_wait3A_38, %dma_wait3A_39] : memref<10112x32xf32, #tpu.memory_space<vmem_shared>> -> memref<10112x32xf32, #tpu.memory_space<vmem_shared>>
        tpu.wait_indirect_dma semaphore(%run_scoped3A : memref<!tpu.dma_semaphore, #tpu.memory_space<semaphore_mem>>) src(%dma_wait3A_40 : memref<10112x32xf32, #tpu.memory_space<vmem_shared>>) dst(%arg9 : memref<128x32xf32, #tpu.memory_space<vmem>>)
        tpu.yield
      }) : () -> ()
      "tpu.region"() ({
        %run_scoped3A = tpu.sem_alloc : memref<!tpu.dma_semaphore, #tpu.memory_space<semaphore_mem>>
        %dma_start3A = arith.constant 0 : i32
        %dma_start3A_31 = tpu.memref_slice %arg8[%while3A_30, %dma_start3A] : memref<79x128xi32, #tpu.memory_space<vmem>> -> memref<1x128xi32, #tpu.memory_space<vmem>>
        %dma_start3A_32 = tpu.memref_squeeze %dma_start3A_31 : memref<1x128xi32, #tpu.memory_space<vmem>> -> memref<128xi32, #tpu.memory_space<vmem>>
        %dma_start3A_33 = arith.constant 0 : i32
        %dma_start3A_34 = arith.constant 0 : i32
        %dma_start3A_35 = tpu.memref_slice %arg10[%dma_start3A_33, %dma_start3A_34] : memref<10112x32xf32, #tpu.memory_space<vmem_shared>> -> memref<10112x32xf32, #tpu.memory_space<vmem_shared>>
        tpu.enqueue_indirect_dma source(%arg9 : memref<128x32xf32, #tpu.memory_space<vmem>>) target(%dma_start3A_35 : memref<10112x32xf32, #tpu.memory_space<vmem_shared>>) offsets(%dma_start3A_32 : memref<128xi32, #tpu.memory_space<vmem>>) semaphore(%run_scoped3A : memref<!tpu.dma_semaphore, #tpu.memory_space<semaphore_mem>>) {add = true}
        %dma_wait3A = arith.constant 0 : i32
        %dma_wait3A_36 = tpu.memref_slice %arg8[%while3A_30, %dma_wait3A] : memref<79x128xi32, #tpu.memory_space<vmem>> -> memref<1x128xi32, #tpu.memory_space<vmem>>
        %dma_wait3A_37 = tpu.memref_squeeze %dma_wait3A_36 : memref<1x128xi32, #tpu.memory_space<vmem>> -> memref<128xi32, #tpu.memory_space<vmem>>
        %dma_wait3A_38 = arith.constant 0 : i32
        %dma_wait3A_39 = arith.constant 0 : i32
        %dma_wait3A_40 = tpu.memref_slice %arg10[%dma_wait3A_38, %dma_wait3A_39] : memref<10112x32xf32, #tpu.memory_space<vmem_shared>> -> memref<10112x32xf32, #tpu.memory_space<vmem_shared>>
        tpu.wait_indirect_dma semaphore(%run_scoped3A : memref<!tpu.dma_semaphore, #tpu.memory_space<semaphore_mem>>) src(%arg9 : memref<128x32xf32, #tpu.memory_space<vmem>>) dst(%dma_wait3A_40 : memref<10112x32xf32, #tpu.memory_space<vmem_shared>>)
        tpu.yield
      }) : () -> ()
    }
    %while3A_24 = arith.constant 1 : i32
    scf.for %while3A_30 = %while3A_22 to %while3A_18 step %while3A_24  : i32 {
      "tpu.region"() ({
        %run_scoped3A = tpu.sem_alloc : memref<!tpu.dma_semaphore, #tpu.memory_space<semaphore_mem>>
        %dma_start3A = arith.constant 0 : i32
        %dma_start3A_31 = tpu.memref_slice %arg7[%while3A_30, %dma_start3A] : memref<79x128xi32, #tpu.memory_space<vmem>> -> memref<1x128xi32, #tpu.memory_space<vmem>>
        %dma_start3A_32 = tpu.memref_squeeze %dma_start3A_31 : memref<1x128xi32, #tpu.memory_space<vmem>> -> memref<128xi32, #tpu.memory_space<vmem>>
        %dma_start3A_33 = arith.constant 0 : i32
        %dma_start3A_34 = arith.constant 0 : i32
        %dma_start3A_35 = tpu.memref_slice %arg11[%dma_start3A_33, %dma_start3A_34] : memref<10112x32xf32, #tpu.memory_space<vmem_shared>> -> memref<10112x32xf32, #tpu.memory_space<vmem_shared>>
        tpu.enqueue_indirect_dma source(%dma_start3A_35 : memref<10112x32xf32, #tpu.memory_space<vmem_shared>>) target(%arg9 : memref<128x32xf32, #tpu.memory_space<vmem>>) offsets(%dma_start3A_32 : memref<128xi32, #tpu.memory_space<vmem>>) semaphore(%run_scoped3A : memref<!tpu.dma_semaphore, #tpu.memory_space<semaphore_mem>>)
        %dma_wait3A = arith.constant 0 : i32
        %dma_wait3A_36 = tpu.memref_slice %arg7[%while3A_30, %dma_wait3A] : memref<79x128xi32, #tpu.memory_space<vmem>> -> memref<1x128xi32, #tpu.memory_space<vmem>>
        %dma_wait3A_37 = tpu.memref_squeeze %dma_wait3A_36 : memref<1x128xi32, #tpu.memory_space<vmem>> -> memref<128xi32, #tpu.memory_space<vmem>>
        %dma_wait3A_38 = arith.constant 0 : i32
        %dma_wait3A_39 = arith.constant 0 : i32
        %dma_wait3A_40 = tpu.memref_slice %arg11[%dma_wait3A_38, %dma_wait3A_39] : memref<10112x32xf32, #tpu.memory_space<vmem_shared>> -> memref<10112x32xf32, #tpu.memory_space<vmem_shared>>
        tpu.wait_indirect_dma semaphore(%run_scoped3A : memref<!tpu.dma_semaphore, #tpu.memory_space<semaphore_mem>>) src(%dma_wait3A_40 : memref<10112x32xf32, #tpu.memory_space<vmem_shared>>) dst(%arg9 : memref<128x32xf32, #tpu.memory_space<vmem>>)
        tpu.yield
      }) : () -> ()
      "tpu.region"() ({
        %run_scoped3A = tpu.sem_alloc : memref<!tpu.dma_semaphore, #tpu.memory_space<semaphore_mem>>
        %dma_start3A = arith.constant 0 : i32
        %dma_start3A_31 = tpu.memref_slice %arg8[%while3A_30, %dma_start3A] : memref<79x128xi32, #tpu.memory_space<vmem>> -> memref<1x128xi32, #tpu.memory_space<vmem>>
        %dma_start3A_32 = tpu.memref_squeeze %dma_start3A_31 : memref<1x128xi32, #tpu.memory_space<vmem>> -> memref<128xi32, #tpu.memory_space<vmem>>
        %dma_start3A_33 = arith.constant 0 : i32
        %dma_start3A_34 = arith.constant 0 : i32
        %dma_start3A_35 = tpu.memref_slice %arg10[%dma_start3A_33, %dma_start3A_34] : memref<10112x32xf32, #tpu.memory_space<vmem_shared>> -> memref<10112x32xf32, #tpu.memory_space<vmem_shared>>
        tpu.enqueue_indirect_dma source(%arg9 : memref<128x32xf32, #tpu.memory_space<vmem>>) target(%dma_start3A_35 : memref<10112x32xf32, #tpu.memory_space<vmem_shared>>) offsets(%dma_start3A_32 : memref<128xi32, #tpu.memory_space<vmem>>) semaphore(%run_scoped3A : memref<!tpu.dma_semaphore, #tpu.memory_space<semaphore_mem>>) {add = true}
        %dma_wait3A = arith.constant 0 : i32
        %dma_wait3A_36 = tpu.memref_slice %arg8[%while3A_30, %dma_wait3A] : memref<79x128xi32, #tpu.memory_space<vmem>> -> memref<1x128xi32, #tpu.memory_space<vmem>>
        %dma_wait3A_37 = tpu.memref_squeeze %dma_wait3A_36 : memref<1x128xi32, #tpu.memory_space<vmem>> -> memref<128xi32, #tpu.memory_space<vmem>>
        %dma_wait3A_38 = arith.constant 0 : i32
        %dma_wait3A_39 = arith.constant 0 : i32
        %dma_wait3A_40 = tpu.memref_slice %arg10[%dma_wait3A_38, %dma_wait3A_39] : memref<10112x32xf32, #tpu.memory_space<vmem_shared>> -> memref<10112x32xf32, #tpu.memory_space<vmem_shared>>
        tpu.wait_indirect_dma semaphore(%run_scoped3A : memref<!tpu.dma_semaphore, #tpu.memory_space<semaphore_mem>>) src(%arg9 : memref<128x32xf32, #tpu.memory_space<vmem>>) dst(%dma_wait3A_40 : memref<10112x32xf32, #tpu.memory_space<vmem_shared>>)
        tpu.yield
      }) : () -> ()
    }
    %barrier3A_25 = arith.constant 0 : index
    tpu.barrier barrier_id(%barrier3A_25)
    %mul3A_26 = arith.constant 632 : i32
    %mul3A_27 = arith.muli %arg1, %mul3A_26 : i32
    %mul3A_28 = arith.constant 632 : i32
    %mul3A_29 = arith.muli %arg1, %mul3A_28 : i32
    "tpu.region"() ({
      %run_scoped3A = tpu.sem_alloc : memref<!tpu.dma_semaphore, #tpu.memory_space<semaphore_mem>>
      %dma_start3A = arith.constant 0 : i32
      %dma_start3A_30 = tpu.memref_slice %arg6[%arg0, %mul3A_29, %dma_start3A] : memref<2x10112x32xf32, #tpu.memory_space<hbm>> -> memref<1x632x32xf32, #tpu.memory_space<hbm>>
      %dma_start3A_31 = tpu.memref_squeeze %dma_start3A_30 : memref<1x632x32xf32, #tpu.memory_space<hbm>> -> memref<632x32xf32, #tpu.memory_space<hbm>>
      %dma_start3A_32 = arith.constant 0 : i32
      %dma_start3A_33 = tpu.memref_slice %arg10[%mul3A_27, %dma_start3A_32] : memref<10112x32xf32, #tpu.memory_space<vmem_shared>> -> memref<632x32xf32, #tpu.memory_space<vmem_shared>>
      tpu.enqueue_dma source(%dma_start3A_33 : memref<632x32xf32, #tpu.memory_space<vmem_shared>>) target(%dma_start3A_31 : memref<632x32xf32, #tpu.memory_space<hbm>>) target_semaphore(%run_scoped3A : memref<!tpu.dma_semaphore, #tpu.memory_space<semaphore_mem>>)
      %dma_wait3A = arith.constant 0 : i32
      %dma_wait3A_34 = tpu.memref_slice %arg6[%arg0, %mul3A_29, %dma_wait3A] : memref<2x10112x32xf32, #tpu.memory_space<hbm>> -> memref<1x632x32xf32, #tpu.memory_space<hbm>>
      %dma_wait3A_35 = tpu.memref_squeeze %dma_wait3A_34 : memref<1x632x32xf32, #tpu.memory_space<hbm>> -> memref<632x32xf32, #tpu.memory_space<hbm>>
      %dma_wait3A_36 = arith.constant 0 : i32
      %dma_wait3A_37 = tpu.memref_slice %arg10[%mul3A_27, %dma_wait3A_36] : memref<10112x32xf32, #tpu.memory_space<vmem_shared>> -> memref<632x32xf32, #tpu.memory_space<vmem_shared>>
      tpu.wait_dma2 semaphore(%run_scoped3A : memref<!tpu.dma_semaphore, #tpu.memory_space<semaphore_mem>>) src(%dma_wait3A_37 : memref<632x32xf32, #tpu.memory_space<vmem_shared>>) dst(%dma_wait3A_35 : memref<632x32xf32, #tpu.memory_space<hbm>>)
      tpu.yield
    }) : () -> ()
    return
  }
}

#map = affine_map<(d0, d1) -> (0, 0)>
#map1 = affine_map<(d0, d1) -> (0, 0, 0)>
module attributes {stable_mosaic.version = 14 : i64} {
  func.func @_sc_agg(%arg0: i32, %arg1: i32, %arg2: memref<10112x32xf32, #tpu.memory_space<hbm>>, %arg3: memref<2500x128xi32, #tpu.memory_space<hbm>>, %arg4: memref<2500x128xi32, #tpu.memory_space<hbm>>, %arg5: memref<10112x32xf32, #tpu.memory_space<hbm>>, %arg6: memref<2x10112x32xf32, #tpu.memory_space<hbm>>, %arg7: memref<79x128xi32, #tpu.memory_space<vmem>>, %arg8: memref<79x128xi32, #tpu.memory_space<vmem>>, %arg9: memref<128x32xf32, #tpu.memory_space<vmem>>, %arg10: memref<10112x32xf32, #tpu.memory_space<vmem_shared>>, %arg11: memref<10112x32xf32, #tpu.memory_space<vmem_shared>>) attributes {dimension_semantics = [#tpu.dimension_semantics<core_parallel>, #tpu.dimension_semantics<subcore_parallel>], iteration_bounds = array<i64: 2, 16>, scalar_prefetch = 0 : i64, scratch_operands = 5 : i64, tpu.core_type = #tpu.core_type<sc_vector_subcore>, window_params = [{transform_indices = #map}, {transform_indices = #map}, {transform_indices = #map}, {transform_indices = #map}, {transform_indices = #map1}]} {
    %mul3A = arith.constant 16 : i32
    %mul3A_0 = arith.muli %arg0, %mul3A : i32
    %add3A = arith.addi %mul3A_0, %arg1 : i32
    %mul3A_1 = arith.constant 78 : i32
    %mul3A_2 = arith.muli %mul3A_1, %add3A : i32
    %sub3A = arith.constant 28 : i32
    %sub3A_3 = arith.subi %add3A, %sub3A : i32
    %max3A = arith.constant 0 : i32
    %max3A_4 = arith.maxsi %max3A, %sub3A_3 : i32
    %add3A_5 = arith.addi %mul3A_2, %max3A_4 : i32
    %ge3A = arith.constant 28 : i32
    %ge3A_6 = arith.cmpi sge, %add3A, %ge3A : i32
    %jit3A = arith.constant 79 : i32
    %jit3A_7 = arith.constant 78 : i32
    %select_n3A = arith.select %ge3A_6, %jit3A, %jit3A_7 : i32
    %mul3A_8 = arith.constant 632 : i32
    %mul3A_9 = arith.muli %arg1, %mul3A_8 : i32
    %mul3A_10 = arith.constant 632 : i32
    %mul3A_11 = arith.muli %arg1, %mul3A_10 : i32
    "tpu.region"() ({
      %run_scoped3A = tpu.sem_alloc : memref<!tpu.dma_semaphore, #tpu.memory_space<semaphore_mem>>
      %dma_start3A = arith.constant 0 : i32
      %dma_start3A_30 = tpu.memref_slice %arg10[%mul3A_11, %dma_start3A] : memref<10112x32xf32, #tpu.memory_space<vmem_shared>> -> memref<632x32xf32, #tpu.memory_space<vmem_shared>>
      %dma_start3A_31 = arith.constant 0 : i32
      %dma_start3A_32 = tpu.memref_slice %arg5[%mul3A_9, %dma_start3A_31] : memref<10112x32xf32, #tpu.memory_space<hbm>> -> memref<632x32xf32, #tpu.memory_space<hbm>>
      tpu.enqueue_dma source(%dma_start3A_32 : memref<632x32xf32, #tpu.memory_space<hbm>>) target(%dma_start3A_30 : memref<632x32xf32, #tpu.memory_space<vmem_shared>>) target_semaphore(%run_scoped3A : memref<!tpu.dma_semaphore, #tpu.memory_space<semaphore_mem>>)
      %dma_wait3A = arith.constant 0 : i32
      %dma_wait3A_33 = tpu.memref_slice %arg10[%mul3A_11, %dma_wait3A] : memref<10112x32xf32, #tpu.memory_space<vmem_shared>> -> memref<632x32xf32, #tpu.memory_space<vmem_shared>>
      %dma_wait3A_34 = arith.constant 0 : i32
      %dma_wait3A_35 = tpu.memref_slice %arg5[%mul3A_9, %dma_wait3A_34] : memref<10112x32xf32, #tpu.memory_space<hbm>> -> memref<632x32xf32, #tpu.memory_space<hbm>>
      tpu.wait_dma2 semaphore(%run_scoped3A : memref<!tpu.dma_semaphore, #tpu.memory_space<semaphore_mem>>) src(%dma_wait3A_35 : memref<632x32xf32, #tpu.memory_space<hbm>>) dst(%dma_wait3A_33 : memref<632x32xf32, #tpu.memory_space<vmem_shared>>)
      tpu.yield
    }) : () -> ()
    %mul3A_12 = arith.constant 632 : i32
    %mul3A_13 = arith.muli %arg1, %mul3A_12 : i32
    %mul3A_14 = arith.constant 632 : i32
    %mul3A_15 = arith.muli %arg1, %mul3A_14 : i32
    "tpu.region"() ({
      %run_scoped3A = tpu.sem_alloc : memref<!tpu.dma_semaphore, #tpu.memory_space<semaphore_mem>>
      %dma_start3A = arith.constant 0 : i32
      %dma_start3A_30 = tpu.memref_slice %arg11[%mul3A_15, %dma_start3A] : memref<10112x32xf32, #tpu.memory_space<vmem_shared>> -> memref<632x32xf32, #tpu.memory_space<vmem_shared>>
      %dma_start3A_31 = arith.constant 0 : i32
      %dma_start3A_32 = tpu.memref_slice %arg2[%mul3A_13, %dma_start3A_31] : memref<10112x32xf32, #tpu.memory_space<hbm>> -> memref<632x32xf32, #tpu.memory_space<hbm>>
      tpu.enqueue_dma source(%dma_start3A_32 : memref<632x32xf32, #tpu.memory_space<hbm>>) target(%dma_start3A_30 : memref<632x32xf32, #tpu.memory_space<vmem_shared>>) target_semaphore(%run_scoped3A : memref<!tpu.dma_semaphore, #tpu.memory_space<semaphore_mem>>)
      %dma_wait3A = arith.constant 0 : i32
      %dma_wait3A_33 = tpu.memref_slice %arg11[%mul3A_15, %dma_wait3A] : memref<10112x32xf32, #tpu.memory_space<vmem_shared>> -> memref<632x32xf32, #tpu.memory_space<vmem_shared>>
      %dma_wait3A_34 = arith.constant 0 : i32
      %dma_wait3A_35 = tpu.memref_slice %arg2[%mul3A_13, %dma_wait3A_34] : memref<10112x32xf32, #tpu.memory_space<hbm>> -> memref<632x32xf32, #tpu.memory_space<hbm>>
      tpu.wait_dma2 semaphore(%run_scoped3A : memref<!tpu.dma_semaphore, #tpu.memory_space<semaphore_mem>>) src(%dma_wait3A_35 : memref<632x32xf32, #tpu.memory_space<hbm>>) dst(%dma_wait3A_33 : memref<632x32xf32, #tpu.memory_space<vmem_shared>>)
      tpu.yield
    }) : () -> ()
    "tpu.region"() ({
      %run_scoped3A = tpu.sem_alloc : memref<!tpu.dma_semaphore, #tpu.memory_space<semaphore_mem>>
      %dma_start3A = arith.constant 0 : i32
      %dma_start3A_30 = tpu.memref_slice %arg3[%add3A_5, %dma_start3A] : memref<2500x128xi32, #tpu.memory_space<hbm>> -> memref<79x128xi32, #tpu.memory_space<hbm>>
      %dma_start3A_31 = arith.constant 0 : i32
      %dma_start3A_32 = tpu.memref_slice %arg3[%add3A_5, %dma_start3A_31] : memref<2500x128xi32, #tpu.memory_space<hbm>> -> memref<79x128xi32, #tpu.memory_space<hbm>>
      tpu.enqueue_dma source(%dma_start3A_32 : memref<79x128xi32, #tpu.memory_space<hbm>>) target(%arg7 : memref<79x128xi32, #tpu.memory_space<vmem>>) target_semaphore(%run_scoped3A : memref<!tpu.dma_semaphore, #tpu.memory_space<semaphore_mem>>)
      %dma_wait3A = arith.constant 0 : i32
      %dma_wait3A_33 = tpu.memref_slice %arg3[%add3A_5, %dma_wait3A] : memref<2500x128xi32, #tpu.memory_space<hbm>> -> memref<79x128xi32, #tpu.memory_space<hbm>>
      %dma_wait3A_34 = arith.constant 0 : i32
      %dma_wait3A_35 = tpu.memref_slice %arg3[%add3A_5, %dma_wait3A_34] : memref<2500x128xi32, #tpu.memory_space<hbm>> -> memref<79x128xi32, #tpu.memory_space<hbm>>
      tpu.wait_dma2 semaphore(%run_scoped3A : memref<!tpu.dma_semaphore, #tpu.memory_space<semaphore_mem>>) src(%dma_wait3A_35 : memref<79x128xi32, #tpu.memory_space<hbm>>) dst(%arg7 : memref<79x128xi32, #tpu.memory_space<vmem>>)
      tpu.yield
    }) : () -> ()
    "tpu.region"() ({
      %run_scoped3A = tpu.sem_alloc : memref<!tpu.dma_semaphore, #tpu.memory_space<semaphore_mem>>
      %dma_start3A = arith.constant 0 : i32
      %dma_start3A_30 = tpu.memref_slice %arg4[%add3A_5, %dma_start3A] : memref<2500x128xi32, #tpu.memory_space<hbm>> -> memref<79x128xi32, #tpu.memory_space<hbm>>
      %dma_start3A_31 = arith.constant 0 : i32
      %dma_start3A_32 = tpu.memref_slice %arg4[%add3A_5, %dma_start3A_31] : memref<2500x128xi32, #tpu.memory_space<hbm>> -> memref<79x128xi32, #tpu.memory_space<hbm>>
      tpu.enqueue_dma source(%dma_start3A_32 : memref<79x128xi32, #tpu.memory_space<hbm>>) target(%arg8 : memref<79x128xi32, #tpu.memory_space<vmem>>) target_semaphore(%run_scoped3A : memref<!tpu.dma_semaphore, #tpu.memory_space<semaphore_mem>>)
      %dma_wait3A = arith.constant 0 : i32
      %dma_wait3A_33 = tpu.memref_slice %arg4[%add3A_5, %dma_wait3A] : memref<2500x128xi32, #tpu.memory_space<hbm>> -> memref<79x128xi32, #tpu.memory_space<hbm>>
      %dma_wait3A_34 = arith.constant 0 : i32
      %dma_wait3A_35 = tpu.memref_slice %arg4[%add3A_5, %dma_wait3A_34] : memref<2500x128xi32, #tpu.memory_space<hbm>> -> memref<79x128xi32, #tpu.memory_space<hbm>>
      tpu.wait_dma2 semaphore(%run_scoped3A : memref<!tpu.dma_semaphore, #tpu.memory_space<semaphore_mem>>) src(%dma_wait3A_35 : memref<79x128xi32, #tpu.memory_space<hbm>>) dst(%arg8 : memref<79x128xi32, #tpu.memory_space<vmem>>)
      tpu.yield
    }) : () -> ()
    %barrier3A = arith.constant 0 : index
    tpu.barrier barrier_id(%barrier3A)
    %while3A = arith.constant 0 : i32
    %while3A_16 = arith.constant 0 : i32
    %while3A_17 = arith.subi %select_n3A, %while3A_16 : i32
    %while3A_18 = arith.addi %while3A_16, %while3A_17 : i32
    %while3A_19 = arith.constant 1 : i32
    %while3A_20 = arith.divsi %while3A_17, %while3A_19 : i32
    %while3A_21 = arith.muli %while3A_20, %while3A_19 : i32
    %while3A_22 = arith.addi %while3A_16, %while3A_21 : i32
    %while3A_23 = arith.constant 1 : i32
    scf.for %while3A_30 = %while3A_16 to %while3A_22 step %while3A_23  : i32 {
      "tpu.region"() ({
        %run_scoped3A = tpu.sem_alloc : memref<!tpu.dma_semaphore, #tpu.memory_space<semaphore_mem>>
        %dma_start3A = arith.constant 0 : i32
        %dma_start3A_31 = tpu.memref_slice %arg7[%while3A_30, %dma_start3A] : memref<79x128xi32, #tpu.memory_space<vmem>> -> memref<1x128xi32, #tpu.memory_space<vmem>>
        %dma_start3A_32 = tpu.memref_squeeze %dma_start3A_31 : memref<1x128xi32, #tpu.memory_space<vmem>> -> memref<128xi32, #tpu.memory_space<vmem>>
        %dma_start3A_33 = arith.constant 0 : i32
        %dma_start3A_34 = arith.constant 0 : i32
        %dma_start3A_35 = tpu.memref_slice %arg11[%dma_start3A_33, %dma_start3A_34] : memref<10112x32xf32, #tpu.memory_space<vmem_shared>> -> memref<10112x32xf32, #tpu.memory_space<vmem_shared>>
        tpu.enqueue_indirect_dma source(%dma_start3A_35 : memref<10112x32xf32, #tpu.memory_space<vmem_shared>>) target(%arg9 : memref<128x32xf32, #tpu.memory_space<vmem>>) offsets(%dma_start3A_32 : memref<128xi32, #tpu.memory_space<vmem>>) semaphore(%run_scoped3A : memref<!tpu.dma_semaphore, #tpu.memory_space<semaphore_mem>>)
        %dma_wait3A = arith.constant 0 : i32
        %dma_wait3A_36 = tpu.memref_slice %arg7[%while3A_30, %dma_wait3A] : memref<79x128xi32, #tpu.memory_space<vmem>> -> memref<1x128xi32, #tpu.memory_space<vmem>>
        %dma_wait3A_37 = tpu.memref_squeeze %dma_wait3A_36 : memref<1x128xi32, #tpu.memory_space<vmem>> -> memref<128xi32, #tpu.memory_space<vmem>>
        %dma_wait3A_38 = arith.constant 0 : i32
        %dma_wait3A_39 = arith.constant 0 : i32
        %dma_wait3A_40 = tpu.memref_slice %arg11[%dma_wait3A_38, %dma_wait3A_39] : memref<10112x32xf32, #tpu.memory_space<vmem_shared>> -> memref<10112x32xf32, #tpu.memory_space<vmem_shared>>
        tpu.wait_indirect_dma semaphore(%run_scoped3A : memref<!tpu.dma_semaphore, #tpu.memory_space<semaphore_mem>>) src(%dma_wait3A_40 : memref<10112x32xf32, #tpu.memory_space<vmem_shared>>) dst(%arg9 : memref<128x32xf32, #tpu.memory_space<vmem>>)
        tpu.yield
      }) : () -> ()
      "tpu.region"() ({
        %run_scoped3A = tpu.sem_alloc : memref<!tpu.dma_semaphore, #tpu.memory_space<semaphore_mem>>
        %dma_start3A = arith.constant 0 : i32
        %dma_start3A_31 = tpu.memref_slice %arg8[%while3A_30, %dma_start3A] : memref<79x128xi32, #tpu.memory_space<vmem>> -> memref<1x128xi32, #tpu.memory_space<vmem>>
        %dma_start3A_32 = tpu.memref_squeeze %dma_start3A_31 : memref<1x128xi32, #tpu.memory_space<vmem>> -> memref<128xi32, #tpu.memory_space<vmem>>
        %dma_start3A_33 = arith.constant 0 : i32
        %dma_start3A_34 = arith.constant 0 : i32
        %dma_start3A_35 = tpu.memref_slice %arg10[%dma_start3A_33, %dma_start3A_34] : memref<10112x32xf32, #tpu.memory_space<vmem_shared>> -> memref<10112x32xf32, #tpu.memory_space<vmem_shared>>
        tpu.enqueue_indirect_dma source(%arg9 : memref<128x32xf32, #tpu.memory_space<vmem>>) target(%dma_start3A_35 : memref<10112x32xf32, #tpu.memory_space<vmem_shared>>) offsets(%dma_start3A_32 : memref<128xi32, #tpu.memory_space<vmem>>) semaphore(%run_scoped3A : memref<!tpu.dma_semaphore, #tpu.memory_space<semaphore_mem>>) {add = true}
        %dma_wait3A = arith.constant 0 : i32
        %dma_wait3A_36 = tpu.memref_slice %arg8[%while3A_30, %dma_wait3A] : memref<79x128xi32, #tpu.memory_space<vmem>> -> memref<1x128xi32, #tpu.memory_space<vmem>>
        %dma_wait3A_37 = tpu.memref_squeeze %dma_wait3A_36 : memref<1x128xi32, #tpu.memory_space<vmem>> -> memref<128xi32, #tpu.memory_space<vmem>>
        %dma_wait3A_38 = arith.constant 0 : i32
        %dma_wait3A_39 = arith.constant 0 : i32
        %dma_wait3A_40 = tpu.memref_slice %arg10[%dma_wait3A_38, %dma_wait3A_39] : memref<10112x32xf32, #tpu.memory_space<vmem_shared>> -> memref<10112x32xf32, #tpu.memory_space<vmem_shared>>
        tpu.wait_indirect_dma semaphore(%run_scoped3A : memref<!tpu.dma_semaphore, #tpu.memory_space<semaphore_mem>>) src(%arg9 : memref<128x32xf32, #tpu.memory_space<vmem>>) dst(%dma_wait3A_40 : memref<10112x32xf32, #tpu.memory_space<vmem_shared>>)
        tpu.yield
      }) : () -> ()
    }
    %while3A_24 = arith.constant 1 : i32
    scf.for %while3A_30 = %while3A_22 to %while3A_18 step %while3A_24  : i32 {
      "tpu.region"() ({
        %run_scoped3A = tpu.sem_alloc : memref<!tpu.dma_semaphore, #tpu.memory_space<semaphore_mem>>
        %dma_start3A = arith.constant 0 : i32
        %dma_start3A_31 = tpu.memref_slice %arg7[%while3A_30, %dma_start3A] : memref<79x128xi32, #tpu.memory_space<vmem>> -> memref<1x128xi32, #tpu.memory_space<vmem>>
        %dma_start3A_32 = tpu.memref_squeeze %dma_start3A_31 : memref<1x128xi32, #tpu.memory_space<vmem>> -> memref<128xi32, #tpu.memory_space<vmem>>
        %dma_start3A_33 = arith.constant 0 : i32
        %dma_start3A_34 = arith.constant 0 : i32
        %dma_start3A_35 = tpu.memref_slice %arg11[%dma_start3A_33, %dma_start3A_34] : memref<10112x32xf32, #tpu.memory_space<vmem_shared>> -> memref<10112x32xf32, #tpu.memory_space<vmem_shared>>
        tpu.enqueue_indirect_dma source(%dma_start3A_35 : memref<10112x32xf32, #tpu.memory_space<vmem_shared>>) target(%arg9 : memref<128x32xf32, #tpu.memory_space<vmem>>) offsets(%dma_start3A_32 : memref<128xi32, #tpu.memory_space<vmem>>) semaphore(%run_scoped3A : memref<!tpu.dma_semaphore, #tpu.memory_space<semaphore_mem>>)
        %dma_wait3A = arith.constant 0 : i32
        %dma_wait3A_36 = tpu.memref_slice %arg7[%while3A_30, %dma_wait3A] : memref<79x128xi32, #tpu.memory_space<vmem>> -> memref<1x128xi32, #tpu.memory_space<vmem>>
        %dma_wait3A_37 = tpu.memref_squeeze %dma_wait3A_36 : memref<1x128xi32, #tpu.memory_space<vmem>> -> memref<128xi32, #tpu.memory_space<vmem>>
        %dma_wait3A_38 = arith.constant 0 : i32
        %dma_wait3A_39 = arith.constant 0 : i32
        %dma_wait3A_40 = tpu.memref_slice %arg11[%dma_wait3A_38, %dma_wait3A_39] : memref<10112x32xf32, #tpu.memory_space<vmem_shared>> -> memref<10112x32xf32, #tpu.memory_space<vmem_shared>>
        tpu.wait_indirect_dma semaphore(%run_scoped3A : memref<!tpu.dma_semaphore, #tpu.memory_space<semaphore_mem>>) src(%dma_wait3A_40 : memref<10112x32xf32, #tpu.memory_space<vmem_shared>>) dst(%arg9 : memref<128x32xf32, #tpu.memory_space<vmem>>)
        tpu.yield
      }) : () -> ()
      "tpu.region"() ({
        %run_scoped3A = tpu.sem_alloc : memref<!tpu.dma_semaphore, #tpu.memory_space<semaphore_mem>>
        %dma_start3A = arith.constant 0 : i32
        %dma_start3A_31 = tpu.memref_slice %arg8[%while3A_30, %dma_start3A] : memref<79x128xi32, #tpu.memory_space<vmem>> -> memref<1x128xi32, #tpu.memory_space<vmem>>
        %dma_start3A_32 = tpu.memref_squeeze %dma_start3A_31 : memref<1x128xi32, #tpu.memory_space<vmem>> -> memref<128xi32, #tpu.memory_space<vmem>>
        %dma_start3A_33 = arith.constant 0 : i32
        %dma_start3A_34 = arith.constant 0 : i32
        %dma_start3A_35 = tpu.memref_slice %arg10[%dma_start3A_33, %dma_start3A_34] : memref<10112x32xf32, #tpu.memory_space<vmem_shared>> -> memref<10112x32xf32, #tpu.memory_space<vmem_shared>>
        tpu.enqueue_indirect_dma source(%arg9 : memref<128x32xf32, #tpu.memory_space<vmem>>) target(%dma_start3A_35 : memref<10112x32xf32, #tpu.memory_space<vmem_shared>>) offsets(%dma_start3A_32 : memref<128xi32, #tpu.memory_space<vmem>>) semaphore(%run_scoped3A : memref<!tpu.dma_semaphore, #tpu.memory_space<semaphore_mem>>) {add = true}
        %dma_wait3A = arith.constant 0 : i32
        %dma_wait3A_36 = tpu.memref_slice %arg8[%while3A_30, %dma_wait3A] : memref<79x128xi32, #tpu.memory_space<vmem>> -> memref<1x128xi32, #tpu.memory_space<vmem>>
        %dma_wait3A_37 = tpu.memref_squeeze %dma_wait3A_36 : memref<1x128xi32, #tpu.memory_space<vmem>> -> memref<128xi32, #tpu.memory_space<vmem>>
        %dma_wait3A_38 = arith.constant 0 : i32
        %dma_wait3A_39 = arith.constant 0 : i32
        %dma_wait3A_40 = tpu.memref_slice %arg10[%dma_wait3A_38, %dma_wait3A_39] : memref<10112x32xf32, #tpu.memory_space<vmem_shared>> -> memref<10112x32xf32, #tpu.memory_space<vmem_shared>>
        tpu.wait_indirect_dma semaphore(%run_scoped3A : memref<!tpu.dma_semaphore, #tpu.memory_space<semaphore_mem>>) src(%arg9 : memref<128x32xf32, #tpu.memory_space<vmem>>) dst(%dma_wait3A_40 : memref<10112x32xf32, #tpu.memory_space<vmem_shared>>)
        tpu.yield
      }) : () -> ()
    }
    %barrier3A_25 = arith.constant 0 : index
    tpu.barrier barrier_id(%barrier3A_25)
    %mul3A_26 = arith.constant 632 : i32
    %mul3A_27 = arith.muli %arg1, %mul3A_26 : i32
    %mul3A_28 = arith.constant 632 : i32
    %mul3A_29 = arith.muli %arg1, %mul3A_28 : i32
    "tpu.region"() ({
      %run_scoped3A = tpu.sem_alloc : memref<!tpu.dma_semaphore, #tpu.memory_space<semaphore_mem>>
      %dma_start3A = arith.constant 0 : i32
      %dma_start3A_30 = tpu.memref_slice %arg6[%arg0, %mul3A_29, %dma_start3A] : memref<2x10112x32xf32, #tpu.memory_space<hbm>> -> memref<1x632x32xf32, #tpu.memory_space<hbm>>
      %dma_start3A_31 = tpu.memref_squeeze %dma_start3A_30 : memref<1x632x32xf32, #tpu.memory_space<hbm>> -> memref<632x32xf32, #tpu.memory_space<hbm>>
      %dma_start3A_32 = arith.constant 0 : i32
      %dma_start3A_33 = tpu.memref_slice %arg10[%mul3A_27, %dma_start3A_32] : memref<10112x32xf32, #tpu.memory_space<vmem_shared>> -> memref<632x32xf32, #tpu.memory_space<vmem_shared>>
      tpu.enqueue_dma source(%dma_start3A_33 : memref<632x32xf32, #tpu.memory_space<vmem_shared>>) target(%dma_start3A_31 : memref<632x32xf32, #tpu.memory_space<hbm>>) target_semaphore(%run_scoped3A : memref<!tpu.dma_semaphore, #tpu.memory_space<semaphore_mem>>)
      %dma_wait3A = arith.constant 0 : i32
      %dma_wait3A_34 = tpu.memref_slice %arg6[%arg0, %mul3A_29, %dma_wait3A] : memref<2x10112x32xf32, #tpu.memory_space<hbm>> -> memref<1x632x32xf32, #tpu.memory_space<hbm>>
      %dma_wait3A_35 = tpu.memref_squeeze %dma_wait3A_34 : memref<1x632x32xf32, #tpu.memory_space<hbm>> -> memref<632x32xf32, #tpu.memory_space<hbm>>
      %dma_wait3A_36 = arith.constant 0 : i32
      %dma_wait3A_37 = tpu.memref_slice %arg10[%mul3A_27, %dma_wait3A_36] : memref<10112x32xf32, #tpu.memory_space<vmem_shared>> -> memref<632x32xf32, #tpu.memory_space<vmem_shared>>
      tpu.wait_dma2 semaphore(%run_scoped3A : memref<!tpu.dma_semaphore, #tpu.memory_space<semaphore_mem>>) src(%dma_wait3A_37 : memref<632x32xf32, #tpu.memory_space<vmem_shared>>) dst(%dma_wait3A_35 : memref<632x32xf32, #tpu.memory_space<hbm>>)
      tpu.yield
    }) : () -> ()
    return
  }
}

module attributes {stable_mosaic.version = 14 : i64} {
  func.func @_tc_scale_body(%arg0: memref<2528x128xf32, #tpu.memory_space<vmem>>, %arg1: memref<2x2528x128xf32, #tpu.memory_space<vmem>>, %arg2: memref<2528x128xf32, #tpu.memory_space<vmem>>, %arg3: memref<2528x128xf32, #tpu.memory_space<vmem>>) attributes {dimension_semantics = [], scalar_prefetch = 0 : i64, scratch_operands = 0 : i64, tpu.core_type = #tpu.core_type<tc>} {
    %get3A = arith.constant 0 : index
    %get3A_0 = arith.constant 0 : index
    %get3A_1 = arith.constant 0 : index
    %get3A_2 = vector.load %arg1[%get3A, %get3A_0, %get3A_1] : memref<2x2528x128xf32, #tpu.memory_space<vmem>>, vector<1x2528x128xf32>
    %get3A_3 = vector.shape_cast %get3A_2 : vector<1x2528x128xf32> to vector<2528x128xf32>
    %get3A_4 = arith.constant 1 : index
    %get3A_5 = arith.constant 0 : index
    %get3A_6 = arith.constant 0 : index
    %get3A_7 = vector.load %arg1[%get3A_4, %get3A_5, %get3A_6] : memref<2x2528x128xf32, #tpu.memory_space<vmem>>, vector<1x2528x128xf32>
    %get3A_8 = vector.shape_cast %get3A_7 : vector<1x2528x128xf32> to vector<2528x128xf32>
    %add3A = arith.addf %get3A_3, %get3A_8 : vector<2528x128xf32>
    %add3A_9 = arith.constant 1.000000e+00 : f32
    %add3A_10 = vector.broadcast %add3A_9 : f32 to vector<2528x128xf32>
    %add3A_11 = arith.addf %add3A, %add3A_10 : vector<2528x128xf32>
    %rsqrt3A = math.rsqrt %add3A_11 : vector<2528x128xf32>
    %get3A_12 = arith.constant 0 : index
    %get3A_13 = arith.constant 0 : index
    %get3A_14 = vector.load %arg0[%get3A_12, %get3A_13] : memref<2528x128xf32, #tpu.memory_space<vmem>>, vector<2528x128xf32>
    %mul3A = arith.mulf %rsqrt3A, %get3A_14 : vector<2528x128xf32>
    %swap3A = arith.constant 0 : index
    %swap3A_15 = arith.constant 0 : index
    %swap3A_16 = vector.load %arg2[%swap3A, %swap3A_15] : memref<2528x128xf32, #tpu.memory_space<vmem>>, vector<2528x128xf32>
    tpu.vector_store %arg2[%swap3A, %swap3A_15], %mul3A {strides = array<i32>} : memref<2528x128xf32, #tpu.memory_space<vmem>>, vector<2528x128xf32>,
    %swap3A_17 = arith.constant 0 : index
    %swap3A_18 = arith.constant 0 : index
    %swap3A_19 = vector.load %arg3[%swap3A_17, %swap3A_18] : memref<2528x128xf32, #tpu.memory_space<vmem>>, vector<2528x128xf32>
    tpu.vector_store %arg3[%swap3A_17, %swap3A_18], %rsqrt3A {strides = array<i32>} : memref<2528x128xf32, #tpu.memory_space<vmem>>, vector<2528x128xf32>,
    return
  }
}

module attributes {stable_mosaic.version = 14 : i64} {
  func.func @_tc_mm_body(%arg0: memref<2500x512xf32, #tpu.memory_space<vmem>>, %arg1: memref<512x128xf32, #tpu.memory_space<vmem>>, %arg2: memref<2528x128xf32, #tpu.memory_space<vmem>>) attributes {dimension_semantics = [], scalar_prefetch = 0 : i64, scratch_operands = 0 : i64, tpu.core_type = #tpu.core_type<tc>} {
    %get3A = arith.constant 0 : index
    %get3A_0 = arith.constant 0 : index
    %get3A_1 = vector.load %arg0[%get3A, %get3A_0] : memref<2500x512xf32, #tpu.memory_space<vmem>>, vector<2500x512xf32>
    %get3A_2 = arith.constant 0 : index
    %get3A_3 = arith.constant 0 : index
    %get3A_4 = vector.load %arg1[%get3A_2, %get3A_3] : memref<512x128xf32, #tpu.memory_space<vmem>>, vector<512x128xf32>
    %dot_general3A = arith.constant dense<0.000000e+00> : vector<2500x128xf32>
    %dot_general3A_5 = tpu.matmul %get3A_1, %get3A_4, %dot_general3A {dimension_numbers = #tpu.dot_dimension_numbers<[1], [0], [0], [1], [0, 0, 1, 1], [], []>, transpose_lhs_hint = false} : vector<2500x512xf32>, vector<512x128xf32>, vector<2500x128xf32> -> vector<2500x128xf32>
    %broadcast_in_dim3A = arith.constant 0.000000e+00 : f32
    %broadcast_in_dim3A_6 = vector.broadcast %broadcast_in_dim3A : f32 to vector<28x128xf32>
    %concatenate3A = tpu.concatenate %dot_general3A_5, %broadcast_in_dim3A_6 in 0 : vector<2500x128xf32>, vector<28x128xf32> -> vector<2528x128xf32>
    %swap3A = arith.constant 0 : index
    %swap3A_7 = arith.constant 0 : index
    %swap3A_8 = vector.load %arg2[%swap3A, %swap3A_7] : memref<2528x128xf32, #tpu.memory_space<vmem>>, vector<2528x128xf32>
    tpu.vector_store %arg2[%swap3A, %swap3A_7], %concatenate3A {strides = array<i32>} : memref<2528x128xf32, #tpu.memory_space<vmem>>, vector<2528x128xf32>,
    return
  }
}

module attributes {stable_mosaic.version = 14 : i64} {
  func.func @_tc_mid_body(%arg0: memref<2x2528x128xf32, #tpu.memory_space<vmem>>, %arg1: memref<2528x128xf32, #tpu.memory_space<vmem>>, %arg2: memref<2528x128xf32, #tpu.memory_space<vmem>>, %arg3: memref<1x128xf32, #tpu.memory_space<vmem>>, %arg4: memref<128x128xf32, #tpu.memory_space<vmem>>, %arg5: memref<2528x128xf32, #tpu.memory_space<vmem>>) attributes {dimension_semantics = [], scalar_prefetch = 0 : i64, scratch_operands = 0 : i64, tpu.core_type = #tpu.core_type<tc>} {
    %get3A = arith.constant 0 : index
    %get3A_0 = arith.constant 0 : index
    %get3A_1 = vector.load %arg2[%get3A, %get3A_0] : memref<2528x128xf32, #tpu.memory_space<vmem>>, vector<2528x128xf32>
    %get3A_2 = arith.constant 0 : index
    %get3A_3 = arith.constant 0 : index
    %get3A_4 = arith.constant 0 : index
    %get3A_5 = vector.load %arg0[%get3A_2, %get3A_3, %get3A_4] : memref<2x2528x128xf32, #tpu.memory_space<vmem>>, vector<1x2528x128xf32>
    %get3A_6 = vector.shape_cast %get3A_5 : vector<1x2528x128xf32> to vector<2528x128xf32>
    %get3A_7 = arith.constant 1 : index
    %get3A_8 = arith.constant 0 : index
    %get3A_9 = arith.constant 0 : index
    %get3A_10 = vector.load %arg0[%get3A_7, %get3A_8, %get3A_9] : memref<2x2528x128xf32, #tpu.memory_space<vmem>>, vector<1x2528x128xf32>
    %get3A_11 = vector.shape_cast %get3A_10 : vector<1x2528x128xf32> to vector<2528x128xf32>
    %add3A = arith.addf %get3A_6, %get3A_11 : vector<2528x128xf32>
    %get3A_12 = arith.constant 0 : index
    %get3A_13 = arith.constant 0 : index
    %get3A_14 = vector.load %arg1[%get3A_12, %get3A_13] : memref<2528x128xf32, #tpu.memory_space<vmem>>, vector<2528x128xf32>
    %add3A_15 = arith.addf %add3A, %get3A_14 : vector<2528x128xf32>
    %mul3A = arith.mulf %get3A_1, %add3A_15 : vector<2528x128xf32>
    %get3A_16 = arith.constant 0 : index
    %get3A_17 = arith.constant 0 : index
    %get3A_18 = vector.load %arg3[%get3A_16, %get3A_17] : memref<1x128xf32, #tpu.memory_space<vmem>>, vector<1x128xf32>
    %add3A_19 = vector.broadcast %get3A_18 : vector<1x128xf32> to vector<2528x128xf32>
    %add3A_20 = arith.addf %mul3A, %add3A_19 : vector<2528x128xf32>
    %max3A = arith.constant 0.000000e+00 : f32
    %max3A_21 = vector.broadcast %max3A : f32 to vector<2528x128xf32>
    %max3A_22 = arith.maximumf %add3A_20, %max3A_21 : vector<2528x128xf32>
    %get3A_23 = arith.constant 0 : index
    %get3A_24 = arith.constant 0 : index
    %get3A_25 = vector.load %arg4[%get3A_23, %get3A_24] : memref<128x128xf32, #tpu.memory_space<vmem>>, vector<128x128xf32>
    %dot_general3A = arith.constant dense<0.000000e+00> : vector<2528x128xf32>
    %dot_general3A_26 = tpu.matmul %max3A_22, %get3A_25, %dot_general3A {dimension_numbers = #tpu.dot_dimension_numbers<[1], [0], [0], [1], [0, 0, 1, 1], [], []>, transpose_lhs_hint = false} : vector<2528x128xf32>, vector<128x128xf32>, vector<2528x128xf32> -> vector<2528x128xf32>
    %mul3A_27 = arith.mulf %get3A_1, %dot_general3A_26 : vector<2528x128xf32>
    %swap3A = arith.constant 0 : index
    %swap3A_28 = arith.constant 0 : index
    %swap3A_29 = vector.load %arg5[%swap3A, %swap3A_28] : memref<2528x128xf32, #tpu.memory_space<vmem>>, vector<2528x128xf32>
    tpu.vector_store %arg5[%swap3A, %swap3A_28], %mul3A_27 {strides = array<i32>} : memref<2528x128xf32, #tpu.memory_space<vmem>>, vector<2528x128xf32>,
    return
  }
}

module attributes {stable_mosaic.version = 14 : i64} {
  func.func @_tc_head_body(%arg0: memref<2x2528x128xf32, #tpu.memory_space<vmem>>, %arg1: memref<2528x128xf32, #tpu.memory_space<vmem>>, %arg2: memref<2528x128xf32, #tpu.memory_space<vmem>>, %arg3: memref<1x128xf32, #tpu.memory_space<vmem>>, %arg4: memref<4x2500xi32, #tpu.memory_space<vmem>>, %arg5: memref<32x64xf32, #tpu.memory_space<vmem>>, %arg6: memref<1x64xf32, #tpu.memory_space<vmem>>, %arg7: memref<64x30xf32, #tpu.memory_space<vmem>>, %arg8: memref<1x30xf32, #tpu.memory_space<vmem>>, %arg9: memref<64x30xf32, #tpu.memory_space<vmem>>) attributes {dimension_semantics = [], scalar_prefetch = 0 : i64, scratch_operands = 0 : i64, tpu.core_type = #tpu.core_type<tc>} {
    %get3A = arith.constant 0 : index
    %get3A_0 = arith.constant 0 : index
    %get3A_1 = vector.load %arg2[%get3A, %get3A_0] : memref<2528x128xf32, #tpu.memory_space<vmem>>, vector<2528x128xf32>
    %get3A_2 = arith.constant 0 : index
    %get3A_3 = arith.constant 0 : index
    %get3A_4 = arith.constant 0 : index
    %get3A_5 = vector.load %arg0[%get3A_2, %get3A_3, %get3A_4] : memref<2x2528x128xf32, #tpu.memory_space<vmem>>, vector<1x2528x128xf32>
    %get3A_6 = vector.shape_cast %get3A_5 : vector<1x2528x128xf32> to vector<2528x128xf32>
    %get3A_7 = arith.constant 1 : index
    %get3A_8 = arith.constant 0 : index
    %get3A_9 = arith.constant 0 : index
    %get3A_10 = vector.load %arg0[%get3A_7, %get3A_8, %get3A_9] : memref<2x2528x128xf32, #tpu.memory_space<vmem>>, vector<1x2528x128xf32>
    %get3A_11 = vector.shape_cast %get3A_10 : vector<1x2528x128xf32> to vector<2528x128xf32>
    %add3A = arith.addf %get3A_6, %get3A_11 : vector<2528x128xf32>
    %get3A_12 = arith.constant 0 : index
    %get3A_13 = arith.constant 0 : index
    %get3A_14 = vector.load %arg1[%get3A_12, %get3A_13] : memref<2528x128xf32, #tpu.memory_space<vmem>>, vector<2528x128xf32>
    %add3A_15 = arith.addf %add3A, %get3A_14 : vector<2528x128xf32>
    %mul3A = arith.mulf %get3A_1, %add3A_15 : vector<2528x128xf32>
    %get3A_16 = arith.constant 0 : index
    %get3A_17 = arith.constant 0 : index
    %get3A_18 = vector.load %arg3[%get3A_16, %get3A_17] : memref<1x128xf32, #tpu.memory_space<vmem>>, vector<1x128xf32>
    %add3A_19 = vector.broadcast %get3A_18 : vector<1x128xf32> to vector<2528x128xf32>
    %add3A_20 = arith.addf %mul3A, %add3A_19 : vector<2528x128xf32>
    %max3A = arith.constant 0.000000e+00 : f32
    %max3A_21 = vector.broadcast %max3A : f32 to vector<2528x128xf32>
    %max3A_22 = arith.maximumf %add3A_20, %max3A_21 : vector<2528x128xf32>
    %slice3A = vector.extract_strided_slice %max3A_22 {offsets = [0, 0], sizes = [2500, 128], strides = [1, 1]} : vector<2528x128xf32> to vector<2500x128xf32>
    %iota3A = tpu.iota {dimensions = array<i32: 0>} : vector<64x2500xi32>
    %broadcast_in_dim3A = arith.constant 0.000000e+00 : f32
    %broadcast_in_dim3A_23 = vector.broadcast %broadcast_in_dim3A : f32 to vector<64x32xf32>
    %broadcast_in_dim3A_24 = arith.constant 0.000000e+00 : f32
    %broadcast_in_dim3A_25 = vector.broadcast %broadcast_in_dim3A_24 : f32 to vector<64x1xf32>
    %get3A_26 = arith.constant 0 : index
    %get3A_27 = arith.constant 0 : index
    %get3A_28 = vector.load %arg4[%get3A_26, %get3A_27] : memref<4x2500xi32, #tpu.memory_space<vmem>>, vector<1x2500xi32>
    %eq3A = vector.broadcast %get3A_28 : vector<1x2500xi32> to vector<64x2500xi32>
    %eq3A_29 = arith.cmpi eq, %iota3A, %eq3A : vector<64x2500xi32>
    %convert_element_type3A = arith.extui %eq3A_29 : vector<64x2500xi1> to vector<64x2500xi32>
    %convert_element_type3A_30 = arith.sitofp %convert_element_type3A : vector<64x2500xi32> to vector<64x2500xf32>
    %dot_general3A = arith.constant dense<0.000000e+00> : vector<64x128xf32>
    %dot_general3A_31 = tpu.matmul %convert_element_type3A_30, %slice3A, %dot_general3A {dimension_numbers = #tpu.dot_dimension_numbers<[1], [0], [0], [1], [0, 0, 1, 1], [], []>, transpose_lhs_hint = false} : vector<64x2500xf32>, vector<2500x128xf32>, vector<64x128xf32> -> vector<64x128xf32>
    %slice3A_32 = vector.extract_strided_slice %dot_general3A_31 {offsets = [0, 0], sizes = [64, 32], strides = [1, 1]} : vector<64x128xf32> to vector<64x32xf32>
    %add3A_33 = arith.addf %broadcast_in_dim3A_23, %slice3A_32 : vector<64x32xf32>
    %reduce_sum3A = arith.constant dense<0.000000e+00> : vector<64xf32>
    %reduce_sum3A_34 = vector.multi_reduction <add>, %convert_element_type3A_30, %reduce_sum3A [1] : vector<64x2500xf32> to vector<64xf32>
    %broadcast_in_dim3A_35 = vector.shape_cast %reduce_sum3A_34 : vector<64xf32> to vector<64x1xf32>
    %add3A_36 = arith.addf %broadcast_in_dim3A_25, %broadcast_in_dim3A_35 : vector<64x1xf32>
    %get3A_37 = arith.constant 1 : index
    %get3A_38 = arith.constant 0 : index
    %get3A_39 = vector.load %arg4[%get3A_37, %get3A_38] : memref<4x2500xi32, #tpu.memory_space<vmem>>, vector<1x2500xi32>
    %eq3A_40 = vector.broadcast %get3A_39 : vector<1x2500xi32> to vector<64x2500xi32>
    %eq3A_41 = arith.cmpi eq, %iota3A, %eq3A_40 : vector<64x2500xi32>
    %convert_element_type3A_42 = arith.extui %eq3A_41 : vector<64x2500xi1> to vector<64x2500xi32>
    %convert_element_type3A_43 = arith.sitofp %convert_element_type3A_42 : vector<64x2500xi32> to vector<64x2500xf32>
    %dot_general3A_44 = arith.constant dense<0.000000e+00> : vector<64x128xf32>
    %dot_general3A_45 = tpu.matmul %convert_element_type3A_43, %slice3A, %dot_general3A_44 {dimension_numbers = #tpu.dot_dimension_numbers<[1], [0], [0], [1], [0, 0, 1, 1], [], []>, transpose_lhs_hint = false} : vector<64x2500xf32>, vector<2500x128xf32>, vector<64x128xf32> -> vector<64x128xf32>
    %slice3A_46 = vector.extract_strided_slice %dot_general3A_45 {offsets = [0, 32], sizes = [64, 32], strides = [1, 1]} : vector<64x128xf32> to vector<64x32xf32>
    %add3A_47 = arith.addf %add3A_33, %slice3A_46 : vector<64x32xf32>
    %reduce_sum3A_48 = arith.constant dense<0.000000e+00> : vector<64xf32>
    %reduce_sum3A_49 = vector.multi_reduction <add>, %convert_element_type3A_43, %reduce_sum3A_48 [1] : vector<64x2500xf32> to vector<64xf32>
    %broadcast_in_dim3A_50 = vector.shape_cast %reduce_sum3A_49 : vector<64xf32> to vector<64x1xf32>
    %add3A_51 = arith.addf %add3A_36, %broadcast_in_dim3A_50 : vector<64x1xf32>
    %get3A_52 = arith.constant 2 : index
    %get3A_53 = arith.constant 0 : index
    %get3A_54 = vector.load %arg4[%get3A_52, %get3A_53] : memref<4x2500xi32, #tpu.memory_space<vmem>>, vector<1x2500xi32>
    %eq3A_55 = vector.broadcast %get3A_54 : vector<1x2500xi32> to vector<64x2500xi32>
    %eq3A_56 = arith.cmpi eq, %iota3A, %eq3A_55 : vector<64x2500xi32>
    %convert_element_type3A_57 = arith.extui %eq3A_56 : vector<64x2500xi1> to vector<64x2500xi32>
    %convert_element_type3A_58 = arith.sitofp %convert_element_type3A_57 : vector<64x2500xi32> to vector<64x2500xf32>
    %dot_general3A_59 = arith.constant dense<0.000000e+00> : vector<64x128xf32>
    %dot_general3A_60 = tpu.matmul %convert_element_type3A_58, %slice3A, %dot_general3A_59 {dimension_numbers = #tpu.dot_dimension_numbers<[1], [0], [0], [1], [0, 0, 1, 1], [], []>, transpose_lhs_hint = false} : vector<64x2500xf32>, vector<2500x128xf32>, vector<64x128xf32> -> vector<64x128xf32>
    %slice3A_61 = vector.extract_strided_slice %dot_general3A_60 {offsets = [0, 64], sizes = [64, 32], strides = [1, 1]} : vector<64x128xf32> to vector<64x32xf32>
    %add3A_62 = arith.addf %add3A_47, %slice3A_61 : vector<64x32xf32>
    %reduce_sum3A_63 = arith.constant dense<0.000000e+00> : vector<64xf32>
    %reduce_sum3A_64 = vector.multi_reduction <add>, %convert_element_type3A_58, %reduce_sum3A_63 [1] : vector<64x2500xf32> to vector<64xf32>
    %broadcast_in_dim3A_65 = vector.shape_cast %reduce_sum3A_64 : vector<64xf32> to vector<64x1xf32>
    %add3A_66 = arith.addf %add3A_51, %broadcast_in_dim3A_65 : vector<64x1xf32>
    %get3A_67 = arith.constant 3 : index
    %get3A_68 = arith.constant 0 : index
    %get3A_69 = vector.load %arg4[%get3A_67, %get3A_68] : memref<4x2500xi32, #tpu.memory_space<vmem>>, vector<1x2500xi32>
    %eq3A_70 = vector.broadcast %get3A_69 : vector<1x2500xi32> to vector<64x2500xi32>
    %eq3A_71 = arith.cmpi eq, %iota3A, %eq3A_70 : vector<64x2500xi32>
    %convert_element_type3A_72 = arith.extui %eq3A_71 : vector<64x2500xi1> to vector<64x2500xi32>
    %convert_element_type3A_73 = arith.sitofp %convert_element_type3A_72 : vector<64x2500xi32> to vector<64x2500xf32>
    %dot_general3A_74 = arith.constant dense<0.000000e+00> : vector<64x128xf32>
    %dot_general3A_75 = tpu.matmul %convert_element_type3A_73, %slice3A, %dot_general3A_74 {dimension_numbers = #tpu.dot_dimension_numbers<[1], [0], [0], [1], [0, 0, 1, 1], [], []>, transpose_lhs_hint = false} : vector<64x2500xf32>, vector<2500x128xf32>, vector<64x128xf32> -> vector<64x128xf32>
    %slice3A_76 = vector.extract_strided_slice %dot_general3A_75 {offsets = [0, 96], sizes = [64, 32], strides = [1, 1]} : vector<64x128xf32> to vector<64x32xf32>
    %add3A_77 = arith.addf %add3A_62, %slice3A_76 : vector<64x32xf32>
    %reduce_sum3A_78 = arith.constant dense<0.000000e+00> : vector<64xf32>
    %reduce_sum3A_79 = vector.multi_reduction <add>, %convert_element_type3A_73, %reduce_sum3A_78 [1] : vector<64x2500xf32> to vector<64xf32>
    %broadcast_in_dim3A_80 = vector.shape_cast %reduce_sum3A_79 : vector<64xf32> to vector<64x1xf32>
    %add3A_81 = arith.addf %add3A_66, %broadcast_in_dim3A_80 : vector<64x1xf32>
    %max3A_82 = arith.constant 1.000000e+00 : f32
    %max3A_83 = vector.broadcast %max3A_82 : f32 to vector<64x1xf32>
    %max3A_84 = arith.maximumf %add3A_81, %max3A_83 : vector<64x1xf32>
    %div3A = vector.broadcast %max3A_84 : vector<64x1xf32> to vector<64x32xf32>
    %div3A_85 = arith.divf %add3A_77, %div3A : vector<64x32xf32>
    %get3A_86 = arith.constant 0 : index
    %get3A_87 = arith.constant 0 : index
    %get3A_88 = vector.load %arg5[%get3A_86, %get3A_87] : memref<32x64xf32, #tpu.memory_space<vmem>>, vector<32x64xf32>
    %dot_general3A_89 = arith.constant dense<0.000000e+00> : vector<64x64xf32>
    %dot_general3A_90 = tpu.matmul %div3A_85, %get3A_88, %dot_general3A_89 {dimension_numbers = #tpu.dot_dimension_numbers<[1], [0], [0], [1], [0, 0, 1, 1], [], []>, transpose_lhs_hint = false} : vector<64x32xf32>, vector<32x64xf32>, vector<64x64xf32> -> vector<64x64xf32>
    %get3A_91 = arith.constant 0 : index
    %get3A_92 = arith.constant 0 : index
    %get3A_93 = vector.load %arg6[%get3A_91, %get3A_92] : memref<1x64xf32, #tpu.memory_space<vmem>>, vector<1x64xf32>
    %add3A_94 = vector.broadcast %get3A_93 : vector<1x64xf32> to vector<64x64xf32>
    %add3A_95 = arith.addf %dot_general3A_90, %add3A_94 : vector<64x64xf32>
    %max3A_96 = arith.constant 0.000000e+00 : f32
    %max3A_97 = vector.broadcast %max3A_96 : f32 to vector<64x64xf32>
    %max3A_98 = arith.maximumf %add3A_95, %max3A_97 : vector<64x64xf32>
    %get3A_99 = arith.constant 0 : index
    %get3A_100 = arith.constant 0 : index
    %get3A_101 = vector.load %arg7[%get3A_99, %get3A_100] : memref<64x30xf32, #tpu.memory_space<vmem>>, vector<64x30xf32>
    %dot_general3A_102 = arith.constant dense<0.000000e+00> : vector<64x30xf32>
    %dot_general3A_103 = tpu.matmul %max3A_98, %get3A_101, %dot_general3A_102 {dimension_numbers = #tpu.dot_dimension_numbers<[1], [0], [0], [1], [0, 0, 1, 1], [], []>, transpose_lhs_hint = false} : vector<64x64xf32>, vector<64x30xf32>, vector<64x30xf32> -> vector<64x30xf32>
    %get3A_104 = arith.constant 0 : index
    %get3A_105 = arith.constant 0 : index
    %get3A_106 = vector.load %arg8[%get3A_104, %get3A_105] : memref<1x30xf32, #tpu.memory_space<vmem>>, vector<1x30xf32>
    %add3A_107 = vector.broadcast %get3A_106 : vector<1x30xf32> to vector<64x30xf32>
    %add3A_108 = arith.addf %dot_general3A_103, %add3A_107 : vector<64x30xf32>
    %reduce_max3A = arith.constant dense<0xFF800000> : vector<64xf32>
    %reduce_max3A_109 = vector.multi_reduction <maximumf>, %add3A_108, %reduce_max3A [1] : vector<64x30xf32> to vector<64xf32>
    %broadcast_in_dim3A_110 = vector.shape_cast %reduce_max3A_109 : vector<64xf32> to vector<64x1xf32>
    %sub3A = vector.broadcast %broadcast_in_dim3A_110 : vector<64x1xf32> to vector<64x30xf32>
    %sub3A_111 = arith.subf %add3A_108, %sub3A : vector<64x30xf32>
    %exp3A = math.exp %sub3A_111 : vector<64x30xf32>
    %reduce_sum3A_112 = arith.constant dense<0.000000e+00> : vector<64xf32>
    %reduce_sum3A_113 = vector.multi_reduction <add>, %exp3A, %reduce_sum3A_112 [1] : vector<64x30xf32> to vector<64xf32>
    %broadcast_in_dim3A_114 = vector.shape_cast %reduce_sum3A_113 : vector<64xf32> to vector<64x1xf32>
    %div3A_115 = vector.broadcast %broadcast_in_dim3A_114 : vector<64x1xf32> to vector<64x30xf32>
    %div3A_116 = arith.divf %exp3A, %div3A_115 : vector<64x30xf32>
    %swap3A = arith.constant 0 : index
    %swap3A_117 = arith.constant 0 : index
    %swap3A_118 = vector.load %arg9[%swap3A, %swap3A_117] : memref<64x30xf32, #tpu.memory_space<vmem>>, vector<64x30xf32>
    tpu.vector_store %arg9[%swap3A, %swap3A_117], %div3A_116 {strides = array<i32>} : memref<64x30xf32, #tpu.memory_space<vmem>>, vector<64x30xf32>,
    return
  }
}

</mosaic_0001>

<sc_bundles>
// kernel: kernel.13.cloned.1.call-start
scs
__scs_entry_jumppad:
0x0: {  	(pc) =	sbr.rel $0x88, $3  }
0x1: {  	(tag) =	ssettag $0x0;
	lr =	simm.s32 $0x1  }
0x2: {  	[smem:$0x3F92] =	sst lr;
	_ =	strace $0xD0000000  }
0x3: {  	_ = 	snop  }
0x4: {  	_ = 	snop  }
0x5: {  	_ = 	snop  }
0x6: {  	_ = 	snop  }
0x7: {  	_ = 	snop  }
__scs_overlays_trampoline_lowered:
0x8: {  	[smem:$0x3FA1] =	sst s0  }
0x9: {  	[smem:$0x3FA2] =	sst s1  }
0xa: {  	[smem:$0x3FA3] =	sst s2  }
0xb: {  	[smem:$0x3FA4] =	sst s3  }
0xc: {  	[smem:$0x3FA5] =	sst s4  }
0xd: {  	[smem:$0x3FA6] =	sst s5  }
0xe: {  	[smem:$0x3FA7] =	sst s6  }
0xf: {  	[smem:$0x3FA8] =	sst s7  }
0x10: {  	[smem:$0x3FA9] =	sst s8  }
0x11: {  	[smem:$0x3FAA] =	sst s9;
	s0 =	simm.s32 @!p0 $0x0  }
0x12: {  	s1 =	sld [smem:$0x3F90];
	s0 =	simm.s32 @p0 $0x1  }
0x13: {  	[smem:$0x3FAB] =	sst s0;
	s0 =	simm.s32 @!p1 $0x0  }
0x14: {  	s2 =	sld [smem:$0x3F8F];
	s0 =	simm.s32 @p1 $0x1  }
0x15: {  	[smem:$0x3FAC] =	sst s0;
	s0 =	simm.s32 @!p2 $0x0  }
0x16: {  	s3 =	sld [smem:$0x3FDB];
	s0 =	simm.s32 @p2 $0x1  }
0x17: {  	s4 =	simm.s32 $0x1BF5;
	[smem:$0x3FAE] =	sst s0  }
0x18: {  	s0 =	sld [smem:$0x3F91];
	_ =	swait.ge [sflag:s4], $0x0  }
0x19: {  	s7 =	sld [smem:$0x3F92]  }
0x1a: {  	s8 =	sadd.s32 $0xFFFFE003, lr  }
0x1b: {  	s9 =	sadd.s32 $0xFFFFFEF7, lr;
	s5 =	simm.s32 $0xFFFFFFFF;
	p2 =	slt.u32 s8, $0xFFFFF086  }
0x1c: {  	p1 =	slt.u32 s9, $0xF7A;
	s5 =	simm.s32 @!p2 $0x0  }
0x1d: {  	s5 =	simm.s32 @p1 $0x1;
	p0 =	seq.s32 s7, s2  }
0x1e: {  	s7 =	smul.u32 @!p0 $0xF7A, s2;
	p2 =	seq.s32 @!p0 s5, $0x0  }
0x1f: {  	s9 =	smul.u32 $0xF7A, s1;
	s8 =	simm.s32 @!p0 $0x1BF5;
	p2 =	por !p2, p0  }
0x20: {  	[sflag:s8] =	ssyncset.s32 @!p0 $0xFFFFF086;
	s6 =	sadd.s32 @!p0 s3, s7;
	s7 =	simm.s32 @!p0 $0x108  }
0x21: {  	s3 =	sadd.s32 s3, s9;
	s6 =	sadd.s32 @!p0 $0x88, s6;
	s7 =	simm.s32 @p2 $0x1082  }
0x22: {  	[simem:s7], [sflag:s8] =	dma.local @!p0 [hbm:s6], $0xF7A  }
0x23: {  	s9 =	sor.u32 $0xD0000000, s2;
	s6 =	simm.s32 $0x108;
	_ =	swait.ge @!p0 [sflag:s8], $0x0  }
0x24: {  	s3 =	sadd.s32 $0x88, s3;
	s6 =	simm.s32 @!p1 $0x1082;
	[sflag:s4] =	ssyncset.s32 $0xFFFFF086  }
0x25: {  	[simem:s6], [sflag:s4] =	dma.local [hbm:s3], $0xF7A  }
0x26: {  	[smem:$0x3F92] =	sst s1;
	(tag) =	ssettag s2;
	_ =	strace s9  }
0x27: {  	s1 =	sld [smem:$0x3FA2]  }
0x28: {  	s2 =	sld [smem:$0x3FA3]  }
0x29: {  	s4 =	sld [smem:$0x3FA5]  }
0x2a: {  	p0 =	seq.s32 s5, $0x0;
	s5 =	sld [smem:$0x3FA6]  }
0x2b: {  	s6 =	sld [smem:$0x3FA7]  }
0x2c: {  	s7 =	sld [smem:$0x3FA8]  }
0x2d: {  	s3 =	simm.s32 $0x108;
	s8 =	sld [smem:$0x3FA9]  }
0x2e: {  	s3 =	simm.s32 @!p0 $0x1082;
	s9 =	sld [smem:$0x3FAA]  }
0x2f: {  	lr =	sadd.s32 s0, s3;
	s0 =	sld [smem:$0x3FA1]  }
0x30: {  	s3 =	sld [smem:$0x3FA4]  }
0x31: {  	[smem:$0x3FAD] =	sst s10  }
0x32: {  	s10 =	sld [smem:$0x3FAB];
	_ =	sdelay $0x3  }
0x33: {  	p0 =	seq.s32 s10, $0x1;
	s10 =	sld [smem:$0x3FAD];
	_ =	sdelay $0x3  }
0x34: {  	[smem:$0x3FAD] =	sst s10  }
0x35: {  	s10 =	sld [smem:$0x3FAC];
	_ =	sdelay $0x3  }
0x36: {  	p1 =	seq.s32 s10, $0x1;
	s10 =	sld [smem:$0x3FAD];
	_ =	sdelay $0x3  }
0x37: {  	[smem:$0x3FAD] =	sst s10  }
0x38: {  	s10 =	sld [smem:$0x3FAE]  }
0x39: {  	_ = 	snop;
	(pc) =	sbr.ind lr, $3  }
0x3a: {  	_ = 	snop  }
0x3b: {  	_ = 	snop  }
0x3c: {  	p2 =	seq.s32 s10, $0x1;
	s10 =	sld [smem:$0x3FAD]  }
0x3d: {  	_ =	shalt  }
0x3e: {  	_ =	shalt  }
0x3f: {  	_ =	shalt  }
0x40: {  	_ =	shalt  }
0x41: {  	_ =	shalt  }
0x42: {  	_ =	shalt  }
0x43: {  	_ =	shalt  }
0x44: {  	_ =	shalt  }
0x45: {  	_ =	shalt  }
0x46: {  	_ =	shalt  }
0x47: {  	_ =	shalt  }
0x48: {  	_ =	shalt  }
0x49: {  	_ =	shalt  }
0x4a: {  	_ =	shalt  }
0x4b: {  	_ =	shalt  }
0x4c: {  	_ =	shalt  }
0x4d: {  	_ =	shalt  }
0x4e: {  	_ =	shalt  }
0x4f: {  	_ =	shalt  }
0x50: {  	_ =	shalt  }
0x51: {  	_ =	shalt  }
0x52: {  	_ =	shalt  }
0x53: {  	_ =	shalt  }
0x54: {  	_ =	shalt  }
0x55: {  	_ =	shalt  }
0x56: {  	_ =	shalt  }
0x57: {  	_ =	shalt  }
0x58: {  	_ =	shalt  }
0x59: {  	_ =	shalt  }
0x5a: {  	_ =	shalt  }
0x5b: {  	_ =	shalt  }
0x5c: {  	_ =	shalt  }
0x5d: {  	_ =	shalt  }
0x5e: {  	_ =	shalt  }
0x5f: {  	_ =	shalt  }
0x60: {  	_ =	shalt  }
0x61: {  	_ =	shalt  }
0x62: {  	_ =	shalt  }
0x63: {  	_ =	shalt  }
0x64: {  	_ =	shalt  }
0x65: {  	_ =	shalt  }
0x66: {  	_ =	shalt  }
0x67: {  	_ =	shalt  }
0x68: {  	_ =	shalt  }
0x69: {  	_ =	shalt  }
0x6a: {  	_ =	shalt  }
0x6b: {  	_ =	shalt  }
0x6c: {  	_ =	shalt  }
0x6d: {  	_ =	shalt  }
0x6e: {  	_ =	shalt  }
0x6f: {  	_ =	shalt  }
0x70: {  	_ =	shalt  }
0x71: {  	_ =	shalt  }
0x72: {  	_ =	shalt  }
0x73: {  	_ =	shalt  }
0x74: {  	_ =	shalt  }
0x75: {  	_ =	shalt  }
0x76: {  	_ =	shalt  }
0x77: {  	_ =	shalt  }
0x78: {  	_ =	shalt  }
0x79: {  	_ =	shalt  }
0x7a: {  	_ =	shalt  }
0x7b: {  	_ =	shalt  }
0x7c: {  	_ =	shalt  }
0x7d: {  	_ =	shalt  }
0x7e: {  	_ =	shalt  }
0x7f: {  	_ =	shalt  }
0x80: {  	_ =	shalt  }
0x81: {  	_ =	shalt  }
0x82: {  	_ =	shalt  }
0x83: {  	_ =	shalt  }
0x84: {  	_ =	shalt  }
0x85: {  	_ =	shalt  }
0x86: {  	_ =	shalt  }
0x87: {  	_ =	shalt  }
.Lfunc_end0:
.L_simem_size_0:
called_computation_lowered:
.L_overlay_start_0:
0x88: {  	s2 =	sld [smem:$0x3FD9]  }
0x89: {  	s3 =	sld [smem:$0x3FFE];
	_ =	sdelay $0x1  }
0x8a: {  	s1 =	srdreg.scid  }
0x8b: {  	s0 =	sand.u32 $0x1, s1  }
0x8c: {  	s17 =	sshll.u32 s0, $0xA;
	s2 =	sadd.s32 s3, s2  }
0x8d: {  	s2 =	sadd.s32 s2, s17  }
0x8e: {  	[smem:$0x3FB9] =	sst s2  }
0x8f: {  	_ = 	snop  }
0x90: {  	s2 =	sld [smem:$0x3FD0];
	(tm) =	ssettm $0x1  }
0x91: {  	s18 =	sld [smem:$0x3FFB];
	_ =	sdelay $0x3  }
0x92: {  	_ =	strace s18  }
0x93: {  	s3 =	sld [smem:$0x3FFC];
	_ =	sdelay $0x3  }
0x94: {  	_ =	strace s3  }
0x95: {  	s3 =	sld [smem:$0x3FFD];
	_ =	sdelay $0x3  }
0x96: {  	_ =	strace s3  }
0x97: {  	_ =	strace $0x8FFFFFFF  }
0x98: {  	s19 =	sld [smem:$0x3FDB];
	_ =	sdelay $0x1  }
0x99: {  	s4 =	simm.s32 $_scs_section_size  }
0x9a: {  	s5 =	simm.s32 $_size__tile_overlayer_lowered;
	s6 =	simm.s32 $_tile_overlayer_lowered  }
0x9b: {  	s22 =	simm.s32 $0x1BFF;
	s21 =	sshll.u32 s6, $0x1;
	s3 =	sadd.s32 s4, s19  }
0x9c: {  	s7 =	simm.s32 $0x0;
	s20 =	sshll.u32 s5, $0x1;
	s5 =	sadd.s32 s21, s3  }
0x9d: {  	[timem:s7], [sflag:s22] =	dma.local [hbm:s5], s20  }
0x9e: {  	_ =	swait.ge [sflag:s22], s20  }
0x9f: {  	s4 =	ssub.s32 $0x0, s20;
	[sflag:s22] =	ssyncset.done $0x0  }
0xa0: {  	[sflag:s22] =	ssyncadd.s32 s4;
	_ =	sdelay $0x1  }
0xa1: {  	s23 =	simm.s32 $0x1B8B  }
0xa2: {  	_ =	swait.ge [sflag:s23], $0x1  }
0xa3: {  	[sflag:s23] =	ssyncset.done $0x0  }
0xa4: {  	s25 =	simm.s32 $0x1B8E;
	s24 =	sld [smem:$0x3FFE];
	[sflag:s23] =	ssyncadd.s32 $0xFFFFFFFF  }
0xa5: {  	s26 =	simm.s32 $execute0_lowered;
	[smem:$0x3FD2] =	sst s25  }
0xa6: {  	s5 =	sshll.u32 s26, $0x1;
	_ =	strace $0x80000046;
	[dreg:$0x1] =	wrdreg $0xFFFFFFFF  }
0xa7: {  	s28 =	simm.s32 $_size_execute0_lowered;
	s3 =	sadd.s32 s3, s5;
	[dreg:$0x0] =	wrdreg $0x0  }
0xa8: {  	s5 =	sshll.u32 s28, $0x1;
	[dreg:$0x2] =	wrdreg s3  }
0xa9: {  	[dreg:$0x3] =	wrdreg s5  }
0xaa: {  	[dreg:$0x4] =	wrdreg $0xC0  }
0xab: {  	_ =	task [dreg:s7], $0x5FFFF  }
0xac: {  	[dreg:$0x1] =	wrdreg $0xFFFFFFFF  }
0xad: {  	[dreg:$0x0] =	wrdreg $0x60  }
0xae: {  	[dreg:$0x2] =	wrdreg s24  }
0xaf: {  	[dreg:$0x3] =	wrdreg s2  }
0xb0: {  	[dreg:$0x4] =	wrdreg $0xA6000  }
0xb1: {  	[dreg:$0x5] =	wrdreg $0x9  }
0xb2: {  	_ =	task.clear_ibuf [dreg:s7], $0x6FFFF;
	_ =	strace $0x90000046  }
0xb3: {  	s29 =	simm.s32 $0x9;
	_ =	strace $0x80000048  }
0xb4: {  	_ =	swait.ge [sflag:s29], $0x1  }
0xb5: {  	[sflag:s29] =	ssyncadd.s32 $0xFFFFFFFF  }
0xb6: {  	_ =	strace $0x90000048  }
0xb7: {  	_ =	sfence  }
0xb8: {  	s30 =	sld [smem:$0x0];
	_ =	sdelay $0x2  }
0xb9: {  	s31 =	sshll.u32 s1, $0xD;
	s1 =	sshrl.u32 s1, $0x2  }
0xba: {  	s3 =	sand.u32 $0x4000, s31;
	s1 =	sadd.s32 s1, s30  }
0xbb: {  	s0 =	sor.u32 s3, s0;
	s1 =	sshll.u32 s1, $0x11  }
0xbc: {  	s0 =	sor.u32 s1, s0  }
0xbd: {  	s0 =	sadd.s32 $0x8F2B, s0  }
0xbe: {  	[sflag:s0] =	ssyncadd.remote.s32 $0x1  }
0xbf: {  	_ =	sfence.sel $0xFFFF  }
0xc0: {  	[dreg:$0x0] =	wrdreg $0xFFFFFFFF;
	(pc) =	sbr.abs _section_cstart, $3  }
0xc1: {  	[dreg:$0x1] =	wrdreg $0xFFFFFFFF  }
0xc2: {  	_ =	task.clear_ibuf [dreg:s7], $0x2FFFF;
	_ =	strace $0x9FFFFFFF  }
0xc3: {  	(tm) =	ssettm $0x7FFFFFFF  }
tec
execute0_lowered:
.L_overlay_start_1:
0x0: {  	(tag) =	ssettag $0x1  }
0x1: {  	s7 =	rddreg [dreg:$0x0]  }
0x2: {  	s2 =	rddreg [dreg:$0x1];
	s0 =	stileid.u32  }
0x3: {  	s1 =	srdreg.scid;
	s3 =	rddreg [dreg:$0x2];
	s4 =	simm.s32 $0x0  }
0x4: {  	s14 =	simm.s32 $0x2780;
	s15 =	simm.s32 $0x80;
	s16 =	simm.s32 $0x2F80  }
0x5: {  	s17 =	simm.s32 $0x5700;
	s18 =	simm.s32 $0x0;
	s6 =	smul.u32 $0x2780, s0  }
0x6: {  	s5 =	sand.u32 $0x1, s1;
	s1 =	rddreg [dreg:$0x3];
	s9 =	smul.u32 $0x4F00, s0  }
0x7: {  	[smem:$0x7FF] =	sst s4;
	s31 =	sshll.u32 s0, $0x6;
	s8 =	smul.u32 $0x4F000, s5  }
0x8: {  	_ =	strace $0x80000047;
	s11 =	sshll.u32 s5, $0x4;
	s26 =	ssub.s32 $0x2, s5  }
0x9: {  	s5 =	simm.s32 $0x4F;
	s10 =	sshrl.u32 s6, $0x3;
	s25 =	sor.u32 s0, s11  }
0xa: {  	s29 =	sshrl.u32 s26, $0x1;
	s6 =	sadd.s32 s6, s3;
	s10 =	sadd.s32 s10, s7  }
0xb: {  	s8 =	sadd.s32 s9, s8;
	s28 =	smul.u32 $0x4E, s25;
	s13 =	smax.u32 s25, $0x1C  }
0xc: {  	p0 =	sgt.u32 s25, $0x1B;
	s11 =	ssub.s32 s26, s29;
	s8 =	sshrl.u32 s8, $0x3  }
0xd: {  	s5 =	simm.s32 @!p0 $0x4E;
	s11 =	smax.u32 s11, $0x1;
	s13 =	sadd.s32 s28, s13  }
0xe: {  	s12 =	sadd.s32 s8, s7;
	s8 =	sor.u32 $0x1C01, s31;
	s30 =	sshll.u32 s13, $0x4  }
0xf: {  	s13 =	sadd.s32 s7, s30;
	s7 =	sadd.s32 $0x18800, s10;
	s10 =	sadd.s32 $0x1D800, s12  }
0x10: {  	s12 =	sshrl.u32 s6, $0x3;
	s9 =	sadd.s32 $0xE840, s13;
	s13 =	simm.s32 $0x1  }
.LBB2_1:
0x11: {  	[spmem:s12], [sflag:s8] =	dma.local [hbm:s7], $0x4F0  }
0x12: {  	_ =	swait.ge [sflag:s13], $0x4F0  }
0x13: {  	[sflag:s13] =	ssyncset.done $0x0  }
0x14: {  	[sflag:s13] =	ssyncadd.s32 $0xFFFFFB10  }
0x15: {  	[tilespmem:s4], [sflag:$0x1] =	stream.linear.gather [hbm4b:s9+s4], $0x2780, $0x38;
	[tilespmem:$0xCD80] =	vst v63  }
0x16: {  	_ =	swait.ge [sflag:s13], $0x2780  }
0x17: {  	[sflag:s13] =	ssyncset.done $0x0  }
0x18: {  	[sflag:s13] =	ssyncadd.s32 $0xFFFFD880  }
0x19: {  	[tilespmem:s14], [sflag:$0x1] =	stream.linear.gather [hbm4b:s2+s4], $0x800, $0x38;
	[tilespmem:$0xCD80] =	vst v63  }
0x1a: {  	_ =	swait.ge [sflag:s13], $0x800  }
0x1b: {  	p0 =	sne.s32 s5, $0x1;
	[sflag:s13] =	ssyncset.done $0x0  }
.Ltmp0:
0x1c: {  	[sflag:s13] =	ssyncadd.s32 $0xFFFFF800;
	(pc) =	sbr.rel @!p0 .LBB2_3-.Ltmp0, $4  }
0x1d: {  	[bflag:$0x0] =	sbarrier.arrive $0xFFFF  }
0x1e: {  	[spmem:s3] =	stream.indirect.scatter.add.f32 [tilespmem:s14], [sflag:$0x1], $0x10, s4, s15, $0xb8;
	[tilespmem:$0xCD80] =	vst v63  }
0x1f: {  	_ =	swait.ge [sflag:s13], $0x800  }
0x20: {  	s19 =	sadd.s32 $0xFFFFFFFF, s5;
	s20 =	simm.s32 $0x0;
	[sflag:s13] =	ssyncset.done $0x0  }
.LBB2_2:
0x21: {  	p0 =	sne.s32 s19, $0x1;
	[sflag:s13] =	ssyncadd.s32 $0xFFFFF800;
	s20 =	sadd.s32 $0x80, s20  }
.Ltmp1:
0x22: {  	s19 =	sadd.s32 $0xFFFFFFFF, s19;
	(pc) =	sbr.rel @p0 .LBB2_2-.Ltmp1, $4  }
0x23: {  	_ = 	snop  }
0x24: {  	[spmem:s3] =	stream.indirect.scatter.add.f32 [tilespmem:s14], [sflag:$0x1], $0x10, s20, s15, $0xb8;
	[tilespmem:$0xCD80] =	vst v63  }
0x25: {  	_ =	swait.ge [sflag:s13], $0x800  }
0x26: {  	[sflag:s13] =	ssyncset.done $0x0  }
.LBB2_3:
0x27: {  	[sflag:s13] =	ssyncadd.s32 $0xFFFFF800  }
0x28: {  	[bflag:$0x0] =	sbarrier.arrive $0xFFFF  }
0x29: {  	[tilespmem:s16], [sflag:$0x1] =	stream.linear.gather [spmem:s6], $0x2780, $0x38;
	[tilespmem:$0xCD80] =	vst v63  }
0x2a: {  	_ =	swait.ge [sflag:s13], $0x2780  }
0x2b: {  	[sflag:s13] =	ssyncset.done $0x0  }
0x2c: {  	s21 =	simm.s32 $0x0;
	[sflag:s13] =	ssyncadd.s32 $0xFFFFD880  }
0x2d: {  	v0 =	vld [tilespmem:s21+$0x2F80];
	_ =	sdelay $0x3  }
0x2e: {  	s19 =	simm.s32 $0x5740  }
0x2f: {  	[tilespmem:s19+$0xFFFFFFC0] =	vst v0  }
0x30: {  	[tilespmem:s19+$0xFFFFFFD0] =	vst v0  }
0x31: {  	v0 =	vld [tilespmem:s21+$0x2F90];
	_ =	sdelay $0x4  }
0x32: {  	[tilespmem:s19+$0xFFFFFFE0] =	vst v0  }
0x33: {  	[tilespmem:s19+$0xFFFFFFF0] =	vst v0  }
0x34: {  	v0 =	vld [tilespmem:s21+$0x2FA0];
	_ =	sdelay $0x4  }
0x35: {  	[tilespmem:s19+$0x0] =	vst v0  }
0x36: {  	[tilespmem:s19+$0x10] =	vst v0  }
0x37: {  	s20 =	simm.s32 $0x100;
	v0 =	vld [tilespmem:s21+$0x2FB0];
	s21 =	simm.s32 $0x5740  }
.LBB2_4:
0x38: {  	p0 =	sne.s32 s20, $0x9D00  }
0x39: {  	s19 =	sadd.s32 $0x80, s19;
	s22 =	smov.u32 s20;
	s20 =	sadd.s32 $0x100, s20  }
0x3a: {  	_ =	sdelay $0x1  }
0x3b: {  	[tilespmem:s21+$0x20] =	vst v0  }
0x3c: {  	s22 =	sshra.s32 s22, $0x2;
	[tilespmem:s21+$0x30] =	vst v0;
	s21 =	smov.u32 s19  }
0x3d: {  	v0 =	vld [tilespmem:s22+$0x2F80];
	_ =	sdelay $0x4  }
0x3e: {  	[tilespmem:s19+$0xFFFFFFC0] =	vst v0  }
0x3f: {  	[tilespmem:s19+$0xFFFFFFD0] =	vst v0  }
0x40: {  	v0 =	vld [tilespmem:s22+$0x2F90];
	_ =	sdelay $0x4  }
0x41: {  	[tilespmem:s19+$0xFFFFFFE0] =	vst v0  }
0x42: {  	[tilespmem:s19+$0xFFFFFFF0] =	vst v0  }
0x43: {  	v0 =	vld [tilespmem:s22+$0x2FA0];
	_ =	sdelay $0x2  }
.Ltmp2:
0x44: {  	(pc) =	sbr.rel @p0 .LBB2_4-.Ltmp2, $4  }
0x45: {  	_ = 	snop  }
0x46: {  	[tilespmem:s19+$0x0] =	vst v0  }
0x47: {  	[tilespmem:s19+$0x10] =	vst v0  }
0x48: {  	v0 =	vld [tilespmem:s22+$0x2FB0]  }
0x49: {  	_ =	sdelay $0x2  }
0x4a: {  	s18 =	sadd.s32 $0x1, s18  }
0x4b: {  	p0 =	sne.s32 s18, s11;
	[tilespmem:s21+$0x20] =	vst v0  }
.Ltmp3:
0x4c: {  	[tilespmem:s21+$0x30] =	vst v0;
	(pc) =	sbr.rel @p0 .LBB2_1-.Ltmp3, $4  }
0x4d: {  	[hbm4b:s10+s4] =	stream.linear.scatter [tilespmem:s17], [sflag:$0x1], $0x4F00, $0x38;
	[tilespmem:$0xCD80] =	vst v63  }
0x4e: {  	_ =	swait.ge [sflag:s13], $0x4F00  }
0x4f: {  	[sflag:s13] =	ssyncset.done $0x0  }
0x50: {  	[sflag:s13] =	ssyncadd.s32 $0xFFFFB100  }
0x51: {  	_ =	sfence.sel $0x180000  }
0x52: {  	[bflag:$0x0] =	sbarrier.arrive $0xFFFF  }
0x53: {  	p0 =	sne.s32 s0, $0x0;
	_ =	strace $0x90000047  }
0x54: {  	s0 =	sadd.s32 @!p0 $0x100000, s1;
	[bflag:$0x2] =	sbarrier.arrive $0xFFFF  }
0x55: {  	[sflag:s0] =	ssyncadd.tile.s32 @!p0 $0x1;
	_ =	shalt  }
.Lfunc_end2:
_tile_overlayer_lowered:
.L_overlay_start_2:
0x56: {  	(tag) =	ssettag $0x2  }
0x57: {  	s0 =	rddreg [dreg:$0x0];
	s2 =	stileid.u32  }
0x58: {  	s1 =	rddreg [dreg:$0x1];
	p0 =	sne.s32 s2, $0x0  }
0x59: {  	s3 =	rddreg [dreg:$0x2];
	[bflag:$0x3] =	sbarrier.arrive $0xFFFF;
	s2 =	simm.s32 @!p0 $0x1C01  }
0x5a: {  	[timem:s3], [sflag:s2] =	dma.local @!p0 [hbm:s0], s1  }
0x5b: {  	s0 =	simm.s32 @!p0 $0x1  }
0x5c: {  	_ =	swait.ge @!p0 [sflag:s0], s1  }
0x5d: {  	s1 =	ssub.s32 @!p0 $0x0, s1;
	[sflag:s0] =	ssyncset.done @!p0 $0x0  }
0x5e: {  	[sflag:s0] =	ssyncadd.s32 @!p0 s1  }
0x5f: {  	[bflag:$0x3] =	sbarrier.arrive $0xFFFF  }
0x60: {  	_ =	shalt  }

// kernel: kernel.16.cloned.1.call-start
scs
__scs_entry_jumppad:
0x0: {  	(pc) =	sbr.rel $0x88, $3  }
0x1: {  	(tag) =	ssettag $0x0;
	lr =	simm.s32 $0x1  }
0x2: {  	[smem:$0x3F92] =	sst lr;
	_ =	strace $0xD0000000  }
0x3: {  	_ = 	snop  }
0x4: {  	_ = 	snop  }
0x5: {  	_ = 	snop  }
0x6: {  	_ = 	snop  }
0x7: {  	_ = 	snop  }
__scs_overlays_trampoline_lowered:
0x8: {  	[smem:$0x3FA1] =	sst s0  }
0x9: {  	[smem:$0x3FA2] =	sst s1  }
0xa: {  	[smem:$0x3FA3] =	sst s2  }
0xb: {  	[smem:$0x3FA4] =	sst s3  }
0xc: {  	[smem:$0x3FA5] =	sst s4  }
0xd: {  	[smem:$0x3FA6] =	sst s5  }
0xe: {  	[smem:$0x3FA7] =	sst s6  }
0xf: {  	[smem:$0x3FA8] =	sst s7  }
0x10: {  	[smem:$0x3FA9] =	sst s8  }
0x11: {  	[smem:$0x3FAA] =	sst s9;
	s0 =	simm.s32 @!p0 $0x0  }
0x12: {  	s1 =	sld [smem:$0x3F90];
	s0 =	simm.s32 @p0 $0x1  }
0x13: {  	[smem:$0x3FAB] =	sst s0;
	s0 =	simm.s32 @!p1 $0x0  }
0x14: {  	s2 =	sld [smem:$0x3F8F];
	s0 =	simm.s32 @p1 $0x1  }
0x15: {  	[smem:$0x3FAC] =	sst s0;
	s0 =	simm.s32 @!p2 $0x0  }
0x16: {  	s3 =	sld [smem:$0x3FDB];
	s0 =	simm.s32 @p2 $0x1  }
0x17: {  	s4 =	simm.s32 $0x1BF5;
	[smem:$0x3FAE] =	sst s0  }
0x18: {  	s0 =	sld [smem:$0x3F91];
	_ =	swait.ge [sflag:s4], $0x0  }
0x19: {  	s7 =	sld [smem:$0x3F92]  }
0x1a: {  	s8 =	sadd.s32 $0xFFFFE003, lr  }
0x1b: {  	s9 =	sadd.s32 $0xFFFFFEF7, lr;
	s5 =	simm.s32 $0xFFFFFFFF;
	p2 =	slt.u32 s8, $0xFFFFF086  }
0x1c: {  	p1 =	slt.u32 s9, $0xF7A;
	s5 =	simm.s32 @!p2 $0x0  }
0x1d: {  	s5 =	simm.s32 @p1 $0x1;
	p0 =	seq.s32 s7, s2  }
0x1e: {  	s7 =	smul.u32 @!p0 $0xF7A, s2;
	p2 =	seq.s32 @!p0 s5, $0x0  }
0x1f: {  	s9 =	smul.u32 $0xF7A, s1;
	s8 =	simm.s32 @!p0 $0x1BF5;
	p2 =	por !p2, p0  }
0x20: {  	[sflag:s8] =	ssyncset.s32 @!p0 $0xFFFFF086;
	s6 =	sadd.s32 @!p0 s3, s7;
	s7 =	simm.s32 @!p0 $0x108  }
0x21: {  	s3 =	sadd.s32 s3, s9;
	s6 =	sadd.s32 @!p0 $0x88, s6;
	s7 =	simm.s32 @p2 $0x1082  }
0x22: {  	[simem:s7], [sflag:s8] =	dma.local @!p0 [hbm:s6], $0xF7A  }
0x23: {  	s9 =	sor.u32 $0xD0000000, s2;
	s6 =	simm.s32 $0x108;
	_ =	swait.ge @!p0 [sflag:s8], $0x0  }
0x24: {  	s3 =	sadd.s32 $0x88, s3;
	s6 =	simm.s32 @!p1 $0x1082;
	[sflag:s4] =	ssyncset.s32 $0xFFFFF086  }
0x25: {  	[simem:s6], [sflag:s4] =	dma.local [hbm:s3], $0xF7A  }
0x26: {  	[smem:$0x3F92] =	sst s1;
	(tag) =	ssettag s2;
	_ =	strace s9  }
0x27: {  	s1 =	sld [smem:$0x3FA2]  }
0x28: {  	s2 =	sld [smem:$0x3FA3]  }
0x29: {  	s4 =	sld [smem:$0x3FA5]  }
0x2a: {  	p0 =	seq.s32 s5, $0x0;
	s5 =	sld [smem:$0x3FA6]  }
0x2b: {  	s6 =	sld [smem:$0x3FA7]  }
0x2c: {  	s7 =	sld [smem:$0x3FA8]  }
0x2d: {  	s3 =	simm.s32 $0x108;
	s8 =	sld [smem:$0x3FA9]  }
0x2e: {  	s3 =	simm.s32 @!p0 $0x1082;
	s9 =	sld [smem:$0x3FAA]  }
0x2f: {  	lr =	sadd.s32 s0, s3;
	s0 =	sld [smem:$0x3FA1]  }
0x30: {  	s3 =	sld [smem:$0x3FA4]  }
0x31: {  	[smem:$0x3FAD] =	sst s10  }
0x32: {  	s10 =	sld [smem:$0x3FAB];
	_ =	sdelay $0x3  }
0x33: {  	p0 =	seq.s32 s10, $0x1;
	s10 =	sld [smem:$0x3FAD];
	_ =	sdelay $0x3  }
0x34: {  	[smem:$0x3FAD] =	sst s10  }
0x35: {  	s10 =	sld [smem:$0x3FAC];
	_ =	sdelay $0x3  }
0x36: {  	p1 =	seq.s32 s10, $0x1;
	s10 =	sld [smem:$0x3FAD];
	_ =	sdelay $0x3  }
0x37: {  	[smem:$0x3FAD] =	sst s10  }
0x38: {  	s10 =	sld [smem:$0x3FAE]  }
0x39: {  	_ = 	snop;
	(pc) =	sbr.ind lr, $3  }
0x3a: {  	_ = 	snop  }
0x3b: {  	_ = 	snop  }
0x3c: {  	p2 =	seq.s32 s10, $0x1;
	s10 =	sld [smem:$0x3FAD]  }
0x3d: {  	_ =	shalt  }
0x3e: {  	_ =	shalt  }
0x3f: {  	_ =	shalt  }
0x40: {  	_ =	shalt  }
0x41: {  	_ =	shalt  }
0x42: {  	_ =	shalt  }
0x43: {  	_ =	shalt  }
0x44: {  	_ =	shalt  }
0x45: {  	_ =	shalt  }
0x46: {  	_ =	shalt  }
0x47: {  	_ =	shalt  }
0x48: {  	_ =	shalt  }
0x49: {  	_ =	shalt  }
0x4a: {  	_ =	shalt  }
0x4b: {  	_ =	shalt  }
0x4c: {  	_ =	shalt  }
0x4d: {  	_ =	shalt  }
0x4e: {  	_ =	shalt  }
0x4f: {  	_ =	shalt  }
0x50: {  	_ =	shalt  }
0x51: {  	_ =	shalt  }
0x52: {  	_ =	shalt  }
0x53: {  	_ =	shalt  }
0x54: {  	_ =	shalt  }
0x55: {  	_ =	shalt  }
0x56: {  	_ =	shalt  }
0x57: {  	_ =	shalt  }
0x58: {  	_ =	shalt  }
0x59: {  	_ =	shalt  }
0x5a: {  	_ =	shalt  }
0x5b: {  	_ =	shalt  }
0x5c: {  	_ =	shalt  }
0x5d: {  	_ =	shalt  }
0x5e: {  	_ =	shalt  }
0x5f: {  	_ =	shalt  }
0x60: {  	_ =	shalt  }
0x61: {  	_ =	shalt  }
0x62: {  	_ =	shalt  }
0x63: {  	_ =	shalt  }
0x64: {  	_ =	shalt  }
0x65: {  	_ =	shalt  }
0x66: {  	_ =	shalt  }
0x67: {  	_ =	shalt  }
0x68: {  	_ =	shalt  }
0x69: {  	_ =	shalt  }
0x6a: {  	_ =	shalt  }
0x6b: {  	_ =	shalt  }
0x6c: {  	_ =	shalt  }
0x6d: {  	_ =	shalt  }
0x6e: {  	_ =	shalt  }
0x6f: {  	_ =	shalt  }
0x70: {  	_ =	shalt  }
0x71: {  	_ =	shalt  }
0x72: {  	_ =	shalt  }
0x73: {  	_ =	shalt  }
0x74: {  	_ =	shalt  }
0x75: {  	_ =	shalt  }
0x76: {  	_ =	shalt  }
0x77: {  	_ =	shalt  }
0x78: {  	_ =	shalt  }
0x79: {  	_ =	shalt  }
0x7a: {  	_ =	shalt  }
0x7b: {  	_ =	shalt  }
0x7c: {  	_ =	shalt  }
0x7d: {  	_ =	shalt  }
0x7e: {  	_ =	shalt  }
0x7f: {  	_ =	shalt  }
0x80: {  	_ =	shalt  }
0x81: {  	_ =	shalt  }
0x82: {  	_ =	shalt  }
0x83: {  	_ =	shalt  }
0x84: {  	_ =	shalt  }
0x85: {  	_ =	shalt  }
0x86: {  	_ =	shalt  }
0x87: {  	_ =	shalt  }
.Lfunc_end0:
.L_simem_size_0:
called_computation.1_lowered:
.L_overlay_start_0:
0x88: {  	s2 =	sld [smem:$0x3FD9]  }
0x89: {  	s3 =	sld [smem:$0x3FFE];
	_ =	sdelay $0x1  }
0x8a: {  	s1 =	srdreg.scid  }
0x8b: {  	s0 =	sand.u32 $0x1, s1  }
0x8c: {  	s16 =	sshll.u32 s0, $0xA;
	s2 =	sadd.s32 s3, s2  }
0x8d: {  	s2 =	sadd.s32 s2, s16  }
0x8e: {  	[smem:$0x3FB9] =	sst s2  }
0x8f: {  	_ = 	snop  }
0x90: {  	(tm) =	ssettm $0x1  }
0x91: {  	s17 =	sld [smem:$0x3FFB];
	_ =	sdelay $0x3  }
0x92: {  	_ =	strace s17  }
0x93: {  	s2 =	sld [smem:$0x3FFC];
	_ =	sdelay $0x3  }
0x94: {  	_ =	strace s2  }
0x95: {  	s2 =	sld [smem:$0x3FFD];
	_ =	sdelay $0x3  }
0x96: {  	_ =	strace s2  }
0x97: {  	_ =	strace $0x8FFFFFFF  }
0x98: {  	s18 =	sld [smem:$0x3FDB];
	_ =	sdelay $0x1  }
0x99: {  	s19 =	simm.s32 $_scs_section_size  }
0x9a: {  	s4 =	simm.s32 $_size__tile_overlayer_lowered;
	s5 =	simm.s32 $_tile_overlayer_lowered  }
0x9b: {  	s22 =	simm.s32 $0x1BFF;
	s21 =	sshll.u32 s5, $0x1;
	s2 =	sadd.s32 s19, s18  }
0x9c: {  	s6 =	simm.s32 $0x0;
	s20 =	sshll.u32 s4, $0x1;
	s4 =	sadd.s32 s21, s2  }
0x9d: {  	[timem:s6], [sflag:s22] =	dma.local [hbm:s4], s20  }
0x9e: {  	_ =	swait.ge [sflag:s22], s20  }
0x9f: {  	s3 =	ssub.s32 $0x0, s20;
	[sflag:s22] =	ssyncset.done $0x0  }
0xa0: {  	[sflag:s22] =	ssyncadd.s32 s3;
	_ =	sdelay $0x1  }
0xa1: {  	s23 =	simm.s32 $0x1B8B  }
0xa2: {  	_ =	swait.ge [sflag:s23], $0x1  }
0xa3: {  	[sflag:s23] =	ssyncset.done $0x0  }
0xa4: {  	s25 =	simm.s32 $0x1B8E;
	s24 =	sld [smem:$0x3FFE];
	[sflag:s23] =	ssyncadd.s32 $0xFFFFFFFF  }
0xa5: {  	s26 =	simm.s32 $execute0_lowered;
	[smem:$0x3FD2] =	sst s25  }
0xa6: {  	s4 =	sshll.u32 s26, $0x1;
	_ =	strace $0x80000049;
	[dreg:$0x1] =	wrdreg $0xFFFFFFFF  }
0xa7: {  	s28 =	simm.s32 $_size_execute0_lowered;
	s2 =	sadd.s32 s2, s4;
	[dreg:$0x0] =	wrdreg $0x0  }
0xa8: {  	s4 =	sshll.u32 s28, $0x1;
	[dreg:$0x2] =	wrdreg s2  }
0xa9: {  	[dreg:$0x3] =	wrdreg s4  }
0xaa: {  	[dreg:$0x4] =	wrdreg $0xC0  }
0xab: {  	_ =	task [dreg:s6], $0x5FFFF  }
0xac: {  	[dreg:$0x1] =	wrdreg $0xFFFFFFFF  }
0xad: {  	[dreg:$0x0] =	wrdreg $0x60  }
0xae: {  	[dreg:$0x2] =	wrdreg s24  }
0xaf: {  	[dreg:$0x3] =	wrdreg $0x5F000  }
0xb0: {  	[dreg:$0x4] =	wrdreg $0xAE000  }
0xb1: {  	[dreg:$0x5] =	wrdreg $0x9  }
0xb2: {  	_ =	task.clear_ibuf [dreg:s6], $0x6FFFF;
	_ =	strace $0x90000049  }
0xb3: {  	s29 =	simm.s32 $0x9;
	_ =	strace $0x8000004B  }
0xb4: {  	_ =	swait.ge [sflag:s29], $0x1  }
0xb5: {  	[sflag:s29] =	ssyncadd.s32 $0xFFFFFFFF  }
0xb6: {  	_ =	strace $0x9000004B  }
0xb7: {  	_ =	sfence  }
0xb8: {  	s30 =	sld [smem:$0x0];
	_ =	sdelay $0x2  }
0xb9: {  	s31 =	sshll.u32 s1, $0xD;
	s1 =	sshrl.u32 s1, $0x2  }
0xba: {  	s3 =	sand.u32 $0x4000, s31;
	s1 =	sadd.s32 s1, s30  }
0xbb: {  	s0 =	sor.u32 s3, s0;
	s1 =	sshll.u32 s1, $0x11  }
0xbc: {  	s0 =	sor.u32 s1, s0  }
0xbd: {  	s0 =	sadd.s32 $0x8F2B, s0  }
0xbe: {  	[sflag:s0] =	ssyncadd.remote.s32 $0x1  }
0xbf: {  	_ =	sfence.sel $0xFFFF  }
0xc0: {  	[dreg:$0x0] =	wrdreg $0xFFFFFFFF;
	(pc) =	sbr.abs _section_cstart, $3  }
0xc1: {  	[dreg:$0x1] =	wrdreg $0xFFFFFFFF  }
0xc2: {  	_ =	task.clear_ibuf [dreg:s6], $0x2FFFF;
	_ =	strace $0x9FFFFFFF  }
0xc3: {  	(tm) =	ssettm $0x7FFFFFFF  }
tec
execute0_lowered:
.L_overlay_start_1:
0x0: {  	(tag) =	ssettag $0x1  }
0x1: {  	s8 =	rddreg [dreg:$0x0]  }
0x2: {  	s2 =	rddreg [dreg:$0x1]  }
0x3: {  	s3 =	rddreg [dreg:$0x2]  }
0x4: {  	s0 =	rddreg [dreg:$0x3]  }
0x5: {  	s1 =	stileid.u32;
	s4 =	simm.s32 $0x0;
	s5 =	srdreg.scid  }
0x6: {  	s16 =	simm.s32 $0x80;
	s17 =	simm.s32 $0x4F00;
	s18 =	simm.s32 $0x0  }
0x7: {  	s9 =	smul.u32 $0x4F00, s1;
	[smem:$0x7FF] =	sst s4;
	s5 =	sand.u32 $0x1, s5  }
0x8: {  	s31 =	sshll.u32 s1, $0x6;
	s7 =	smul.u32 $0x4F000, s5;
	s10 =	sshll.u32 s5, $0x4  }
0x9: {  	_ =	strace $0x8000004A;
	s5 =	ssub.s32 $0x2, s5;
	s6 =	sshrl.u32 s9, $0x3  }
0xa: {  	s28 =	sor.u32 s1, s10;
	s12 =	sshrl.u32 s5, $0x1;
	s30 =	sadd.s32 s9, s2  }
0xb: {  	s15 =	sadd.s32 s9, s3;
	s11 =	sadd.s32 s6, s8;
	s7 =	sadd.s32 s9, s7  }
0xc: {  	s10 =	smul.u32 $0x4E, s28;
	s13 =	smax.u32 s28, $0x1C;
	s12 =	ssub.s32 s5, s12  }
0xd: {  	p0 =	sgt.u32 s28, $0x1B;
	s5 =	simm.s32 $0x4F;
	s15 =	sshrl.u32 s15, $0x3  }
0xe: {  	s7 =	sshrl.u32 s7, $0x3;
	s5 =	simm.s32 @!p0 $0x4E;
	s6 =	sadd.s32 $0x22600, s11  }
0xf: {  	s12 =	smax.u32 s12, $0x1;
	s14 =	sadd.s32 s7, s8;
	s29 =	sadd.s32 s10, s13  }
0x10: {  	s7 =	sor.u32 $0x1C01, s31;
	s13 =	sshrl.u32 s30, $0x3;
	s10 =	sshll.u32 s29, $0x4  }
0x11: {  	s10 =	sadd.s32 s8, s10;
	s8 =	sadd.s32 $0x18800, s11;
	s11 =	sadd.s32 $0x2C400, s14  }
0x12: {  	s14 =	simm.s32 $0x1;
	s9 =	sadd.s32 $0x4A40, s10;
	s10 =	sadd.s32 $0xE840, s10  }
.LBB2_1:
0x13: {  	[spmem:s13], [sflag:s7] =	dma.local [hbm:s6], $0x9E0  }
0x14: {  	_ =	swait.ge [sflag:s14], $0x9E0  }
0x15: {  	[sflag:s14] =	ssyncset.done $0x0  }
0x16: {  	[sflag:s14] =	ssyncadd.s32 $0xFFFFF620  }
0x17: {  	[spmem:s15], [sflag:s7] =	dma.local [hbm:s8], $0x9E0  }
0x18: {  	_ =	swait.ge [sflag:s14], $0x9E0  }
0x19: {  	[sflag:s14] =	ssyncset.done $0x0  }
0x1a: {  	[sflag:s14] =	ssyncadd.s32 $0xFFFFF620  }
0x1b: {  	[tilespmem:s4], [sflag:$0x1] =	stream.linear.gather [hbm4b:s9+s4], $0x2780, $0x38;
	[tilespmem:$0xFD00] =	vst v63  }
0x1c: {  	_ =	swait.ge [sflag:s14], $0x2780  }
0x1d: {  	[sflag:s14] =	ssyncset.done $0x0  }
0x1e: {  	s19 =	simm.s32 $0x2780;
	[sflag:s14] =	ssyncadd.s32 $0xFFFFD880  }
0x1f: {  	[tilespmem:s19], [sflag:$0x1] =	stream.linear.gather [hbm4b:s10+s4], $0x2780, $0x38;
	[tilespmem:$0xFD00] =	vst v63  }
0x20: {  	_ =	swait.ge [sflag:s14], $0x2780  }
0x21: {  	[sflag:s14] =	ssyncset.done $0x0  }
0x22: {  	[sflag:s14] =	ssyncadd.s32 $0xFFFFD880  }
0x23: {  	[bflag:$0x0] =	sbarrier.arrive $0xFFFF  }
0x24: {  	[tilespmem:s17], [sflag:$0x1] =	stream.indirect.gather [spmem:s3], $0x20, s4, s16, $0xb8;
	[tilespmem:$0xFD00] =	vst v63  }
0x25: {  	p0 =	sne.s32 s5, $0x1;
	_ =	swait.ge [sflag:s14], $0x1000  }
.Ltmp0:
0x26: {  	[sflag:s14] =	ssyncset.done $0x0;
	(pc) =	sbr.rel @!p0 .LBB2_3-.Ltmp0, $4  }
0x27: {  	[sflag:s14] =	ssyncadd.s32 $0xFFFFF000  }
0x28: {  	[spmem:s2] =	stream.indirect.scatter.add.f32 [tilespmem:s17], [sflag:$0x1], $0x20, s19, s16, $0xb8;
	[tilespmem:$0xFD00] =	vst v63  }
0x29: {  	_ =	swait.ge [sflag:s14], $0x1000  }
0x2a: {  	s20 =	sadd.s32 $0xFFFFFFFF, s5;
	s21 =	simm.s32 $0x0;
	[sflag:s14] =	ssyncset.done $0x0  }
.LBB2_2:
0x2b: {  	[sflag:s14] =	ssyncadd.s32 $0xFFFFF000;
	s21 =	sadd.s32 $0x80, s21;
	s19 =	sadd.s32 $0x80, s19  }
0x2c: {  	[tilespmem:s17], [sflag:$0x1] =	stream.indirect.gather [spmem:s3], $0x20, s21, s16, $0xb8;
	[tilespmem:$0xFD00] =	vst v63  }
0x2d: {  	p0 =	sne.s32 s20, $0x1;
	s20 =	sadd.s32 $0xFFFFFFFF, s20;
	_ =	swait.ge [sflag:s14], $0x1000  }
.Ltmp1:
0x2e: {  	[sflag:s14] =	ssyncset.done $0x0;
	(pc) =	sbr.rel @p0 .LBB2_2-.Ltmp1, $4  }
0x2f: {  	[sflag:s14] =	ssyncadd.s32 $0xFFFFF000  }
0x30: {  	[spmem:s2] =	stream.indirect.scatter.add.f32 [tilespmem:s17], [sflag:$0x1], $0x20, s19, s16, $0xb8;
	[tilespmem:$0xFD00] =	vst v63  }
0x31: {  	_ =	swait.ge [sflag:s14], $0x1000  }
0x32: {  	[sflag:s14] =	ssyncset.done $0x0  }
.LBB2_3:
0x33: {  	s18 =	sadd.s32 $0x1, s18  }
0x34: {  	[sflag:s14] =	ssyncadd.s32 $0xFFFFF000;
	p0 =	sne.s32 s18, s12  }
.Ltmp2:
0x35: {  	[bflag:$0x0] =	sbarrier.arrive $0xFFFF;
	(pc) =	sbr.rel @p0 .LBB2_1-.Ltmp2, $4  }
0x36: {  	[hbm:s11], [sflag:s7] =	dma.local [spmem:s13], $0x9E0  }
0x37: {  	_ =	swait.ge [sflag:s14], $0x9E0  }
0x38: {  	[sflag:s14] =	ssyncset.done $0x0  }
0x39: {  	[sflag:s14] =	ssyncadd.s32 $0xFFFFF620  }
0x3a: {  	_ =	sfence.sel $0x180000  }
0x3b: {  	[bflag:$0x0] =	sbarrier.arrive $0xFFFF  }
0x3c: {  	p0 =	sne.s32 s1, $0x0;
	_ =	strace $0x9000004A  }
0x3d: {  	s0 =	sadd.s32 @!p0 $0x100000, s0;
	[bflag:$0x2] =	sbarrier.arrive $0xFFFF  }
0x3e: {  	[sflag:s0] =	ssyncadd.tile.s32 @!p0 $0x1;
	_ =	shalt  }
.Lfunc_end2:
_tile_overlayer_lowered:
.L_overlay_start_2:
0x3f: {  	(tag) =	ssettag $0x2  }
0x40: {  	s0 =	rddreg [dreg:$0x0];
	s2 =	stileid.u32  }
0x41: {  	s1 =	rddreg [dreg:$0x1];
	p0 =	sne.s32 s2, $0x0  }
0x42: {  	s3 =	rddreg [dreg:$0x2];
	[bflag:$0x3] =	sbarrier.arrive $0xFFFF;
	s2 =	simm.s32 @!p0 $0x1C01  }
0x43: {  	[timem:s3], [sflag:s2] =	dma.local @!p0 [hbm:s0], s1  }
0x44: {  	s0 =	simm.s32 @!p0 $0x1  }
0x45: {  	_ =	swait.ge @!p0 [sflag:s0], s1  }
0x46: {  	s1 =	ssub.s32 @!p0 $0x0, s1;
	[sflag:s0] =	ssyncset.done @!p0 $0x0  }
0x47: {  	[sflag:s0] =	ssyncadd.s32 @!p0 s1  }
0x48: {  	[bflag:$0x3] =	sbarrier.arrive $0xFFFF  }
0x49: {  	_ =	shalt  }

// kernel: kernel.19.cloned.1.call-start
scs
__scs_entry_jumppad:
0x0: {  	(pc) =	sbr.rel $0x88, $3  }
0x1: {  	(tag) =	ssettag $0x0;
	lr =	simm.s32 $0x1  }
0x2: {  	[smem:$0x3F92] =	sst lr;
	_ =	strace $0xD0000000  }
0x3: {  	_ = 	snop  }
0x4: {  	_ = 	snop  }
0x5: {  	_ = 	snop  }
0x6: {  	_ = 	snop  }
0x7: {  	_ = 	snop  }
__scs_overlays_trampoline_lowered:
0x8: {  	[smem:$0x3FA1] =	sst s0  }
0x9: {  	[smem:$0x3FA2] =	sst s1  }
0xa: {  	[smem:$0x3FA3] =	sst s2  }
0xb: {  	[smem:$0x3FA4] =	sst s3  }
0xc: {  	[smem:$0x3FA5] =	sst s4  }
0xd: {  	[smem:$0x3FA6] =	sst s5  }
0xe: {  	[smem:$0x3FA7] =	sst s6  }
0xf: {  	[smem:$0x3FA8] =	sst s7  }
0x10: {  	[smem:$0x3FA9] =	sst s8  }
0x11: {  	[smem:$0x3FAA] =	sst s9;
	s0 =	simm.s32 @!p0 $0x0  }
0x12: {  	s1 =	sld [smem:$0x3F90];
	s0 =	simm.s32 @p0 $0x1  }
0x13: {  	[smem:$0x3FAB] =	sst s0;
	s0 =	simm.s32 @!p1 $0x0  }
0x14: {  	s2 =	sld [smem:$0x3F8F];
	s0 =	simm.s32 @p1 $0x1  }
0x15: {  	[smem:$0x3FAC] =	sst s0;
	s0 =	simm.s32 @!p2 $0x0  }
0x16: {  	s3 =	sld [smem:$0x3FDB];
	s0 =	simm.s32 @p2 $0x1  }
0x17: {  	s4 =	simm.s32 $0x1BF5;
	[smem:$0x3FAE] =	sst s0  }
0x18: {  	s0 =	sld [smem:$0x3F91];
	_ =	swait.ge [sflag:s4], $0x0  }
0x19: {  	s7 =	sld [smem:$0x3F92]  }
0x1a: {  	s8 =	sadd.s32 $0xFFFFE003, lr  }
0x1b: {  	s9 =	sadd.s32 $0xFFFFFEF7, lr;
	s5 =	simm.s32 $0xFFFFFFFF;
	p2 =	slt.u32 s8, $0xFFFFF086  }
0x1c: {  	p1 =	slt.u32 s9, $0xF7A;
	s5 =	simm.s32 @!p2 $0x0  }
0x1d: {  	s5 =	simm.s32 @p1 $0x1;
	p0 =	seq.s32 s7, s2  }
0x1e: {  	s7 =	smul.u32 @!p0 $0xF7A, s2;
	p2 =	seq.s32 @!p0 s5, $0x0  }
0x1f: {  	s9 =	smul.u32 $0xF7A, s1;
	s8 =	simm.s32 @!p0 $0x1BF5;
	p2 =	por !p2, p0  }
0x20: {  	[sflag:s8] =	ssyncset.s32 @!p0 $0xFFFFF086;
	s6 =	sadd.s32 @!p0 s3, s7;
	s7 =	simm.s32 @!p0 $0x108  }
0x21: {  	s3 =	sadd.s32 s3, s9;
	s6 =	sadd.s32 @!p0 $0x88, s6;
	s7 =	simm.s32 @p2 $0x1082  }
0x22: {  	[simem:s7], [sflag:s8] =	dma.local @!p0 [hbm:s6], $0xF7A  }
0x23: {  	s9 =	sor.u32 $0xD0000000, s2;
	s6 =	simm.s32 $0x108;
	_ =	swait.ge @!p0 [sflag:s8], $0x0  }
0x24: {  	s3 =	sadd.s32 $0x88, s3;
	s6 =	simm.s32 @!p1 $0x1082;
	[sflag:s4] =	ssyncset.s32 $0xFFFFF086  }
0x25: {  	[simem:s6], [sflag:s4] =	dma.local [hbm:s3], $0xF7A  }
0x26: {  	[smem:$0x3F92] =	sst s1;
	(tag) =	ssettag s2;
	_ =	strace s9  }
0x27: {  	s1 =	sld [smem:$0x3FA2]  }
0x28: {  	s2 =	sld [smem:$0x3FA3]  }
0x29: {  	s4 =	sld [smem:$0x3FA5]  }
0x2a: {  	p0 =	seq.s32 s5, $0x0;
	s5 =	sld [smem:$0x3FA6]  }
0x2b: {  	s6 =	sld [smem:$0x3FA7]  }
0x2c: {  	s7 =	sld [smem:$0x3FA8]  }
0x2d: {  	s3 =	simm.s32 $0x108;
	s8 =	sld [smem:$0x3FA9]  }
0x2e: {  	s3 =	simm.s32 @!p0 $0x1082;
	s9 =	sld [smem:$0x3FAA]  }
0x2f: {  	lr =	sadd.s32 s0, s3;
	s0 =	sld [smem:$0x3FA1]  }
0x30: {  	s3 =	sld [smem:$0x3FA4]  }
0x31: {  	[smem:$0x3FAD] =	sst s10  }
0x32: {  	s10 =	sld [smem:$0x3FAB];
	_ =	sdelay $0x3  }
0x33: {  	p0 =	seq.s32 s10, $0x1;
	s10 =	sld [smem:$0x3FAD];
	_ =	sdelay $0x3  }
0x34: {  	[smem:$0x3FAD] =	sst s10  }
0x35: {  	s10 =	sld [smem:$0x3FAC];
	_ =	sdelay $0x3  }
0x36: {  	p1 =	seq.s32 s10, $0x1;
	s10 =	sld [smem:$0x3FAD];
	_ =	sdelay $0x3  }
0x37: {  	[smem:$0x3FAD] =	sst s10  }
0x38: {  	s10 =	sld [smem:$0x3FAE]  }
0x39: {  	_ = 	snop;
	(pc) =	sbr.ind lr, $3  }
0x3a: {  	_ = 	snop  }
0x3b: {  	_ = 	snop  }
0x3c: {  	p2 =	seq.s32 s10, $0x1;
	s10 =	sld [smem:$0x3FAD]  }
0x3d: {  	_ =	shalt  }
0x3e: {  	_ =	shalt  }
0x3f: {  	_ =	shalt  }
0x40: {  	_ =	shalt  }
0x41: {  	_ =	shalt  }
0x42: {  	_ =	shalt  }
0x43: {  	_ =	shalt  }
0x44: {  	_ =	shalt  }
0x45: {  	_ =	shalt  }
0x46: {  	_ =	shalt  }
0x47: {  	_ =	shalt  }
0x48: {  	_ =	shalt  }
0x49: {  	_ =	shalt  }
0x4a: {  	_ =	shalt  }
0x4b: {  	_ =	shalt  }
0x4c: {  	_ =	shalt  }
0x4d: {  	_ =	shalt  }
0x4e: {  	_ =	shalt  }
0x4f: {  	_ =	shalt  }
0x50: {  	_ =	shalt  }
0x51: {  	_ =	shalt  }
0x52: {  	_ =	shalt  }
0x53: {  	_ =	shalt  }
0x54: {  	_ =	shalt  }
0x55: {  	_ =	shalt  }
0x56: {  	_ =	shalt  }
0x57: {  	_ =	shalt  }
0x58: {  	_ =	shalt  }
0x59: {  	_ =	shalt  }
0x5a: {  	_ =	shalt  }
0x5b: {  	_ =	shalt  }
0x5c: {  	_ =	shalt  }
0x5d: {  	_ =	shalt  }
0x5e: {  	_ =	shalt  }
0x5f: {  	_ =	shalt  }
0x60: {  	_ =	shalt  }
0x61: {  	_ =	shalt  }
0x62: {  	_ =	shalt  }
0x63: {  	_ =	shalt  }
0x64: {  	_ =	shalt  }
0x65: {  	_ =	shalt  }
0x66: {  	_ =	shalt  }
0x67: {  	_ =	shalt  }
0x68: {  	_ =	shalt  }
0x69: {  	_ =	shalt  }
0x6a: {  	_ =	shalt  }
0x6b: {  	_ =	shalt  }
0x6c: {  	_ =	shalt  }
0x6d: {  	_ =	shalt  }
0x6e: {  	_ =	shalt  }
0x6f: {  	_ =	shalt  }
0x70: {  	_ =	shalt  }
0x71: {  	_ =	shalt  }
0x72: {  	_ =	shalt  }
0x73: {  	_ =	shalt  }
0x74: {  	_ =	shalt  }
0x75: {  	_ =	shalt  }
0x76: {  	_ =	shalt  }
0x77: {  	_ =	shalt  }
0x78: {  	_ =	shalt  }
0x79: {  	_ =	shalt  }
0x7a: {  	_ =	shalt  }
0x7b: {  	_ =	shalt  }
0x7c: {  	_ =	shalt  }
0x7d: {  	_ =	shalt  }
0x7e: {  	_ =	shalt  }
0x7f: {  	_ =	shalt  }
0x80: {  	_ =	shalt  }
0x81: {  	_ =	shalt  }
0x82: {  	_ =	shalt  }
0x83: {  	_ =	shalt  }
0x84: {  	_ =	shalt  }
0x85: {  	_ =	shalt  }
0x86: {  	_ =	shalt  }
0x87: {  	_ =	shalt  }
.Lfunc_end0:
.L_simem_size_0:
called_computation.2_lowered:
.L_overlay_start_0:
0x88: {  	s2 =	sld [smem:$0x3FD9]  }
0x89: {  	s3 =	sld [smem:$0x3FFE];
	_ =	sdelay $0x1  }
0x8a: {  	s1 =	srdreg.scid  }
0x8b: {  	s0 =	sand.u32 $0x1, s1  }
0x8c: {  	s16 =	sshll.u32 s0, $0xA;
	s2 =	sadd.s32 s3, s2  }
0x8d: {  	s2 =	sadd.s32 s2, s16  }
0x8e: {  	[smem:$0x3FB9] =	sst s2  }
0x8f: {  	_ = 	snop  }
0x90: {  	(tm) =	ssettm $0x1  }
0x91: {  	s17 =	sld [smem:$0x3FFB];
	_ =	sdelay $0x3  }
0x92: {  	_ =	strace s17  }
0x93: {  	s2 =	sld [smem:$0x3FFC];
	_ =	sdelay $0x3  }
0x94: {  	_ =	strace s2  }
0x95: {  	s2 =	sld [smem:$0x3FFD];
	_ =	sdelay $0x3  }
0x96: {  	_ =	strace s2  }
0x97: {  	_ =	strace $0x8FFFFFFF  }
0x98: {  	s18 =	sld [smem:$0x3FDB];
	_ =	sdelay $0x1  }
0x99: {  	s19 =	simm.s32 $_scs_section_size  }
0x9a: {  	s4 =	simm.s32 $_size__tile_overlayer_lowered;
	s5 =	simm.s32 $_tile_overlayer_lowered  }
0x9b: {  	s22 =	simm.s32 $0x1BFF;
	s21 =	sshll.u32 s5, $0x1;
	s2 =	sadd.s32 s19, s18  }
0x9c: {  	s6 =	simm.s32 $0x0;
	s20 =	sshll.u32 s4, $0x1;
	s4 =	sadd.s32 s21, s2  }
0x9d: {  	[timem:s6], [sflag:s22] =	dma.local [hbm:s4], s20  }
0x9e: {  	_ =	swait.ge [sflag:s22], s20  }
0x9f: {  	s3 =	ssub.s32 $0x0, s20;
	[sflag:s22] =	ssyncset.done $0x0  }
0xa0: {  	[sflag:s22] =	ssyncadd.s32 s3;
	_ =	sdelay $0x1  }
0xa1: {  	s23 =	simm.s32 $0x1B8B  }
0xa2: {  	_ =	swait.ge [sflag:s23], $0x1  }
0xa3: {  	[sflag:s23] =	ssyncset.done $0x0  }
0xa4: {  	s25 =	simm.s32 $0x1B8E;
	s24 =	sld [smem:$0x3FFE];
	[sflag:s23] =	ssyncadd.s32 $0xFFFFFFFF  }
0xa5: {  	s26 =	simm.s32 $execute0_lowered;
	[smem:$0x3FD2] =	sst s25  }
0xa6: {  	s4 =	sshll.u32 s26, $0x1;
	_ =	strace $0x8000004C;
	[dreg:$0x1] =	wrdreg $0xFFFFFFFF  }
0xa7: {  	s28 =	simm.s32 $_size_execute0_lowered;
	s2 =	sadd.s32 s2, s4;
	[dreg:$0x0] =	wrdreg $0x0  }
0xa8: {  	s4 =	sshll.u32 s28, $0x1;
	[dreg:$0x2] =	wrdreg s2  }
0xa9: {  	[dreg:$0x3] =	wrdreg s4  }
0xaa: {  	[dreg:$0x4] =	wrdreg $0xC0  }
0xab: {  	_ =	task [dreg:s6], $0x5FFFF  }
0xac: {  	[dreg:$0x1] =	wrdreg $0xFFFFFFFF  }
0xad: {  	[dreg:$0x0] =	wrdreg $0x60  }
0xae: {  	[dreg:$0x2] =	wrdreg s24  }
0xaf: {  	[dreg:$0x3] =	wrdreg $0x5F000  }
0xb0: {  	[dreg:$0x4] =	wrdreg $0xAE000  }
0xb1: {  	[dreg:$0x5] =	wrdreg $0x9  }
0xb2: {  	_ =	task.clear_ibuf [dreg:s6], $0x6FFFF;
	_ =	strace $0x9000004C  }
0xb3: {  	s29 =	simm.s32 $0x9;
	_ =	strace $0x8000004E  }
0xb4: {  	_ =	swait.ge [sflag:s29], $0x1  }
0xb5: {  	[sflag:s29] =	ssyncadd.s32 $0xFFFFFFFF  }
0xb6: {  	_ =	strace $0x9000004E  }
0xb7: {  	_ =	sfence  }
0xb8: {  	s30 =	sld [smem:$0x0];
	_ =	sdelay $0x2  }
0xb9: {  	s31 =	sshll.u32 s1, $0xD;
	s1 =	sshrl.u32 s1, $0x2  }
0xba: {  	s3 =	sand.u32 $0x4000, s31;
	s1 =	sadd.s32 s1, s30  }
0xbb: {  	s0 =	sor.u32 s3, s0;
	s1 =	sshll.u32 s1, $0x11  }
0xbc: {  	s0 =	sor.u32 s1, s0  }
0xbd: {  	s0 =	sadd.s32 $0x8F2B, s0  }
0xbe: {  	[sflag:s0] =	ssyncadd.remote.s32 $0x1  }
0xbf: {  	_ =	sfence.sel $0xFFFF  }
0xc0: {  	[dreg:$0x0] =	wrdreg $0xFFFFFFFF;
	(pc) =	sbr.abs _section_cstart, $3  }
0xc1: {  	[dreg:$0x1] =	wrdreg $0xFFFFFFFF  }
0xc2: {  	_ =	task.clear_ibuf [dreg:s6], $0x2FFFF;
	_ =	strace $0x9FFFFFFF  }
0xc3: {  	(tm) =	ssettm $0x7FFFFFFF  }
tec
execute0_lowered:
.L_overlay_start_1:
0x0: {  	(tag) =	ssettag $0x1  }
0x1: {  	s8 =	rddreg [dreg:$0x0]  }
0x2: {  	s2 =	rddreg [dreg:$0x1]  }
0x3: {  	s3 =	rddreg [dreg:$0x2]  }
0x4: {  	s0 =	rddreg [dreg:$0x3]  }
0x5: {  	s1 =	stileid.u32;
	s4 =	simm.s32 $0x0;
	s5 =	srdreg.scid  }
0x6: {  	s16 =	simm.s32 $0x80;
	s17 =	simm.s32 $0x4F00;
	s18 =	simm.s32 $0x0  }
0x7: {  	s9 =	smul.u32 $0x4F00, s1;
	[smem:$0x7FF] =	sst s4;
	s5 =	sand.u32 $0x1, s5  }
0x8: {  	s31 =	sshll.u32 s1, $0x6;
	s7 =	smul.u32 $0x4F000, s5;
	s10 =	sshll.u32 s5, $0x4  }
0x9: {  	_ =	strace $0x8000004D;
	s5 =	ssub.s32 $0x2, s5;
	s6 =	sshrl.u32 s9, $0x3  }
0xa: {  	s28 =	sor.u32 s1, s10;
	s12 =	sshrl.u32 s5, $0x1;
	s30 =	sadd.s32 s9, s2  }
0xb: {  	s15 =	sadd.s32 s9, s3;
	s11 =	sadd.s32 s6, s8;
	s7 =	sadd.s32 s9, s7  }
0xc: {  	s10 =	smul.u32 $0x4E, s28;
	s13 =	smax.u32 s28, $0x1C;
	s12 =	ssub.s32 s5, s12  }
0xd: {  	p0 =	sgt.u32 s28, $0x1B;
	s5 =	simm.s32 $0x4F;
	s15 =	sshrl.u32 s15, $0x3  }
0xe: {  	s7 =	sshrl.u32 s7, $0x3;
	s5 =	simm.s32 @!p0 $0x4E;
	s6 =	sadd.s32 $0x22600, s11  }
0xf: {  	s12 =	smax.u32 s12, $0x1;
	s14 =	sadd.s32 s7, s8;
	s29 =	sadd.s32 s10, s13  }
0x10: {  	s7 =	sor.u32 $0x1C01, s31;
	s13 =	sshrl.u32 s30, $0x3;
	s10 =	sshll.u32 s29, $0x4  }
0x11: {  	s10 =	sadd.s32 s8, s10;
	s8 =	sadd.s32 $0x18800, s11;
	s11 =	sadd.s32 $0x2C400, s14  }
0x12: {  	s14 =	simm.s32 $0x1;
	s9 =	sadd.s32 $0x4A40, s10;
	s10 =	sadd.s32 $0xE840, s10  }
.LBB2_1:
0x13: {  	[spmem:s13], [sflag:s7] =	dma.local [hbm:s6], $0x9E0  }
0x14: {  	_ =	swait.ge [sflag:s14], $0x9E0  }
0x15: {  	[sflag:s14] =	ssyncset.done $0x0  }
0x16: {  	[sflag:s14] =	ssyncadd.s32 $0xFFFFF620  }
0x17: {  	[spmem:s15], [sflag:s7] =	dma.local [hbm:s8], $0x9E0  }
0x18: {  	_ =	swait.ge [sflag:s14], $0x9E0  }
0x19: {  	[sflag:s14] =	ssyncset.done $0x0  }
0x1a: {  	[sflag:s14] =	ssyncadd.s32 $0xFFFFF620  }
0x1b: {  	[tilespmem:s4], [sflag:$0x1] =	stream.linear.gather [hbm4b:s9+s4], $0x2780, $0x38;
	[tilespmem:$0xFD00] =	vst v63  }
0x1c: {  	_ =	swait.ge [sflag:s14], $0x2780  }
0x1d: {  	[sflag:s14] =	ssyncset.done $0x0  }
0x1e: {  	s19 =	simm.s32 $0x2780;
	[sflag:s14] =	ssyncadd.s32 $0xFFFFD880  }
0x1f: {  	[tilespmem:s19], [sflag:$0x1] =	stream.linear.gather [hbm4b:s10+s4], $0x2780, $0x38;
	[tilespmem:$0xFD00] =	vst v63  }
0x20: {  	_ =	swait.ge [sflag:s14], $0x2780  }
0x21: {  	[sflag:s14] =	ssyncset.done $0x0  }
0x22: {  	[sflag:s14] =	ssyncadd.s32 $0xFFFFD880  }
0x23: {  	[bflag:$0x0] =	sbarrier.arrive $0xFFFF  }
0x24: {  	[tilespmem:s17], [sflag:$0x1] =	stream.indirect.gather [spmem:s3], $0x20, s4, s16, $0xb8;
	[tilespmem:$0xFD00] =	vst v63  }
0x25: {  	p0 =	sne.s32 s5, $0x1;
	_ =	swait.ge [sflag:s14], $0x1000  }
.Ltmp0:
0x26: {  	[sflag:s14] =	ssyncset.done $0x0;
	(pc) =	sbr.rel @!p0 .LBB2_3-.Ltmp0, $4  }
0x27: {  	[sflag:s14] =	ssyncadd.s32 $0xFFFFF000  }
0x28: {  	[spmem:s2] =	stream.indirect.scatter.add.f32 [tilespmem:s17], [sflag:$0x1], $0x20, s19, s16, $0xb8;
	[tilespmem:$0xFD00] =	vst v63  }
0x29: {  	_ =	swait.ge [sflag:s14], $0x1000  }
0x2a: {  	s20 =	sadd.s32 $0xFFFFFFFF, s5;
	s21 =	simm.s32 $0x0;
	[sflag:s14] =	ssyncset.done $0x0  }
.LBB2_2:
0x2b: {  	[sflag:s14] =	ssyncadd.s32 $0xFFFFF000;
	s21 =	sadd.s32 $0x80, s21;
	s19 =	sadd.s32 $0x80, s19  }
0x2c: {  	[tilespmem:s17], [sflag:$0x1] =	stream.indirect.gather [spmem:s3], $0x20, s21, s16, $0xb8;
	[tilespmem:$0xFD00] =	vst v63  }
0x2d: {  	p0 =	sne.s32 s20, $0x1;
	s20 =	sadd.s32 $0xFFFFFFFF, s20;
	_ =	swait.ge [sflag:s14], $0x1000  }
.Ltmp1:
0x2e: {  	[sflag:s14] =	ssyncset.done $0x0;
	(pc) =	sbr.rel @p0 .LBB2_2-.Ltmp1, $4  }
0x2f: {  	[sflag:s14] =	ssyncadd.s32 $0xFFFFF000  }
0x30: {  	[spmem:s2] =	stream.indirect.scatter.add.f32 [tilespmem:s17], [sflag:$0x1], $0x20, s19, s16, $0xb8;
	[tilespmem:$0xFD00] =	vst v63  }
0x31: {  	_ =	swait.ge [sflag:s14], $0x1000  }
0x32: {  	[sflag:s14] =	ssyncset.done $0x0  }
.LBB2_3:
0x33: {  	s18 =	sadd.s32 $0x1, s18  }
0x34: {  	[sflag:s14] =	ssyncadd.s32 $0xFFFFF000;
	p0 =	sne.s32 s18, s12  }
.Ltmp2:
0x35: {  	[bflag:$0x0] =	sbarrier.arrive $0xFFFF;
	(pc) =	sbr.rel @p0 .LBB2_1-.Ltmp2, $4  }
0x36: {  	[hbm:s11], [sflag:s7] =	dma.local [spmem:s13], $0x9E0  }
0x37: {  	_ =	swait.ge [sflag:s14], $0x9E0  }
0x38: {  	[sflag:s14] =	ssyncset.done $0x0  }
0x39: {  	[sflag:s14] =	ssyncadd.s32 $0xFFFFF620  }
0x3a: {  	_ =	sfence.sel $0x180000  }
0x3b: {  	[bflag:$0x0] =	sbarrier.arrive $0xFFFF  }
0x3c: {  	p0 =	sne.s32 s1, $0x0;
	_ =	strace $0x9000004D  }
0x3d: {  	s0 =	sadd.s32 @!p0 $0x100000, s0;
	[bflag:$0x2] =	sbarrier.arrive $0xFFFF  }
0x3e: {  	[sflag:s0] =	ssyncadd.tile.s32 @!p0 $0x1;
	_ =	shalt  }
.Lfunc_end2:
_tile_overlayer_lowered:
.L_overlay_start_2:
0x3f: {  	(tag) =	ssettag $0x2  }
0x40: {  	s0 =	rddreg [dreg:$0x0];
	s2 =	stileid.u32  }
0x41: {  	s1 =	rddreg [dreg:$0x1];
	p0 =	sne.s32 s2, $0x0  }
0x42: {  	s3 =	rddreg [dreg:$0x2];
	[bflag:$0x3] =	sbarrier.arrive $0xFFFF;
	s2 =	simm.s32 @!p0 $0x1C01  }
0x43: {  	[timem:s3], [sflag:s2] =	dma.local @!p0 [hbm:s0], s1  }
0x44: {  	s0 =	simm.s32 @!p0 $0x1  }
0x45: {  	_ =	swait.ge @!p0 [sflag:s0], s1  }
0x46: {  	s1 =	ssub.s32 @!p0 $0x0, s1;
	[sflag:s0] =	ssyncset.done @!p0 $0x0  }
0x47: {  	[sflag:s0] =	ssyncadd.s32 @!p0 s1  }
0x48: {  	[bflag:$0x3] =	sbarrier.arrive $0xFFFF  }
0x49: {  	_ =	shalt  }

// kernel: kernel.22.cloned.1.call-start
scs
__scs_entry_jumppad:
0x0: {  	(pc) =	sbr.rel $0x88, $3  }
0x1: {  	(tag) =	ssettag $0x0;
	lr =	simm.s32 $0x1  }
0x2: {  	[smem:$0x3F92] =	sst lr;
	_ =	strace $0xD0000000  }
0x3: {  	_ = 	snop  }
0x4: {  	_ = 	snop  }
0x5: {  	_ = 	snop  }
0x6: {  	_ = 	snop  }
0x7: {  	_ = 	snop  }
__scs_overlays_trampoline_lowered:
0x8: {  	[smem:$0x3FA1] =	sst s0  }
0x9: {  	[smem:$0x3FA2] =	sst s1  }
0xa: {  	[smem:$0x3FA3] =	sst s2  }
0xb: {  	[smem:$0x3FA4] =	sst s3  }
0xc: {  	[smem:$0x3FA5] =	sst s4  }
0xd: {  	[smem:$0x3FA6] =	sst s5  }
0xe: {  	[smem:$0x3FA7] =	sst s6  }
0xf: {  	[smem:$0x3FA8] =	sst s7  }
0x10: {  	[smem:$0x3FA9] =	sst s8  }
0x11: {  	[smem:$0x3FAA] =	sst s9;
	s0 =	simm.s32 @!p0 $0x0  }
0x12: {  	s1 =	sld [smem:$0x3F90];
	s0 =	simm.s32 @p0 $0x1  }
0x13: {  	[smem:$0x3FAB] =	sst s0;
	s0 =	simm.s32 @!p1 $0x0  }
0x14: {  	s2 =	sld [smem:$0x3F8F];
	s0 =	simm.s32 @p1 $0x1  }
0x15: {  	[smem:$0x3FAC] =	sst s0;
	s0 =	simm.s32 @!p2 $0x0  }
0x16: {  	s3 =	sld [smem:$0x3FDB];
	s0 =	simm.s32 @p2 $0x1  }
0x17: {  	s4 =	simm.s32 $0x1BF5;
	[smem:$0x3FAE] =	sst s0  }
0x18: {  	s0 =	sld [smem:$0x3F91];
	_ =	swait.ge [sflag:s4], $0x0  }
0x19: {  	s7 =	sld [smem:$0x3F92]  }
0x1a: {  	s8 =	sadd.s32 $0xFFFFE003, lr  }
0x1b: {  	s9 =	sadd.s32 $0xFFFFFEF7, lr;
	s5 =	simm.s32 $0xFFFFFFFF;
	p2 =	slt.u32 s8, $0xFFFFF086  }
0x1c: {  	p1 =	slt.u32 s9, $0xF7A;
	s5 =	simm.s32 @!p2 $0x0  }
0x1d: {  	s5 =	simm.s32 @p1 $0x1;
	p0 =	seq.s32 s7, s2  }
0x1e: {  	s7 =	smul.u32 @!p0 $0xF7A, s2;
	p2 =	seq.s32 @!p0 s5, $0x0  }
0x1f: {  	s9 =	smul.u32 $0xF7A, s1;
	s8 =	simm.s32 @!p0 $0x1BF5;
	p2 =	por !p2, p0  }
0x20: {  	[sflag:s8] =	ssyncset.s32 @!p0 $0xFFFFF086;
	s6 =	sadd.s32 @!p0 s3, s7;
	s7 =	simm.s32 @!p0 $0x108  }
0x21: {  	s3 =	sadd.s32 s3, s9;
	s6 =	sadd.s32 @!p0 $0x88, s6;
	s7 =	simm.s32 @p2 $0x1082  }
0x22: {  	[simem:s7], [sflag:s8] =	dma.local @!p0 [hbm:s6], $0xF7A  }
0x23: {  	s9 =	sor.u32 $0xD0000000, s2;
	s6 =	simm.s32 $0x108;
	_ =	swait.ge @!p0 [sflag:s8], $0x0  }
0x24: {  	s3 =	sadd.s32 $0x88, s3;
	s6 =	simm.s32 @!p1 $0x1082;
	[sflag:s4] =	ssyncset.s32 $0xFFFFF086  }
0x25: {  	[simem:s6], [sflag:s4] =	dma.local [hbm:s3], $0xF7A  }
0x26: {  	[smem:$0x3F92] =	sst s1;
	(tag) =	ssettag s2;
	_ =	strace s9  }
0x27: {  	s1 =	sld [smem:$0x3FA2]  }
0x28: {  	s2 =	sld [smem:$0x3FA3]  }
0x29: {  	s4 =	sld [smem:$0x3FA5]  }
0x2a: {  	p0 =	seq.s32 s5, $0x0;
	s5 =	sld [smem:$0x3FA6]  }
0x2b: {  	s6 =	sld [smem:$0x3FA7]  }
0x2c: {  	s7 =	sld [smem:$0x3FA8]  }
0x2d: {  	s3 =	simm.s32 $0x108;
	s8 =	sld [smem:$0x3FA9]  }
0x2e: {  	s3 =	simm.s32 @!p0 $0x1082;
	s9 =	sld [smem:$0x3FAA]  }
0x2f: {  	lr =	sadd.s32 s0, s3;
	s0 =	sld [smem:$0x3FA1]  }
0x30: {  	s3 =	sld [smem:$0x3FA4]  }
0x31: {  	[smem:$0x3FAD] =	sst s10  }
0x32: {  	s10 =	sld [smem:$0x3FAB];
	_ =	sdelay $0x3  }
0x33: {  	p0 =	seq.s32 s10, $0x1;
	s10 =	sld [smem:$0x3FAD];
	_ =	sdelay $0x3  }
0x34: {  	[smem:$0x3FAD] =	sst s10  }
0x35: {  	s10 =	sld [smem:$0x3FAC];
	_ =	sdelay $0x3  }
0x36: {  	p1 =	seq.s32 s10, $0x1;
	s10 =	sld [smem:$0x3FAD];
	_ =	sdelay $0x3  }
0x37: {  	[smem:$0x3FAD] =	sst s10  }
0x38: {  	s10 =	sld [smem:$0x3FAE]  }
0x39: {  	_ = 	snop;
	(pc) =	sbr.ind lr, $3  }
0x3a: {  	_ = 	snop  }
0x3b: {  	_ = 	snop  }
0x3c: {  	p2 =	seq.s32 s10, $0x1;
	s10 =	sld [smem:$0x3FAD]  }
0x3d: {  	_ =	shalt  }
0x3e: {  	_ =	shalt  }
0x3f: {  	_ =	shalt  }
0x40: {  	_ =	shalt  }
0x41: {  	_ =	shalt  }
0x42: {  	_ =	shalt  }
0x43: {  	_ =	shalt  }
0x44: {  	_ =	shalt  }
0x45: {  	_ =	shalt  }
0x46: {  	_ =	shalt  }
0x47: {  	_ =	shalt  }
0x48: {  	_ =	shalt  }
0x49: {  	_ =	shalt  }
0x4a: {  	_ =	shalt  }
0x4b: {  	_ =	shalt  }
0x4c: {  	_ =	shalt  }
0x4d: {  	_ =	shalt  }
0x4e: {  	_ =	shalt  }
0x4f: {  	_ =	shalt  }
0x50: {  	_ =	shalt  }
0x51: {  	_ =	shalt  }
0x52: {  	_ =	shalt  }
0x53: {  	_ =	shalt  }
0x54: {  	_ =	shalt  }
0x55: {  	_ =	shalt  }
0x56: {  	_ =	shalt  }
0x57: {  	_ =	shalt  }
0x58: {  	_ =	shalt  }
0x59: {  	_ =	shalt  }
0x5a: {  	_ =	shalt  }
0x5b: {  	_ =	shalt  }
0x5c: {  	_ =	shalt  }
0x5d: {  	_ =	shalt  }
0x5e: {  	_ =	shalt  }
0x5f: {  	_ =	shalt  }
0x60: {  	_ =	shalt  }
0x61: {  	_ =	shalt  }
0x62: {  	_ =	shalt  }
0x63: {  	_ =	shalt  }
0x64: {  	_ =	shalt  }
0x65: {  	_ =	shalt  }
0x66: {  	_ =	shalt  }
0x67: {  	_ =	shalt  }
0x68: {  	_ =	shalt  }
0x69: {  	_ =	shalt  }
0x6a: {  	_ =	shalt  }
0x6b: {  	_ =	shalt  }
0x6c: {  	_ =	shalt  }
0x6d: {  	_ =	shalt  }
0x6e: {  	_ =	shalt  }
0x6f: {  	_ =	shalt  }
0x70: {  	_ =	shalt  }
0x71: {  	_ =	shalt  }
0x72: {  	_ =	shalt  }
0x73: {  	_ =	shalt  }
0x74: {  	_ =	shalt  }
0x75: {  	_ =	shalt  }
0x76: {  	_ =	shalt  }
0x77: {  	_ =	shalt  }
0x78: {  	_ =	shalt  }
0x79: {  	_ =	shalt  }
0x7a: {  	_ =	shalt  }
0x7b: {  	_ =	shalt  }
0x7c: {  	_ =	shalt  }
0x7d: {  	_ =	shalt  }
0x7e: {  	_ =	shalt  }
0x7f: {  	_ =	shalt  }
0x80: {  	_ =	shalt  }
0x81: {  	_ =	shalt  }
0x82: {  	_ =	shalt  }
0x83: {  	_ =	shalt  }
0x84: {  	_ =	shalt  }
0x85: {  	_ =	shalt  }
0x86: {  	_ =	shalt  }
0x87: {  	_ =	shalt  }
.Lfunc_end0:
.L_simem_size_0:
called_computation.3_lowered:
.L_overlay_start_0:
0x88: {  	s2 =	sld [smem:$0x3FD9]  }
0x89: {  	s3 =	sld [smem:$0x3FFE];
	_ =	sdelay $0x1  }
0x8a: {  	s1 =	srdreg.scid  }
0x8b: {  	s0 =	sand.u32 $0x1, s1  }
0x8c: {  	s16 =	sshll.u32 s0, $0xA;
	s2 =	sadd.s32 s3, s2  }
0x8d: {  	s2 =	sadd.s32 s2, s16  }
0x8e: {  	[smem:$0x3FB9] =	sst s2  }
0x8f: {  	_ = 	snop  }
0x90: {  	(tm) =	ssettm $0x1  }
0x91: {  	s17 =	sld [smem:$0x3FFB];
	_ =	sdelay $0x3  }
0x92: {  	_ =	strace s17  }
0x93: {  	s2 =	sld [smem:$0x3FFC];
	_ =	sdelay $0x3  }
0x94: {  	_ =	strace s2  }
0x95: {  	s2 =	sld [smem:$0x3FFD];
	_ =	sdelay $0x3  }
0x96: {  	_ =	strace s2  }
0x97: {  	_ =	strace $0x8FFFFFFF  }
0x98: {  	s18 =	sld [smem:$0x3FDB];
	_ =	sdelay $0x1  }
0x99: {  	s19 =	simm.s32 $_scs_section_size  }
0x9a: {  	s4 =	simm.s32 $_size__tile_overlayer_lowered;
	s5 =	simm.s32 $_tile_overlayer_lowered  }
0x9b: {  	s22 =	simm.s32 $0x1BFF;
	s21 =	sshll.u32 s5, $0x1;
	s2 =	sadd.s32 s19, s18  }
0x9c: {  	s6 =	simm.s32 $0x0;
	s20 =	sshll.u32 s4, $0x1;
	s4 =	sadd.s32 s21, s2  }
0x9d: {  	[timem:s6], [sflag:s22] =	dma.local [hbm:s4], s20  }
0x9e: {  	_ =	swait.ge [sflag:s22], s20  }
0x9f: {  	s3 =	ssub.s32 $0x0, s20;
	[sflag:s22] =	ssyncset.done $0x0  }
0xa0: {  	[sflag:s22] =	ssyncadd.s32 s3;
	_ =	sdelay $0x1  }
0xa1: {  	s23 =	simm.s32 $0x1B8B  }
0xa2: {  	_ =	swait.ge [sflag:s23], $0x1  }
0xa3: {  	[sflag:s23] =	ssyncset.done $0x0  }
0xa4: {  	s25 =	simm.s32 $0x1B8E;
	s24 =	sld [smem:$0x3FFE];
	[sflag:s23] =	ssyncadd.s32 $0xFFFFFFFF  }
0xa5: {  	s26 =	simm.s32 $execute0_lowered;
	[smem:$0x3FD2] =	sst s25  }
0xa6: {  	s4 =	sshll.u32 s26, $0x1;
	_ =	strace $0x8000004F;
	[dreg:$0x1] =	wrdreg $0xFFFFFFFF  }
0xa7: {  	s28 =	simm.s32 $_size_execute0_lowered;
	s2 =	sadd.s32 s2, s4;
	[dreg:$0x0] =	wrdreg $0x0  }
0xa8: {  	s4 =	sshll.u32 s28, $0x1;
	[dreg:$0x2] =	wrdreg s2  }
0xa9: {  	[dreg:$0x3] =	wrdreg s4  }
0xaa: {  	[dreg:$0x4] =	wrdreg $0xC0  }
0xab: {  	_ =	task [dreg:s6], $0x5FFFF  }
0xac: {  	[dreg:$0x1] =	wrdreg $0xFFFFFFFF  }
0xad: {  	[dreg:$0x0] =	wrdreg $0x60  }
0xae: {  	[dreg:$0x2] =	wrdreg s24  }
0xaf: {  	[dreg:$0x3] =	wrdreg $0x5F000  }
0xb0: {  	[dreg:$0x4] =	wrdreg $0xAE000  }
0xb1: {  	[dreg:$0x5] =	wrdreg $0x9  }
0xb2: {  	_ =	task.clear_ibuf [dreg:s6], $0x6FFFF;
	_ =	strace $0x9000004F  }
0xb3: {  	s29 =	simm.s32 $0x9;
	_ =	strace $0x80000051  }
0xb4: {  	_ =	swait.ge [sflag:s29], $0x1  }
0xb5: {  	[sflag:s29] =	ssyncadd.s32 $0xFFFFFFFF  }
0xb6: {  	_ =	strace $0x90000051  }
0xb7: {  	_ =	sfence  }
0xb8: {  	s30 =	sld [smem:$0x0];
	_ =	sdelay $0x2  }
0xb9: {  	s31 =	sshll.u32 s1, $0xD;
	s1 =	sshrl.u32 s1, $0x2  }
0xba: {  	s3 =	sand.u32 $0x4000, s31;
	s1 =	sadd.s32 s1, s30  }
0xbb: {  	s0 =	sor.u32 s3, s0;
	s1 =	sshll.u32 s1, $0x11  }
0xbc: {  	s0 =	sor.u32 s1, s0  }
0xbd: {  	s0 =	sadd.s32 $0x8F2B, s0  }
0xbe: {  	[sflag:s0] =	ssyncadd.remote.s32 $0x1  }
0xbf: {  	_ =	sfence.sel $0xFFFF  }
0xc0: {  	[dreg:$0x0] =	wrdreg $0xFFFFFFFF;
	(pc) =	sbr.abs _section_cstart, $3  }
0xc1: {  	[dreg:$0x1] =	wrdreg $0xFFFFFFFF  }
0xc2: {  	_ =	task.clear_ibuf [dreg:s6], $0x2FFFF;
	_ =	strace $0x9FFFFFFF  }
0xc3: {  	(tm) =	ssettm $0x7FFFFFFF  }
tec
execute0_lowered:
.L_overlay_start_1:
0x0: {  	(tag) =	ssettag $0x1  }
0x1: {  	s8 =	rddreg [dreg:$0x0]  }
0x2: {  	s2 =	rddreg [dreg:$0x1]  }
0x3: {  	s3 =	rddreg [dreg:$0x2]  }
0x4: {  	s0 =	rddreg [dreg:$0x3]  }
0x5: {  	s1 =	stileid.u32;
	s4 =	simm.s32 $0x0;
	s5 =	srdreg.scid  }
0x6: {  	s16 =	simm.s32 $0x80;
	s17 =	simm.s32 $0x4F00;
	s18 =	simm.s32 $0x0  }
0x7: {  	s9 =	smul.u32 $0x4F00, s1;
	[smem:$0x7FF] =	sst s4;
	s5 =	sand.u32 $0x1, s5  }
0x8: {  	s31 =	sshll.u32 s1, $0x6;
	s7 =	smul.u32 $0x4F000, s5;
	s10 =	sshll.u32 s5, $0x4  }
0x9: {  	_ =	strace $0x80000050;
	s5 =	ssub.s32 $0x2, s5;
	s6 =	sshrl.u32 s9, $0x3  }
0xa: {  	s28 =	sor.u32 s1, s10;
	s12 =	sshrl.u32 s5, $0x1;
	s30 =	sadd.s32 s9, s2  }
0xb: {  	s15 =	sadd.s32 s9, s3;
	s11 =	sadd.s32 s6, s8;
	s7 =	sadd.s32 s9, s7  }
0xc: {  	s10 =	smul.u32 $0x4E, s28;
	s13 =	smax.u32 s28, $0x1C;
	s12 =	ssub.s32 s5, s12  }
0xd: {  	p0 =	sgt.u32 s28, $0x1B;
	s5 =	simm.s32 $0x4F;
	s15 =	sshrl.u32 s15, $0x3  }
0xe: {  	s7 =	sshrl.u32 s7, $0x3;
	s5 =	simm.s32 @!p0 $0x4E;
	s6 =	sadd.s32 $0x22600, s11  }
0xf: {  	s12 =	smax.u32 s12, $0x1;
	s14 =	sadd.s32 s7, s8;
	s29 =	sadd.s32 s10, s13  }
0x10: {  	s7 =	sor.u32 $0x1C01, s31;
	s13 =	sshrl.u32 s30, $0x3;
	s10 =	sshll.u32 s29, $0x4  }
0x11: {  	s10 =	sadd.s32 s8, s10;
	s8 =	sadd.s32 $0x18800, s11;
	s11 =	sadd.s32 $0x2C400, s14  }
0x12: {  	s14 =	simm.s32 $0x1;
	s9 =	sadd.s32 $0x4A40, s10;
	s10 =	sadd.s32 $0xE840, s10  }
.LBB2_1:
0x13: {  	[spmem:s13], [sflag:s7] =	dma.local [hbm:s6], $0x9E0  }
0x14: {  	_ =	swait.ge [sflag:s14], $0x9E0  }
0x15: {  	[sflag:s14] =	ssyncset.done $0x0  }
0x16: {  	[sflag:s14] =	ssyncadd.s32 $0xFFFFF620  }
0x17: {  	[spmem:s15], [sflag:s7] =	dma.local [hbm:s8], $0x9E0  }
0x18: {  	_ =	swait.ge [sflag:s14], $0x9E0  }
0x19: {  	[sflag:s14] =	ssyncset.done $0x0  }
0x1a: {  	[sflag:s14] =	ssyncadd.s32 $0xFFFFF620  }
0x1b: {  	[tilespmem:s4], [sflag:$0x1] =	stream.linear.gather [hbm4b:s9+s4], $0x2780, $0x38;
	[tilespmem:$0xFD00] =	vst v63  }
0x1c: {  	_ =	swait.ge [sflag:s14], $0x2780  }
0x1d: {  	[sflag:s14] =	ssyncset.done $0x0  }
0x1e: {  	s19 =	simm.s32 $0x2780;
	[sflag:s14] =	ssyncadd.s32 $0xFFFFD880  }
0x1f: {  	[tilespmem:s19], [sflag:$0x1] =	stream.linear.gather [hbm4b:s10+s4], $0x2780, $0x38;
	[tilespmem:$0xFD00] =	vst v63  }
0x20: {  	_ =	swait.ge [sflag:s14], $0x2780  }
0x21: {  	[sflag:s14] =	ssyncset.done $0x0  }
0x22: {  	[sflag:s14] =	ssyncadd.s32 $0xFFFFD880  }
0x23: {  	[bflag:$0x0] =	sbarrier.arrive $0xFFFF  }
0x24: {  	[tilespmem:s17], [sflag:$0x1] =	stream.indirect.gather [spmem:s3], $0x20, s4, s16, $0xb8;
	[tilespmem:$0xFD00] =	vst v63  }
0x25: {  	p0 =	sne.s32 s5, $0x1;
	_ =	swait.ge [sflag:s14], $0x1000  }
.Ltmp0:
0x26: {  	[sflag:s14] =	ssyncset.done $0x0;
	(pc) =	sbr.rel @!p0 .LBB2_3-.Ltmp0, $4  }
0x27: {  	[sflag:s14] =	ssyncadd.s32 $0xFFFFF000  }
0x28: {  	[spmem:s2] =	stream.indirect.scatter.add.f32 [tilespmem:s17], [sflag:$0x1], $0x20, s19, s16, $0xb8;
	[tilespmem:$0xFD00] =	vst v63  }
0x29: {  	_ =	swait.ge [sflag:s14], $0x1000  }
0x2a: {  	s20 =	sadd.s32 $0xFFFFFFFF, s5;
	s21 =	simm.s32 $0x0;
	[sflag:s14] =	ssyncset.done $0x0  }
.LBB2_2:
0x2b: {  	[sflag:s14] =	ssyncadd.s32 $0xFFFFF000;
	s21 =	sadd.s32 $0x80, s21;
	s19 =	sadd.s32 $0x80, s19  }
0x2c: {  	[tilespmem:s17], [sflag:$0x1] =	stream.indirect.gather [spmem:s3], $0x20, s21, s16, $0xb8;
	[tilespmem:$0xFD00] =	vst v63  }
0x2d: {  	p0 =	sne.s32 s20, $0x1;
	s20 =	sadd.s32 $0xFFFFFFFF, s20;
	_ =	swait.ge [sflag:s14], $0x1000  }
.Ltmp1:
0x2e: {  	[sflag:s14] =	ssyncset.done $0x0;
	(pc) =	sbr.rel @p0 .LBB2_2-.Ltmp1, $4  }
0x2f: {  	[sflag:s14] =	ssyncadd.s32 $0xFFFFF000  }
0x30: {  	[spmem:s2] =	stream.indirect.scatter.add.f32 [tilespmem:s17], [sflag:$0x1], $0x20, s19, s16, $0xb8;
	[tilespmem:$0xFD00] =	vst v63  }
0x31: {  	_ =	swait.ge [sflag:s14], $0x1000  }
0x32: {  	[sflag:s14] =	ssyncset.done $0x0  }
.LBB2_3:
0x33: {  	s18 =	sadd.s32 $0x1, s18  }
0x34: {  	[sflag:s14] =	ssyncadd.s32 $0xFFFFF000;
	p0 =	sne.s32 s18, s12  }
.Ltmp2:
0x35: {  	[bflag:$0x0] =	sbarrier.arrive $0xFFFF;
	(pc) =	sbr.rel @p0 .LBB2_1-.Ltmp2, $4  }
0x36: {  	[hbm:s11], [sflag:s7] =	dma.local [spmem:s13], $0x9E0  }
0x37: {  	_ =	swait.ge [sflag:s14], $0x9E0  }
0x38: {  	[sflag:s14] =	ssyncset.done $0x0  }
0x39: {  	[sflag:s14] =	ssyncadd.s32 $0xFFFFF620  }
0x3a: {  	_ =	sfence.sel $0x180000  }
0x3b: {  	[bflag:$0x0] =	sbarrier.arrive $0xFFFF  }
0x3c: {  	p0 =	sne.s32 s1, $0x0;
	_ =	strace $0x90000050  }
0x3d: {  	s0 =	sadd.s32 @!p0 $0x100000, s0;
	[bflag:$0x2] =	sbarrier.arrive $0xFFFF  }
0x3e: {  	[sflag:s0] =	ssyncadd.tile.s32 @!p0 $0x1;
	_ =	shalt  }
.Lfunc_end2:
_tile_overlayer_lowered:
.L_overlay_start_2:
0x3f: {  	(tag) =	ssettag $0x2  }
0x40: {  	s0 =	rddreg [dreg:$0x0];
	s2 =	stileid.u32  }
0x41: {  	s1 =	rddreg [dreg:$0x1];
	p0 =	sne.s32 s2, $0x0  }
0x42: {  	s3 =	rddreg [dreg:$0x2];
	[bflag:$0x3] =	sbarrier.arrive $0xFFFF;
	s2 =	simm.s32 @!p0 $0x1C01  }
0x43: {  	[timem:s3], [sflag:s2] =	dma.local @!p0 [hbm:s0], s1  }
0x44: {  	s0 =	simm.s32 @!p0 $0x1  }
0x45: {  	_ =	swait.ge @!p0 [sflag:s0], s1  }
0x46: {  	s1 =	ssub.s32 @!p0 $0x0, s1;
	[sflag:s0] =	ssyncset.done @!p0 $0x0  }
0x47: {  	[sflag:s0] =	ssyncadd.s32 @!p0 s1  }
0x48: {  	[bflag:$0x3] =	sbarrier.arrive $0xFFFF  }
0x49: {  	_ =	shalt  }

// kernel: kernel.25.cloned.1.call-start
scs
__scs_entry_jumppad:
0x0: {  	(pc) =	sbr.rel $0x88, $3  }
0x1: {  	(tag) =	ssettag $0x0;
	lr =	simm.s32 $0x1  }
0x2: {  	[smem:$0x3F92] =	sst lr;
	_ =	strace $0xD0000000  }
0x3: {  	_ = 	snop  }
0x4: {  	_ = 	snop  }
0x5: {  	_ = 	snop  }
0x6: {  	_ = 	snop  }
0x7: {  	_ = 	snop  }
__scs_overlays_trampoline_lowered:
0x8: {  	[smem:$0x3FA1] =	sst s0  }
0x9: {  	[smem:$0x3FA2] =	sst s1  }
0xa: {  	[smem:$0x3FA3] =	sst s2  }
0xb: {  	[smem:$0x3FA4] =	sst s3  }
0xc: {  	[smem:$0x3FA5] =	sst s4  }
0xd: {  	[smem:$0x3FA6] =	sst s5  }
0xe: {  	[smem:$0x3FA7] =	sst s6  }
0xf: {  	[smem:$0x3FA8] =	sst s7  }
0x10: {  	[smem:$0x3FA9] =	sst s8  }
0x11: {  	[smem:$0x3FAA] =	sst s9;
	s0 =	simm.s32 @!p0 $0x0  }
0x12: {  	s1 =	sld [smem:$0x3F90];
	s0 =	simm.s32 @p0 $0x1  }
0x13: {  	[smem:$0x3FAB] =	sst s0;
	s0 =	simm.s32 @!p1 $0x0  }
0x14: {  	s2 =	sld [smem:$0x3F8F];
	s0 =	simm.s32 @p1 $0x1  }
0x15: {  	[smem:$0x3FAC] =	sst s0;
	s0 =	simm.s32 @!p2 $0x0  }
0x16: {  	s3 =	sld [smem:$0x3FDB];
	s0 =	simm.s32 @p2 $0x1  }
0x17: {  	s4 =	simm.s32 $0x1BF5;
	[smem:$0x3FAE] =	sst s0  }
0x18: {  	s0 =	sld [smem:$0x3F91];
	_ =	swait.ge [sflag:s4], $0x0  }
0x19: {  	s7 =	sld [smem:$0x3F92]  }
0x1a: {  	s8 =	sadd.s32 $0xFFFFE003, lr  }
0x1b: {  	s9 =	sadd.s32 $0xFFFFFEF7, lr;
	s5 =	simm.s32 $0xFFFFFFFF;
	p2 =	slt.u32 s8, $0xFFFFF086  }
0x1c: {  	p1 =	slt.u32 s9, $0xF7A;
	s5 =	simm.s32 @!p2 $0x0  }
0x1d: {  	s5 =	simm.s32 @p1 $0x1;
	p0 =	seq.s32 s7, s2  }
0x1e: {  	s7 =	smul.u32 @!p0 $0xF7A, s2;
	p2 =	seq.s32 @!p0 s5, $0x0  }
0x1f: {  	s9 =	smul.u32 $0xF7A, s1;
	s8 =	simm.s32 @!p0 $0x1BF5;
	p2 =	por !p2, p0  }
0x20: {  	[sflag:s8] =	ssyncset.s32 @!p0 $0xFFFFF086;
	s6 =	sadd.s32 @!p0 s3, s7;
	s7 =	simm.s32 @!p0 $0x108  }
0x21: {  	s3 =	sadd.s32 s3, s9;
	s6 =	sadd.s32 @!p0 $0x88, s6;
	s7 =	simm.s32 @p2 $0x1082  }
0x22: {  	[simem:s7], [sflag:s8] =	dma.local @!p0 [hbm:s6], $0xF7A  }
0x23: {  	s9 =	sor.u32 $0xD0000000, s2;
	s6 =	simm.s32 $0x108;
	_ =	swait.ge @!p0 [sflag:s8], $0x0  }
0x24: {  	s3 =	sadd.s32 $0x88, s3;
	s6 =	simm.s32 @!p1 $0x1082;
	[sflag:s4] =	ssyncset.s32 $0xFFFFF086  }
0x25: {  	[simem:s6], [sflag:s4] =	dma.local [hbm:s3], $0xF7A  }
0x26: {  	[smem:$0x3F92] =	sst s1;
	(tag) =	ssettag s2;
	_ =	strace s9  }
0x27: {  	s1 =	sld [smem:$0x3FA2]  }
0x28: {  	s2 =	sld [smem:$0x3FA3]  }
0x29: {  	s4 =	sld [smem:$0x3FA5]  }
0x2a: {  	p0 =	seq.s32 s5, $0x0;
	s5 =	sld [smem:$0x3FA6]  }
0x2b: {  	s6 =	sld [smem:$0x3FA7]  }
0x2c: {  	s7 =	sld [smem:$0x3FA8]  }
0x2d: {  	s3 =	simm.s32 $0x108;
	s8 =	sld [smem:$0x3FA9]  }
0x2e: {  	s3 =	simm.s32 @!p0 $0x1082;
	s9 =	sld [smem:$0x3FAA]  }
0x2f: {  	lr =	sadd.s32 s0, s3;
	s0 =	sld [smem:$0x3FA1]  }
0x30: {  	s3 =	sld [smem:$0x3FA4]  }
0x31: {  	[smem:$0x3FAD] =	sst s10  }
0x32: {  	s10 =	sld [smem:$0x3FAB];
	_ =	sdelay $0x3  }
0x33: {  	p0 =	seq.s32 s10, $0x1;
	s10 =	sld [smem:$0x3FAD];
	_ =	sdelay $0x3  }
0x34: {  	[smem:$0x3FAD] =	sst s10  }
0x35: {  	s10 =	sld [smem:$0x3FAC];
	_ =	sdelay $0x3  }
0x36: {  	p1 =	seq.s32 s10, $0x1;
	s10 =	sld [smem:$0x3FAD];
	_ =	sdelay $0x3  }
0x37: {  	[smem:$0x3FAD] =	sst s10  }
0x38: {  	s10 =	sld [smem:$0x3FAE]  }
0x39: {  	_ = 	snop;
	(pc) =	sbr.ind lr, $3  }
0x3a: {  	_ = 	snop  }
0x3b: {  	_ = 	snop  }
0x3c: {  	p2 =	seq.s32 s10, $0x1;
	s10 =	sld [smem:$0x3FAD]  }
0x3d: {  	_ =	shalt  }
0x3e: {  	_ =	shalt  }
0x3f: {  	_ =	shalt  }
0x40: {  	_ =	shalt  }
0x41: {  	_ =	shalt  }
0x42: {  	_ =	shalt  }
0x43: {  	_ =	shalt  }
0x44: {  	_ =	shalt  }
0x45: {  	_ =	shalt  }
0x46: {  	_ =	shalt  }
0x47: {  	_ =	shalt  }
0x48: {  	_ =	shalt  }
0x49: {  	_ =	shalt  }
0x4a: {  	_ =	shalt  }
0x4b: {  	_ =	shalt  }
0x4c: {  	_ =	shalt  }
0x4d: {  	_ =	shalt  }
0x4e: {  	_ =	shalt  }
0x4f: {  	_ =	shalt  }
0x50: {  	_ =	shalt  }
0x51: {  	_ =	shalt  }
0x52: {  	_ =	shalt  }
0x53: {  	_ =	shalt  }
0x54: {  	_ =	shalt  }
0x55: {  	_ =	shalt  }
0x56: {  	_ =	shalt  }
0x57: {  	_ =	shalt  }
0x58: {  	_ =	shalt  }
0x59: {  	_ =	shalt  }
0x5a: {  	_ =	shalt  }
0x5b: {  	_ =	shalt  }
0x5c: {  	_ =	shalt  }
0x5d: {  	_ =	shalt  }
0x5e: {  	_ =	shalt  }
0x5f: {  	_ =	shalt  }
0x60: {  	_ =	shalt  }
0x61: {  	_ =	shalt  }
0x62: {  	_ =	shalt  }
0x63: {  	_ =	shalt  }
0x64: {  	_ =	shalt  }
0x65: {  	_ =	shalt  }
0x66: {  	_ =	shalt  }
0x67: {  	_ =	shalt  }
0x68: {  	_ =	shalt  }
0x69: {  	_ =	shalt  }
0x6a: {  	_ =	shalt  }
0x6b: {  	_ =	shalt  }
0x6c: {  	_ =	shalt  }
0x6d: {  	_ =	shalt  }
0x6e: {  	_ =	shalt  }
0x6f: {  	_ =	shalt  }
0x70: {  	_ =	shalt  }
0x71: {  	_ =	shalt  }
0x72: {  	_ =	shalt  }
0x73: {  	_ =	shalt  }
0x74: {  	_ =	shalt  }
0x75: {  	_ =	shalt  }
0x76: {  	_ =	shalt  }
0x77: {  	_ =	shalt  }
0x78: {  	_ =	shalt  }
0x79: {  	_ =	shalt  }
0x7a: {  	_ =	shalt  }
0x7b: {  	_ =	shalt  }
0x7c: {  	_ =	shalt  }
0x7d: {  	_ =	shalt  }
0x7e: {  	_ =	shalt  }
0x7f: {  	_ =	shalt  }
0x80: {  	_ =	shalt  }
0x81: {  	_ =	shalt  }
0x82: {  	_ =	shalt  }
0x83: {  	_ =	shalt  }
0x84: {  	_ =	shalt  }
0x85: {  	_ =	shalt  }
0x86: {  	_ =	shalt  }
0x87: {  	_ =	shalt  }
.Lfunc_end0:
.L_simem_size_0:
called_computation.4_lowered:
.L_overlay_start_0:
0x88: {  	s2 =	sld [smem:$0x3FD9]  }
0x89: {  	s3 =	sld [smem:$0x3FFE];
	_ =	sdelay $0x1  }
0x8a: {  	s1 =	srdreg.scid  }
0x8b: {  	s0 =	sand.u32 $0x1, s1  }
0x8c: {  	s16 =	sshll.u32 s0, $0xA;
	s2 =	sadd.s32 s3, s2  }
0x8d: {  	s2 =	sadd.s32 s2, s16  }
0x8e: {  	[smem:$0x3FB9] =	sst s2  }
0x8f: {  	_ = 	snop  }
0x90: {  	(tm) =	ssettm $0x1  }
0x91: {  	s17 =	sld [smem:$0x3FFB];
	_ =	sdelay $0x3  }
0x92: {  	_ =	strace s17  }
0x93: {  	s2 =	sld [smem:$0x3FFC];
	_ =	sdelay $0x3  }
0x94: {  	_ =	strace s2  }
0x95: {  	s2 =	sld [smem:$0x3FFD];
	_ =	sdelay $0x3  }
0x96: {  	_ =	strace s2  }
0x97: {  	_ =	strace $0x8FFFFFFF  }
0x98: {  	s18 =	sld [smem:$0x3FDB];
	_ =	sdelay $0x1  }
0x99: {  	s19 =	simm.s32 $_scs_section_size  }
0x9a: {  	s4 =	simm.s32 $_size__tile_overlayer_lowered;
	s5 =	simm.s32 $_tile_overlayer_lowered  }
0x9b: {  	s22 =	simm.s32 $0x1BFF;
	s21 =	sshll.u32 s5, $0x1;
	s2 =	sadd.s32 s19, s18  }
0x9c: {  	s6 =	simm.s32 $0x0;
	s20 =	sshll.u32 s4, $0x1;
	s4 =	sadd.s32 s21, s2  }
0x9d: {  	[timem:s6], [sflag:s22] =	dma.local [hbm:s4], s20  }
0x9e: {  	_ =	swait.ge [sflag:s22], s20  }
0x9f: {  	s3 =	ssub.s32 $0x0, s20;
	[sflag:s22] =	ssyncset.done $0x0  }
0xa0: {  	[sflag:s22] =	ssyncadd.s32 s3;
	_ =	sdelay $0x1  }
0xa1: {  	s23 =	simm.s32 $0x1B8B  }
0xa2: {  	_ =	swait.ge [sflag:s23], $0x1  }
0xa3: {  	[sflag:s23] =	ssyncset.done $0x0  }
0xa4: {  	s25 =	simm.s32 $0x1B8E;
	s24 =	sld [smem:$0x3FFE];
	[sflag:s23] =	ssyncadd.s32 $0xFFFFFFFF  }
0xa5: {  	s26 =	simm.s32 $execute0_lowered;
	[smem:$0x3FD2] =	sst s25  }
0xa6: {  	s4 =	sshll.u32 s26, $0x1;
	_ =	strace $0x80000052;
	[dreg:$0x1] =	wrdreg $0xFFFFFFFF  }
0xa7: {  	s28 =	simm.s32 $_size_execute0_lowered;
	s2 =	sadd.s32 s2, s4;
	[dreg:$0x0] =	wrdreg $0x0  }
0xa8: {  	s4 =	sshll.u32 s28, $0x1;
	[dreg:$0x2] =	wrdreg s2  }
0xa9: {  	[dreg:$0x3] =	wrdreg s4  }
0xaa: {  	[dreg:$0x4] =	wrdreg $0xC0  }
0xab: {  	_ =	task [dreg:s6], $0x5FFFF  }
0xac: {  	[dreg:$0x1] =	wrdreg $0xFFFFFFFF  }
0xad: {  	[dreg:$0x0] =	wrdreg $0x60  }
0xae: {  	[dreg:$0x2] =	wrdreg s24  }
0xaf: {  	[dreg:$0x3] =	wrdreg $0x5F000  }
0xb0: {  	[dreg:$0x4] =	wrdreg $0xAE000  }
0xb1: {  	[dreg:$0x5] =	wrdreg $0x9  }
0xb2: {  	_ =	task.clear_ibuf [dreg:s6], $0x6FFFF;
	_ =	strace $0x90000052  }
0xb3: {  	s29 =	simm.s32 $0x9;
	_ =	strace $0x80000054  }
0xb4: {  	_ =	swait.ge [sflag:s29], $0x1  }
0xb5: {  	[sflag:s29] =	ssyncadd.s32 $0xFFFFFFFF  }
0xb6: {  	_ =	strace $0x90000054  }
0xb7: {  	_ =	sfence  }
0xb8: {  	s30 =	sld [smem:$0x0];
	_ =	sdelay $0x2  }
0xb9: {  	s31 =	sshll.u32 s1, $0xD;
	s1 =	sshrl.u32 s1, $0x2  }
0xba: {  	s3 =	sand.u32 $0x4000, s31;
	s1 =	sadd.s32 s1, s30  }
0xbb: {  	s0 =	sor.u32 s3, s0;
	s1 =	sshll.u32 s1, $0x11  }
0xbc: {  	s0 =	sor.u32 s1, s0  }
0xbd: {  	s0 =	sadd.s32 $0x8F2B, s0  }
0xbe: {  	[sflag:s0] =	ssyncadd.remote.s32 $0x1  }
0xbf: {  	_ =	sfence.sel $0xFFFF  }
0xc0: {  	[dreg:$0x0] =	wrdreg $0xFFFFFFFF;
	(pc) =	sbr.abs _section_cstart, $3  }
0xc1: {  	[dreg:$0x1] =	wrdreg $0xFFFFFFFF  }
0xc2: {  	_ =	task.clear_ibuf [dreg:s6], $0x2FFFF;
	_ =	strace $0x9FFFFFFF  }
0xc3: {  	(tm) =	ssettm $0x7FFFFFFF  }
tec
execute0_lowered:
.L_overlay_start_1:
0x0: {  	(tag) =	ssettag $0x1  }
0x1: {  	s8 =	rddreg [dreg:$0x0]  }
0x2: {  	s2 =	rddreg [dreg:$0x1]  }
0x3: {  	s3 =	rddreg [dreg:$0x2]  }
0x4: {  	s0 =	rddreg [dreg:$0x3]  }
0x5: {  	s1 =	stileid.u32;
	s4 =	simm.s32 $0x0;
	s5 =	srdreg.scid  }
0x6: {  	s16 =	simm.s32 $0x80;
	s17 =	simm.s32 $0x4F00;
	s18 =	simm.s32 $0x0  }
0x7: {  	s9 =	smul.u32 $0x4F00, s1;
	[smem:$0x7FF] =	sst s4;
	s5 =	sand.u32 $0x1, s5  }
0x8: {  	s31 =	sshll.u32 s1, $0x6;
	s7 =	smul.u32 $0x4F000, s5;
	s10 =	sshll.u32 s5, $0x4  }
0x9: {  	_ =	strace $0x80000053;
	s5 =	ssub.s32 $0x2, s5;
	s6 =	sshrl.u32 s9, $0x3  }
0xa: {  	s28 =	sor.u32 s1, s10;
	s12 =	sshrl.u32 s5, $0x1;
	s30 =	sadd.s32 s9, s2  }
0xb: {  	s15 =	sadd.s32 s9, s3;
	s11 =	sadd.s32 s6, s8;
	s7 =	sadd.s32 s9, s7  }
0xc: {  	s10 =	smul.u32 $0x4E, s28;
	s13 =	smax.u32 s28, $0x1C;
	s12 =	ssub.s32 s5, s12  }
0xd: {  	p0 =	sgt.u32 s28, $0x1B;
	s5 =	simm.s32 $0x4F;
	s15 =	sshrl.u32 s15, $0x3  }
0xe: {  	s7 =	sshrl.u32 s7, $0x3;
	s5 =	simm.s32 @!p0 $0x4E;
	s6 =	sadd.s32 $0x22600, s11  }
0xf: {  	s12 =	smax.u32 s12, $0x1;
	s14 =	sadd.s32 s7, s8;
	s29 =	sadd.s32 s10, s13  }
0x10: {  	s7 =	sor.u32 $0x1C01, s31;
	s13 =	sshrl.u32 s30, $0x3;
	s10 =	sshll.u32 s29, $0x4  }
0x11: {  	s10 =	sadd.s32 s8, s10;
	s8 =	sadd.s32 $0x18800, s11;
	s11 =	sadd.s32 $0x2C400, s14  }
0x12: {  	s14 =	simm.s32 $0x1;
	s9 =	sadd.s32 $0x4A40, s10;
	s10 =	sadd.s32 $0xE840, s10  }
.LBB2_1:
0x13: {  	[spmem:s13], [sflag:s7] =	dma.local [hbm:s6], $0x9E0  }
0x14: {  	_ =	swait.ge [sflag:s14], $0x9E0  }
0x15: {  	[sflag:s14] =	ssyncset.done $0x0  }
0x16: {  	[sflag:s14] =	ssyncadd.s32 $0xFFFFF620  }
0x17: {  	[spmem:s15], [sflag:s7] =	dma.local [hbm:s8], $0x9E0  }
0x18: {  	_ =	swait.ge [sflag:s14], $0x9E0  }
0x19: {  	[sflag:s14] =	ssyncset.done $0x0  }
0x1a: {  	[sflag:s14] =	ssyncadd.s32 $0xFFFFF620  }
0x1b: {  	[tilespmem:s4], [sflag:$0x1] =	stream.linear.gather [hbm4b:s9+s4], $0x2780, $0x38;
	[tilespmem:$0xFD00] =	vst v63  }
0x1c: {  	_ =	swait.ge [sflag:s14], $0x2780  }
0x1d: {  	[sflag:s14] =	ssyncset.done $0x0  }
0x1e: {  	s19 =	simm.s32 $0x2780;
	[sflag:s14] =	ssyncadd.s32 $0xFFFFD880  }
0x1f: {  	[tilespmem:s19], [sflag:$0x1] =	stream.linear.gather [hbm4b:s10+s4], $0x2780, $0x38;
	[tilespmem:$0xFD00] =	vst v63  }
0x20: {  	_ =	swait.ge [sflag:s14], $0x2780  }
0x21: {  	[sflag:s14] =	ssyncset.done $0x0  }
0x22: {  	[sflag:s14] =	ssyncadd.s32 $0xFFFFD880  }
0x23: {  	[bflag:$0x0] =	sbarrier.arrive $0xFFFF  }
0x24: {  	[tilespmem:s17], [sflag:$0x1] =	stream.indirect.gather [spmem:s3], $0x20, s4, s16, $0xb8;
	[tilespmem:$0xFD00] =	vst v63  }
0x25: {  	p0 =	sne.s32 s5, $0x1;
	_ =	swait.ge [sflag:s14], $0x1000  }
.Ltmp0:
0x26: {  	[sflag:s14] =	ssyncset.done $0x0;
	(pc) =	sbr.rel @!p0 .LBB2_3-.Ltmp0, $4  }
0x27: {  	[sflag:s14] =	ssyncadd.s32 $0xFFFFF000  }
0x28: {  	[spmem:s2] =	stream.indirect.scatter.add.f32 [tilespmem:s17], [sflag:$0x1], $0x20, s19, s16, $0xb8;
	[tilespmem:$0xFD00] =	vst v63  }
0x29: {  	_ =	swait.ge [sflag:s14], $0x1000  }
0x2a: {  	s20 =	sadd.s32 $0xFFFFFFFF, s5;
	s21 =	simm.s32 $0x0;
	[sflag:s14] =	ssyncset.done $0x0  }
.LBB2_2:
0x2b: {  	[sflag:s14] =	ssyncadd.s32 $0xFFFFF000;
	s21 =	sadd.s32 $0x80, s21;
	s19 =	sadd.s32 $0x80, s19  }
0x2c: {  	[tilespmem:s17], [sflag:$0x1] =	stream.indirect.gather [spmem:s3], $0x20, s21, s16, $0xb8;
	[tilespmem:$0xFD00] =	vst v63  }
0x2d: {  	p0 =	sne.s32 s20, $0x1;
	s20 =	sadd.s32 $0xFFFFFFFF, s20;
	_ =	swait.ge [sflag:s14], $0x1000  }
.Ltmp1:
0x2e: {  	[sflag:s14] =	ssyncset.done $0x0;
	(pc) =	sbr.rel @p0 .LBB2_2-.Ltmp1, $4  }
0x2f: {  	[sflag:s14] =	ssyncadd.s32 $0xFFFFF000  }
0x30: {  	[spmem:s2] =	stream.indirect.scatter.add.f32 [tilespmem:s17], [sflag:$0x1], $0x20, s19, s16, $0xb8;
	[tilespmem:$0xFD00] =	vst v63  }
0x31: {  	_ =	swait.ge [sflag:s14], $0x1000  }
0x32: {  	[sflag:s14] =	ssyncset.done $0x0  }
.LBB2_3:
0x33: {  	s18 =	sadd.s32 $0x1, s18  }
0x34: {  	[sflag:s14] =	ssyncadd.s32 $0xFFFFF000;
	p0 =	sne.s32 s18, s12  }
.Ltmp2:
0x35: {  	[bflag:$0x0] =	sbarrier.arrive $0xFFFF;
	(pc) =	sbr.rel @p0 .LBB2_1-.Ltmp2, $4  }
0x36: {  	[hbm:s11], [sflag:s7] =	dma.local [spmem:s13], $0x9E0  }
0x37: {  	_ =	swait.ge [sflag:s14], $0x9E0  }
0x38: {  	[sflag:s14] =	ssyncset.done $0x0  }
0x39: {  	[sflag:s14] =	ssyncadd.s32 $0xFFFFF620  }
0x3a: {  	_ =	sfence.sel $0x180000  }
0x3b: {  	[bflag:$0x0] =	sbarrier.arrive $0xFFFF  }
0x3c: {  	p0 =	sne.s32 s1, $0x0;
	_ =	strace $0x90000053  }
0x3d: {  	s0 =	sadd.s32 @!p0 $0x100000, s0;
	[bflag:$0x2] =	sbarrier.arrive $0xFFFF  }
0x3e: {  	[sflag:s0] =	ssyncadd.tile.s32 @!p0 $0x1;
	_ =	shalt  }
.Lfunc_end2:
_tile_overlayer_lowered:
.L_overlay_start_2:
0x3f: {  	(tag) =	ssettag $0x2  }
0x40: {  	s0 =	rddreg [dreg:$0x0];
	s2 =	stileid.u32  }
0x41: {  	s1 =	rddreg [dreg:$0x1];
	p0 =	sne.s32 s2, $0x0  }
0x42: {  	s3 =	rddreg [dreg:$0x2];
	[bflag:$0x3] =	sbarrier.arrive $0xFFFF;
	s2 =	simm.s32 @!p0 $0x1C01  }
0x43: {  	[timem:s3], [sflag:s2] =	dma.local @!p0 [hbm:s0], s1  }
0x44: {  	s0 =	simm.s32 @!p0 $0x1  }
0x45: {  	_ =	swait.ge @!p0 [sflag:s0], s1  }
0x46: {  	s1 =	ssub.s32 @!p0 $0x0, s1;
	[sflag:s0] =	ssyncset.done @!p0 $0x0  }
0x47: {  	[sflag:s0] =	ssyncadd.s32 @!p0 s1  }
0x48: {  	[bflag:$0x3] =	sbarrier.arrive $0xFFFF  }
0x49: {  	_ =	shalt  }

</sc_bundles>
